<compile_context>
chip_gen: v7x
topology: tpu7x:2x2x1
jax: 0.10.2.dev20260603
libtpu: 0.0.44.dev20260713+nightly
codegen_flags: <defaults>
</compile_context>

<pallas_src>
import functools

import jax
import jax.numpy as jnp
from jax import lax
from jax.experimental import pallas as pl
from jax.experimental.pallas import tpu as pltpu
from jax.experimental.pallas import tpu_sc as plsc

B, C, H, W = 16, 3, 512, 512
P = H * W
K = 64
NW = 32
ROWS_PER_CHUNK = 16
ROWS_PER_W = H // 2
CHUNKS_PER_W = ROWS_PER_W // ROWS_PER_CHUNK


def _sc_segment_body(i_hbm, t_hbm, m_hbm, out_sum, out_cnt,
                     i_buf, t_buf, m_buf, bins, cnts, sem0, sem1):
    wid = lax.axis_index("s") * 2 + lax.axis_index("c")
    b = wid // 2
    row0 = (wid % 2) * ROWS_PER_W
    lane = lax.iota(jnp.int32, 16)
    zeros16 = jnp.zeros((16,), jnp.float32)
    ones16 = jnp.ones((16,), jnp.float32)

    for j in range(16 * K // 16):
        bins[pl.ds(j * 16, 16)] = zeros16
        cnts[pl.ds(j * 16, 16)] = zeros16

    def start(c, half, sem):
        r = row0 + c * ROWS_PER_CHUNK
        for ch in range(C):
            pltpu.make_async_copy(
                i_hbm.at[b, ch, pl.ds(r, ROWS_PER_CHUNK)],
                i_buf.at[half, ch], sem).start()
            pltpu.make_async_copy(
                t_hbm.at[b, ch, pl.ds(r, ROWS_PER_CHUNK)],
                t_buf.at[half, ch], sem).start()
        pltpu.make_async_copy(
            m_hbm.at[b, pl.ds(r, ROWS_PER_CHUNK)], m_buf.at[half], sem).start()

    def wait(half, sem):
        for ch in range(C):
            pltpu.make_async_copy(
                i_hbm.at[b, ch, pl.ds(row0, ROWS_PER_CHUNK)],
                i_buf.at[half, ch], sem).wait()
            pltpu.make_async_copy(
                t_hbm.at[b, ch, pl.ds(row0, ROWS_PER_CHUNK)],
                t_buf.at[half, ch], sem).wait()
        pltpu.make_async_copy(
            m_hbm.at[b, pl.ds(row0, ROWS_PER_CHUNK)], m_buf.at[half], sem).wait()

    vecs_per_row = W // 16

    def process(half):
        @plsc.parallel_loop(0, ROWS_PER_CHUNK * vecs_per_row, unroll=8)
        def body(g):
            j = lax.shift_right_logical(g, 5)
            off = lax.shift_left(lax.bitwise_and(g, vecs_per_row - 1), 4)
            mv = m_buf[half, j, pl.ds(off, 16)]
            d = jnp.abs(i_buf[half, 0, j, pl.ds(off, 16)]
                        - t_buf[half, 0, j, pl.ds(off, 16)])
            d = d + jnp.abs(i_buf[half, 1, j, pl.ds(off, 16)]
                            - t_buf[half, 1, j, pl.ds(off, 16)])
            d = d + jnp.abs(i_buf[half, 2, j, pl.ds(off, 16)]
                            - t_buf[half, 2, j, pl.ds(off, 16)])
            idx = lane + lax.shift_left(mv, 4)
            plsc.addupdate_scatter(bins, [idx], d)
            plsc.addupdate_scatter(cnts, [idx], ones16)

    start(0, 0, sem0)

    def outer(cp, _):
        start(2 * cp + 1, 1, sem1)
        wait(0, sem0)
        process(0)

        @pl.when(cp < CHUNKS_PER_W // 2 - 1)
        def _():
            start(2 * cp + 2, 0, sem0)

        wait(1, sem1)
        process(1)
        return 0

    lax.fori_loop(0, CHUNKS_PER_W // 2, outer, 0)

    pltpu.sync_copy(bins, out_sum.at[wid])
    pltpu.sync_copy(cnts, out_cnt.at[wid])


def _sc_segment(inp, tgt, m_bhw):
    kern = functools.partial(
        pl.kernel,
        out_type=[
            jax.ShapeDtypeStruct((NW, 16 * K), jnp.float32),
            jax.ShapeDtypeStruct((NW, 16 * K), jnp.float32),
        ],
        mesh=plsc.VectorSubcoreMesh(core_axis_name="c", subcore_axis_name="s"),
        compiler_params=pltpu.CompilerParams(needs_layout_passes=False),
        scratch_types=[
            pltpu.VMEM((2, C, ROWS_PER_CHUNK, W), jnp.float32),
            pltpu.VMEM((2, C, ROWS_PER_CHUNK, W), jnp.float32),
            pltpu.VMEM((2, ROWS_PER_CHUNK, W), jnp.int32),
            pltpu.VMEM((16 * K,), jnp.float32),
            pltpu.VMEM((16 * K,), jnp.float32),
            pltpu.SemaphoreType.DMA,
            pltpu.SemaphoreType.DMA,
        ],
    )(_sc_segment_body)
    return kern(inp, tgt, m_bhw)


def _combine_body(su_ref, cn_ref, o_ref):
    su = jnp.sum(su_ref[...], axis=2)
    cn = jnp.sum(cn_ref[...], axis=2)
    rs = jnp.stack([su[2 * b] + su[2 * b + 1] for b in range(B)])
    rc = jnp.stack([cn[2 * b] + cn[2 * b + 1] for b in range(B)])
    avg = rs / jnp.maximum(rc * float(C), 1.0)
    total = jnp.sum(rs)
    mw = jnp.max(avg)
    extra = jnp.sum(avg * rs)
    extra = jnp.where(mw > 0.0, extra / mw, 0.0)
    o_ref[0, 0] = (total + extra) / float(B * C * P)


def _combine(sums, cnts):
    return pl.pallas_call(
        _combine_body,
        in_specs=[
            pl.BlockSpec(memory_space=pltpu.VMEM),
            pl.BlockSpec(memory_space=pltpu.VMEM),
        ],
        out_specs=pl.BlockSpec(memory_space=pltpu.SMEM),
        out_shape=jax.ShapeDtypeStruct((1, 1), jnp.float32),
    )(sums, cnts)


@jax.jit
def kernel(input, target, mask):
    sums, cnts = _sc_segment(input, target, mask.astype(jnp.int32))
    out = _combine(sums.reshape(NW, K, 16), cnts.reshape(NW, K, 16))
    return out.reshape(())

# --- scband reference (transcript-rebuilt; emitter-appended) ---
"""Pipeline reference for scband-focal-region-loss-35673998361264 (READ-ONLY COPY).

The authoritative reference and input builder live on the scoring server;
editing this copy changes nothing except your own understanding.
"""

import jax, jax.numpy as jnp
import numpy as np

BETA = 1.0
K_REGIONS = 64  # matches fill_max of mask


def setup_inputs(seed: int = 0) -> dict:
    key = jax.random.key(seed)
    k1, k2, k3 = jax.random.split(key, 3)
    B, C, H, W = 16, 3, 512, 512
    inp = jax.random.normal(k1, (B, C, H, W), dtype=jnp.float32)
    tgt = jax.random.normal(k2, (B, C, H, W), dtype=jnp.float32)
    mask = jax.random.randint(k3, (B, H, W), 0, K_REGIONS, dtype=jnp.int64)
    return {"input": inp, "target": tgt, "mask": mask}


def reference(input, target, mask):
    # per-pixel L1 (reduction='none')
    lm = jnp.abs(input - target)
    B, C, H, W = lm.shape
    P = H * W
    lm_flat = lm.reshape(B, C, P)
    m = mask.reshape(B, P).astype(jnp.int32)
    # offset region ids per batch so a single segment_sum handles all images
    seg = (m + jnp.arange(B, dtype=jnp.int32)[:, None] * K_REGIONS).reshape(-1)
    # sum over channels first; region mean averages over channels AND pixels
    s = lm_flat.sum(axis=1).reshape(-1)
    region_sum = jax.ops.segment_sum(s, seg, num_segments=B * K_REGIONS)
    region_cnt = jax.ops.segment_sum(jnp.ones_like(s), seg, num_segments=B * K_REGIONS)
    avg = region_sum / jnp.maximum(region_cnt * C, 1.0)
    # broadcast per-region mean back to every pixel/channel (weight[b,:,region] = avg)
    weight_p = avg[seg].reshape(B, P)
    weight = jnp.broadcast_to(weight_p[:, None, :], (B, C, P)).reshape(B, C, H, W)
    # weight was built from a detached clone in the torch code
    weight = jax.lax.stop_gradient(weight)
    max_w = jnp.max(weight)
    weight = jnp.where(max_w > 0, weight / max_w, weight)
    weight = jnp.clip(weight, 0.0, 1.0)
    return jnp.mean(lm * (weight * BETA + 1.0))

if __name__ == "__main__":
    import jax
    _d = setup_inputs()
    print(jax.jit(kernel)(*tuple(_d.values())))

</pallas_src>

<mosaic_0001>
#map = affine_map<(d0, d1) -> (0, 0, 0, 0)>
#map1 = affine_map<(d0, d1) -> (0, 0, 0)>
#map2 = affine_map<(d0, d1) -> (0, 0)>
module attributes {stable_mosaic.version = 14 : i64} {
  func.func @_sc_segment_body(%arg0: i32, %arg1: i32, %arg2: memref<16x3x512x512xf32, #tpu.memory_space<hbm>>, %arg3: memref<16x3x512x512xf32, #tpu.memory_space<hbm>>, %arg4: memref<16x512x512xi32, #tpu.memory_space<hbm>>, %arg5: memref<32x1024xf32, #tpu.memory_space<hbm>>, %arg6: memref<32x1024xf32, #tpu.memory_space<hbm>>, %arg7: memref<2x3x16x512xf32, #tpu.memory_space<vmem>>, %arg8: memref<2x3x16x512xf32, #tpu.memory_space<vmem>>, %arg9: memref<2x16x512xi32, #tpu.memory_space<vmem>>, %arg10: memref<1024xf32, #tpu.memory_space<vmem>>, %arg11: memref<1024xf32, #tpu.memory_space<vmem>>, %arg12: memref<!tpu.dma_semaphore, #tpu.memory_space<semaphore_mem>>, %arg13: memref<!tpu.dma_semaphore, #tpu.memory_space<semaphore_mem>>) attributes {dimension_semantics = [#tpu.dimension_semantics<core_parallel>, #tpu.dimension_semantics<subcore_parallel>], iteration_bounds = array<i64: 2, 16>, scalar_prefetch = 0 : i64, scratch_operands = 7 : i64, tpu.core_type = #tpu.core_type<sc_vector_subcore>, window_params = [{transform_indices = #map}, {transform_indices = #map}, {transform_indices = #map1}, {transform_indices = #map2}, {transform_indices = #map2}]} {
    %mul3A = arith.constant 2 : i32
    %mul3A_0 = arith.muli %arg1, %mul3A : i32
    %add3A = arith.addi %mul3A_0, %arg0 : i32
    %jit3A = arith.constant 2 : i32
    %div3A = arith.divsi %add3A, %jit3A : i32
    %sign3A = arith.constant 0 : i32
    %sign3A_1 = arith.cmpi sgt, %add3A, %sign3A : i32
    %sign3A_2 = arith.extui %sign3A_1 : i1 to i32
    %sign3A_3 = arith.constant 0 : i32
    %sign3A_4 = arith.cmpi slt, %add3A, %sign3A_3 : i32
    %sign3A_5 = arith.extui %sign3A_4 : i1 to i32
    %sign3A_6 = arith.subi %sign3A_2, %sign3A_5 : i32
    %sign3A_7 = arith.constant 0 : i32
    %sign3A_8 = arith.cmpi sgt, %jit3A, %sign3A_7 : i32
    %sign3A_9 = arith.extui %sign3A_8 : i1 to i32
    %sign3A_10 = arith.constant 0 : i32
    %sign3A_11 = arith.cmpi slt, %jit3A, %sign3A_10 : i32
    %sign3A_12 = arith.extui %sign3A_11 : i1 to i32
    %sign3A_13 = arith.subi %sign3A_9, %sign3A_12 : i32
    %ne3A = arith.cmpi ne, %sign3A_6, %sign3A_13 : i32
    %rem3A = arith.remsi %add3A, %jit3A : i32
    %ne3A_14 = arith.constant 0 : i32
    %ne3A_15 = arith.cmpi ne, %rem3A, %ne3A_14 : i32
    %and3A = arith.andi %ne3A, %ne3A_15 : i1
    %sub3A = arith.constant 1 : i32
    %sub3A_16 = arith.subi %div3A, %sub3A : i32
    %select_n3A = arith.select %and3A, %sub3A_16, %div3A : i32
    %jit3A_17 = arith.constant 2 : i32
    %eq3A = arith.constant 0 : i32
    %eq3A_18 = arith.cmpi eq, %jit3A_17, %eq3A : i32
    %jit3A_19 = arith.constant 1 : i32
    %select_n3A_20 = arith.select %eq3A_18, %jit3A_19, %jit3A_17 : i32
    %rem3A_21 = arith.remsi %add3A, %select_n3A_20 : i32
    %ne3A_22 = arith.constant 0 : i32
    %ne3A_23 = arith.cmpi ne, %rem3A_21, %ne3A_22 : i32
    %lt3A = arith.constant 0 : i32
    %lt3A_24 = arith.cmpi slt, %rem3A_21, %lt3A : i32
    %lt3A_25 = arith.constant 0 : i32
    %lt3A_26 = arith.cmpi slt, %select_n3A_20, %lt3A_25 : i32
    %ne3A_27 = arith.xori %lt3A_24, %lt3A_26 : i1
    %and3A_28 = arith.andi %ne3A_27, %ne3A_23 : i1
    %add3A_29 = arith.addi %rem3A_21, %select_n3A_20 : i32
    %select_n3A_30 = arith.select %and3A_28, %add3A_29, %rem3A_21 : i32
    %mul3A_31 = arith.constant 256 : i32
    %mul3A_32 = arith.muli %select_n3A_30, %mul3A_31 : i32
    %iota3A = tpu.iota {dimensions = array<i32: 0>} : vector<16xi32>
    %broadcast_in_dim3A = arith.constant 0.000000e+00 : f32
    %broadcast_in_dim3A_33 = vector.broadcast %broadcast_in_dim3A : f32 to vector<16xf32>
    %broadcast_in_dim3A_34 = arith.constant 1.000000e+00 : f32
    %broadcast_in_dim3A_35 = vector.broadcast %broadcast_in_dim3A_34 : f32 to vector<16xf32>
    %swap3A = arith.constant 0 : index
    %swap3A_36 = tpu.vector_load %arg10[%swap3A] {strides = array<i32>} : memref<1024xf32, #tpu.memory_space<vmem>>, vector<16xf32>,
    tpu.vector_store %arg10[%swap3A], %broadcast_in_dim3A_33 {strides = array<i32>} : memref<1024xf32, #tpu.memory_space<vmem>>, vector<16xf32>,
    %swap3A_37 = arith.constant 0 : index
    %swap3A_38 = tpu.vector_load %arg11[%swap3A_37] {strides = array<i32>} : memref<1024xf32, #tpu.memory_space<vmem>>, vector<16xf32>,
    tpu.vector_store %arg11[%swap3A_37], %broadcast_in_dim3A_33 {strides = array<i32>} : memref<1024xf32, #tpu.memory_space<vmem>>, vector<16xf32>,
    %swap3A_39 = arith.constant 16 : index
    %swap3A_40 = tpu.vector_load %arg10[%swap3A_39] {strides = array<i32>} : memref<1024xf32, #tpu.memory_space<vmem>>, vector<16xf32>,
    tpu.vector_store %arg10[%swap3A_39], %broadcast_in_dim3A_33 {strides = array<i32>} : memref<1024xf32, #tpu.memory_space<vmem>>, vector<16xf32>,
    %swap3A_41 = arith.constant 16 : index
    %swap3A_42 = tpu.vector_load %arg11[%swap3A_41] {strides = array<i32>} : memref<1024xf32, #tpu.memory_space<vmem>>, vector<16xf32>,
    tpu.vector_store %arg11[%swap3A_41], %broadcast_in_dim3A_33 {strides = array<i32>} : memref<1024xf32, #tpu.memory_space<vmem>>, vector<16xf32>,
    %swap3A_43 = arith.constant 32 : index
    %swap3A_44 = tpu.vector_load %arg10[%swap3A_43] {strides = array<i32>} : memref<1024xf32, #tpu.memory_space<vmem>>, vector<16xf32>,
    tpu.vector_store %arg10[%swap3A_43], %broadcast_in_dim3A_33 {strides = array<i32>} : memref<1024xf32, #tpu.memory_space<vmem>>, vector<16xf32>,
    %swap3A_45 = arith.constant 32 : index
    %swap3A_46 = tpu.vector_load %arg11[%swap3A_45] {strides = array<i32>} : memref<1024xf32, #tpu.memory_space<vmem>>, vector<16xf32>,
    tpu.vector_store %arg11[%swap3A_45], %broadcast_in_dim3A_33 {strides = array<i32>} : memref<1024xf32, #tpu.memory_space<vmem>>, vector<16xf32>,
    %swap3A_47 = arith.constant 48 : index
    %swap3A_48 = tpu.vector_load %arg10[%swap3A_47] {strides = array<i32>} : memref<1024xf32, #tpu.memory_space<vmem>>, vector<16xf32>,
    tpu.vector_store %arg10[%swap3A_47], %broadcast_in_dim3A_33 {strides = array<i32>} : memref<1024xf32, #tpu.memory_space<vmem>>, vector<16xf32>,
    %swap3A_49 = arith.constant 48 : index
    %swap3A_50 = tpu.vector_load %arg11[%swap3A_49] {strides = array<i32>} : memref<1024xf32, #tpu.memory_space<vmem>>, vector<16xf32>,
    tpu.vector_store %arg11[%swap3A_49], %broadcast_in_dim3A_33 {strides = array<i32>} : memref<1024xf32, #tpu.memory_space<vmem>>, vector<16xf32>,
    %swap3A_51 = arith.constant 64 : index
    %swap3A_52 = tpu.vector_load %arg10[%swap3A_51] {strides = array<i32>} : memref<1024xf32, #tpu.memory_space<vmem>>, vector<16xf32>,
    tpu.vector_store %arg10[%swap3A_51], %broadcast_in_dim3A_33 {strides = array<i32>} : memref<1024xf32, #tpu.memory_space<vmem>>, vector<16xf32>,
    %swap3A_53 = arith.constant 64 : index
    %swap3A_54 = tpu.vector_load %arg11[%swap3A_53] {strides = array<i32>} : memref<1024xf32, #tpu.memory_space<vmem>>, vector<16xf32>,
    tpu.vector_store %arg11[%swap3A_53], %broadcast_in_dim3A_33 {strides = array<i32>} : memref<1024xf32, #tpu.memory_space<vmem>>, vector<16xf32>,
    %swap3A_55 = arith.constant 80 : index
    %swap3A_56 = tpu.vector_load %arg10[%swap3A_55] {strides = array<i32>} : memref<1024xf32, #tpu.memory_space<vmem>>, vector<16xf32>,
    tpu.vector_store %arg10[%swap3A_55], %broadcast_in_dim3A_33 {strides = array<i32>} : memref<1024xf32, #tpu.memory_space<vmem>>, vector<16xf32>,
    %swap3A_57 = arith.constant 80 : index
    %swap3A_58 = tpu.vector_load %arg11[%swap3A_57] {strides = array<i32>} : memref<1024xf32, #tpu.memory_space<vmem>>, vector<16xf32>,
    tpu.vector_store %arg11[%swap3A_57], %broadcast_in_dim3A_33 {strides = array<i32>} : memref<1024xf32, #tpu.memory_space<vmem>>, vector<16xf32>,
    %swap3A_59 = arith.constant 96 : index
    %swap3A_60 = tpu.vector_load %arg10[%swap3A_59] {strides = array<i32>} : memref<1024xf32, #tpu.memory_space<vmem>>, vector<16xf32>,
    tpu.vector_store %arg10[%swap3A_59], %broadcast_in_dim3A_33 {strides = array<i32>} : memref<1024xf32, #tpu.memory_space<vmem>>, vector<16xf32>,
    %swap3A_61 = arith.constant 96 : index
    %swap3A_62 = tpu.vector_load %arg11[%swap3A_61] {strides = array<i32>} : memref<1024xf32, #tpu.memory_space<vmem>>, vector<16xf32>,
    tpu.vector_store %arg11[%swap3A_61], %broadcast_in_dim3A_33 {strides = array<i32>} : memref<1024xf32, #tpu.memory_space<vmem>>, vector<16xf32>,
    %swap3A_63 = arith.constant 112 : index
    %swap3A_64 = tpu.vector_load %arg10[%swap3A_63] {strides = array<i32>} : memref<1024xf32, #tpu.memory_space<vmem>>, vector<16xf32>,
    tpu.vector_store %arg10[%swap3A_63], %broadcast_in_dim3A_33 {strides = array<i32>} : memref<1024xf32, #tpu.memory_space<vmem>>, vector<16xf32>,
    %swap3A_65 = arith.constant 112 : index
    %swap3A_66 = tpu.vector_load %arg11[%swap3A_65] {strides = array<i32>} : memref<1024xf32, #tpu.memory_space<vmem>>, vector<16xf32>,
    tpu.vector_store %arg11[%swap3A_65], %broadcast_in_dim3A_33 {strides = array<i32>} : memref<1024xf32, #tpu.memory_space<vmem>>, vector<16xf32>,
    %swap3A_67 = arith.constant 128 : index
    %swap3A_68 = tpu.vector_load %arg10[%swap3A_67] {strides = array<i32>} : memref<1024xf32, #tpu.memory_space<vmem>>, vector<16xf32>,
    tpu.vector_store %arg10[%swap3A_67], %broadcast_in_dim3A_33 {strides = array<i32>} : memref<1024xf32, #tpu.memory_space<vmem>>, vector<16xf32>,
    %swap3A_69 = arith.constant 128 : index
    %swap3A_70 = tpu.vector_load %arg11[%swap3A_69] {strides = array<i32>} : memref<1024xf32, #tpu.memory_space<vmem>>, vector<16xf32>,
    tpu.vector_store %arg11[%swap3A_69], %broadcast_in_dim3A_33 {strides = array<i32>} : memref<1024xf32, #tpu.memory_space<vmem>>, vector<16xf32>,
    %swap3A_71 = arith.constant 144 : index
    %swap3A_72 = tpu.vector_load %arg10[%swap3A_71] {strides = array<i32>} : memref<1024xf32, #tpu.memory_space<vmem>>, vector<16xf32>,
    tpu.vector_store %arg10[%swap3A_71], %broadcast_in_dim3A_33 {strides = array<i32>} : memref<1024xf32, #tpu.memory_space<vmem>>, vector<16xf32>,
    %swap3A_73 = arith.constant 144 : index
    %swap3A_74 = tpu.vector_load %arg11[%swap3A_73] {strides = array<i32>} : memref<1024xf32, #tpu.memory_space<vmem>>, vector<16xf32>,
    tpu.vector_store %arg11[%swap3A_73], %broadcast_in_dim3A_33 {strides = array<i32>} : memref<1024xf32, #tpu.memory_space<vmem>>, vector<16xf32>,
    %swap3A_75 = arith.constant 160 : index
    %swap3A_76 = tpu.vector_load %arg10[%swap3A_75] {strides = array<i32>} : memref<1024xf32, #tpu.memory_space<vmem>>, vector<16xf32>,
    tpu.vector_store %arg10[%swap3A_75], %broadcast_in_dim3A_33 {strides = array<i32>} : memref<1024xf32, #tpu.memory_space<vmem>>, vector<16xf32>,
    %swap3A_77 = arith.constant 160 : index
    %swap3A_78 = tpu.vector_load %arg11[%swap3A_77] {strides = array<i32>} : memref<1024xf32, #tpu.memory_space<vmem>>, vector<16xf32>,
    tpu.vector_store %arg11[%swap3A_77], %broadcast_in_dim3A_33 {strides = array<i32>} : memref<1024xf32, #tpu.memory_space<vmem>>, vector<16xf32>,
    %swap3A_79 = arith.constant 176 : index
    %swap3A_80 = tpu.vector_load %arg10[%swap3A_79] {strides = array<i32>} : memref<1024xf32, #tpu.memory_space<vmem>>, vector<16xf32>,
    tpu.vector_store %arg10[%swap3A_79], %broadcast_in_dim3A_33 {strides = array<i32>} : memref<1024xf32, #tpu.memory_space<vmem>>, vector<16xf32>,
    %swap3A_81 = arith.constant 176 : index
    %swap3A_82 = tpu.vector_load %arg11[%swap3A_81] {strides = array<i32>} : memref<1024xf32, #tpu.memory_space<vmem>>, vector<16xf32>,
    tpu.vector_store %arg11[%swap3A_81], %broadcast_in_dim3A_33 {strides = array<i32>} : memref<1024xf32, #tpu.memory_space<vmem>>, vector<16xf32>,
    %swap3A_83 = arith.constant 192 : index
    %swap3A_84 = tpu.vector_load %arg10[%swap3A_83] {strides = array<i32>} : memref<1024xf32, #tpu.memory_space<vmem>>, vector<16xf32>,
    tpu.vector_store %arg10[%swap3A_83], %broadcast_in_dim3A_33 {strides = array<i32>} : memref<1024xf32, #tpu.memory_space<vmem>>, vector<16xf32>,
    %swap3A_85 = arith.constant 192 : index
    %swap3A_86 = tpu.vector_load %arg11[%swap3A_85] {strides = array<i32>} : memref<1024xf32, #tpu.memory_space<vmem>>, vector<16xf32>,
    tpu.vector_store %arg11[%swap3A_85], %broadcast_in_dim3A_33 {strides = array<i32>} : memref<1024xf32, #tpu.memory_space<vmem>>, vector<16xf32>,
    %swap3A_87 = arith.constant 208 : index
    %swap3A_88 = tpu.vector_load %arg10[%swap3A_87] {strides = array<i32>} : memref<1024xf32, #tpu.memory_space<vmem>>, vector<16xf32>,
    tpu.vector_store %arg10[%swap3A_87], %broadcast_in_dim3A_33 {strides = array<i32>} : memref<1024xf32, #tpu.memory_space<vmem>>, vector<16xf32>,
    %swap3A_89 = arith.constant 208 : index
    %swap3A_90 = tpu.vector_load %arg11[%swap3A_89] {strides = array<i32>} : memref<1024xf32, #tpu.memory_space<vmem>>, vector<16xf32>,
    tpu.vector_store %arg11[%swap3A_89], %broadcast_in_dim3A_33 {strides = array<i32>} : memref<1024xf32, #tpu.memory_space<vmem>>, vector<16xf32>,
    %swap3A_91 = arith.constant 224 : index
    %swap3A_92 = tpu.vector_load %arg10[%swap3A_91] {strides = array<i32>} : memref<1024xf32, #tpu.memory_space<vmem>>, vector<16xf32>,
    tpu.vector_store %arg10[%swap3A_91], %broadcast_in_dim3A_33 {strides = array<i32>} : memref<1024xf32, #tpu.memory_space<vmem>>, vector<16xf32>,
    %swap3A_93 = arith.constant 224 : index
    %swap3A_94 = tpu.vector_load %arg11[%swap3A_93] {strides = array<i32>} : memref<1024xf32, #tpu.memory_space<vmem>>, vector<16xf32>,
    tpu.vector_store %arg11[%swap3A_93], %broadcast_in_dim3A_33 {strides = array<i32>} : memref<1024xf32, #tpu.memory_space<vmem>>, vector<16xf32>,
    %swap3A_95 = arith.constant 240 : index
    %swap3A_96 = tpu.vector_load %arg10[%swap3A_95] {strides = array<i32>} : memref<1024xf32, #tpu.memory_space<vmem>>, vector<16xf32>,
    tpu.vector_store %arg10[%swap3A_95], %broadcast_in_dim3A_33 {strides = array<i32>} : memref<1024xf32, #tpu.memory_space<vmem>>, vector<16xf32>,
    %swap3A_97 = arith.constant 240 : index
    %swap3A_98 = tpu.vector_load %arg11[%swap3A_97] {strides = array<i32>} : memref<1024xf32, #tpu.memory_space<vmem>>, vector<16xf32>,
    tpu.vector_store %arg11[%swap3A_97], %broadcast_in_dim3A_33 {strides = array<i32>} : memref<1024xf32, #tpu.memory_space<vmem>>, vector<16xf32>,
    %swap3A_99 = arith.constant 256 : index
    %swap3A_100 = tpu.vector_load %arg10[%swap3A_99] {strides = array<i32>} : memref<1024xf32, #tpu.memory_space<vmem>>, vector<16xf32>,
    tpu.vector_store %arg10[%swap3A_99], %broadcast_in_dim3A_33 {strides = array<i32>} : memref<1024xf32, #tpu.memory_space<vmem>>, vector<16xf32>,
    %swap3A_101 = arith.constant 256 : index
    %swap3A_102 = tpu.vector_load %arg11[%swap3A_101] {strides = array<i32>} : memref<1024xf32, #tpu.memory_space<vmem>>, vector<16xf32>,
    tpu.vector_store %arg11[%swap3A_101], %broadcast_in_dim3A_33 {strides = array<i32>} : memref<1024xf32, #tpu.memory_space<vmem>>, vector<16xf32>,
    %swap3A_103 = arith.constant 272 : index
    %swap3A_104 = tpu.vector_load %arg10[%swap3A_103] {strides = array<i32>} : memref<1024xf32, #tpu.memory_space<vmem>>, vector<16xf32>,
    tpu.vector_store %arg10[%swap3A_103], %broadcast_in_dim3A_33 {strides = array<i32>} : memref<1024xf32, #tpu.memory_space<vmem>>, vector<16xf32>,
    %swap3A_105 = arith.constant 272 : index
    %swap3A_106 = tpu.vector_load %arg11[%swap3A_105] {strides = array<i32>} : memref<1024xf32, #tpu.memory_space<vmem>>, vector<16xf32>,
    tpu.vector_store %arg11[%swap3A_105], %broadcast_in_dim3A_33 {strides = array<i32>} : memref<1024xf32, #tpu.memory_space<vmem>>, vector<16xf32>,
    %swap3A_107 = arith.constant 288 : index
    %swap3A_108 = tpu.vector_load %arg10[%swap3A_107] {strides = array<i32>} : memref<1024xf32, #tpu.memory_space<vmem>>, vector<16xf32>,
    tpu.vector_store %arg10[%swap3A_107], %broadcast_in_dim3A_33 {strides = array<i32>} : memref<1024xf32, #tpu.memory_space<vmem>>, vector<16xf32>,
    %swap3A_109 = arith.constant 288 : index
    %swap3A_110 = tpu.vector_load %arg11[%swap3A_109] {strides = array<i32>} : memref<1024xf32, #tpu.memory_space<vmem>>, vector<16xf32>,
    tpu.vector_store %arg11[%swap3A_109], %broadcast_in_dim3A_33 {strides = array<i32>} : memref<1024xf32, #tpu.memory_space<vmem>>, vector<16xf32>,
    %swap3A_111 = arith.constant 304 : index
    %swap3A_112 = tpu.vector_load %arg10[%swap3A_111] {strides = array<i32>} : memref<1024xf32, #tpu.memory_space<vmem>>, vector<16xf32>,
    tpu.vector_store %arg10[%swap3A_111], %broadcast_in_dim3A_33 {strides = array<i32>} : memref<1024xf32, #tpu.memory_space<vmem>>, vector<16xf32>,
    %swap3A_113 = arith.constant 304 : index
    %swap3A_114 = tpu.vector_load %arg11[%swap3A_113] {strides = array<i32>} : memref<1024xf32, #tpu.memory_space<vmem>>, vector<16xf32>,
    tpu.vector_store %arg11[%swap3A_113], %broadcast_in_dim3A_33 {strides = array<i32>} : memref<1024xf32, #tpu.memory_space<vmem>>, vector<16xf32>,
    %swap3A_115 = arith.constant 320 : index
    %swap3A_116 = tpu.vector_load %arg10[%swap3A_115] {strides = array<i32>} : memref<1024xf32, #tpu.memory_space<vmem>>, vector<16xf32>,
    tpu.vector_store %arg10[%swap3A_115], %broadcast_in_dim3A_33 {strides = array<i32>} : memref<1024xf32, #tpu.memory_space<vmem>>, vector<16xf32>,
    %swap3A_117 = arith.constant 320 : index
    %swap3A_118 = tpu.vector_load %arg11[%swap3A_117] {strides = array<i32>} : memref<1024xf32, #tpu.memory_space<vmem>>, vector<16xf32>,
    tpu.vector_store %arg11[%swap3A_117], %broadcast_in_dim3A_33 {strides = array<i32>} : memref<1024xf32, #tpu.memory_space<vmem>>, vector<16xf32>,
    %swap3A_119 = arith.constant 336 : index
    %swap3A_120 = tpu.vector_load %arg10[%swap3A_119] {strides = array<i32>} : memref<1024xf32, #tpu.memory_space<vmem>>, vector<16xf32>,
    tpu.vector_store %arg10[%swap3A_119], %broadcast_in_dim3A_33 {strides = array<i32>} : memref<1024xf32, #tpu.memory_space<vmem>>, vector<16xf32>,
    %swap3A_121 = arith.constant 336 : index
    %swap3A_122 = tpu.vector_load %arg11[%swap3A_121] {strides = array<i32>} : memref<1024xf32, #tpu.memory_space<vmem>>, vector<16xf32>,
    tpu.vector_store %arg11[%swap3A_121], %broadcast_in_dim3A_33 {strides = array<i32>} : memref<1024xf32, #tpu.memory_space<vmem>>, vector<16xf32>,
    %swap3A_123 = arith.constant 352 : index
    %swap3A_124 = tpu.vector_load %arg10[%swap3A_123] {strides = array<i32>} : memref<1024xf32, #tpu.memory_space<vmem>>, vector<16xf32>,
    tpu.vector_store %arg10[%swap3A_123], %broadcast_in_dim3A_33 {strides = array<i32>} : memref<1024xf32, #tpu.memory_space<vmem>>, vector<16xf32>,
    %swap3A_125 = arith.constant 352 : index
    %swap3A_126 = tpu.vector_load %arg11[%swap3A_125] {strides = array<i32>} : memref<1024xf32, #tpu.memory_space<vmem>>, vector<16xf32>,
    tpu.vector_store %arg11[%swap3A_125], %broadcast_in_dim3A_33 {strides = array<i32>} : memref<1024xf32, #tpu.memory_space<vmem>>, vector<16xf32>,
    %swap3A_127 = arith.constant 368 : index
    %swap3A_128 = tpu.vector_load %arg10[%swap3A_127] {strides = array<i32>} : memref<1024xf32, #tpu.memory_space<vmem>>, vector<16xf32>,
    tpu.vector_store %arg10[%swap3A_127], %broadcast_in_dim3A_33 {strides = array<i32>} : memref<1024xf32, #tpu.memory_space<vmem>>, vector<16xf32>,
    %swap3A_129 = arith.constant 368 : index
    %swap3A_130 = tpu.vector_load %arg11[%swap3A_129] {strides = array<i32>} : memref<1024xf32, #tpu.memory_space<vmem>>, vector<16xf32>,
    tpu.vector_store %arg11[%swap3A_129], %broadcast_in_dim3A_33 {strides = array<i32>} : memref<1024xf32, #tpu.memory_space<vmem>>, vector<16xf32>,
    %swap3A_131 = arith.constant 384 : index
    %swap3A_132 = tpu.vector_load %arg10[%swap3A_131] {strides = array<i32>} : memref<1024xf32, #tpu.memory_space<vmem>>, vector<16xf32>,
    tpu.vector_store %arg10[%swap3A_131], %broadcast_in_dim3A_33 {strides = array<i32>} : memref<1024xf32, #tpu.memory_space<vmem>>, vector<16xf32>,
    %swap3A_133 = arith.constant 384 : index
    %swap3A_134 = tpu.vector_load %arg11[%swap3A_133] {strides = array<i32>} : memref<1024xf32, #tpu.memory_space<vmem>>, vector<16xf32>,
    tpu.vector_store %arg11[%swap3A_133], %broadcast_in_dim3A_33 {strides = array<i32>} : memref<1024xf32, #tpu.memory_space<vmem>>, vector<16xf32>,
    %swap3A_135 = arith.constant 400 : index
    %swap3A_136 = tpu.vector_load %arg10[%swap3A_135] {strides = array<i32>} : memref<1024xf32, #tpu.memory_space<vmem>>, vector<16xf32>,
    tpu.vector_store %arg10[%swap3A_135], %broadcast_in_dim3A_33 {strides = array<i32>} : memref<1024xf32, #tpu.memory_space<vmem>>, vector<16xf32>,
    %swap3A_137 = arith.constant 400 : index
    %swap3A_138 = tpu.vector_load %arg11[%swap3A_137] {strides = array<i32>} : memref<1024xf32, #tpu.memory_space<vmem>>, vector<16xf32>,
    tpu.vector_store %arg11[%swap3A_137], %broadcast_in_dim3A_33 {strides = array<i32>} : memref<1024xf32, #tpu.memory_space<vmem>>, vector<16xf32>,
    %swap3A_139 = arith.constant 416 : index
    %swap3A_140 = tpu.vector_load %arg10[%swap3A_139] {strides = array<i32>} : memref<1024xf32, #tpu.memory_space<vmem>>, vector<16xf32>,
    tpu.vector_store %arg10[%swap3A_139], %broadcast_in_dim3A_33 {strides = array<i32>} : memref<1024xf32, #tpu.memory_space<vmem>>, vector<16xf32>,
    %swap3A_141 = arith.constant 416 : index
    %swap3A_142 = tpu.vector_load %arg11[%swap3A_141] {strides = array<i32>} : memref<1024xf32, #tpu.memory_space<vmem>>, vector<16xf32>,
    tpu.vector_store %arg11[%swap3A_141], %broadcast_in_dim3A_33 {strides = array<i32>} : memref<1024xf32, #tpu.memory_space<vmem>>, vector<16xf32>,
    %swap3A_143 = arith.constant 432 : index
    %swap3A_144 = tpu.vector_load %arg10[%swap3A_143] {strides = array<i32>} : memref<1024xf32, #tpu.memory_space<vmem>>, vector<16xf32>,
    tpu.vector_store %arg10[%swap3A_143], %broadcast_in_dim3A_33 {strides = array<i32>} : memref<1024xf32, #tpu.memory_space<vmem>>, vector<16xf32>,
    %swap3A_145 = arith.constant 432 : index
    %swap3A_146 = tpu.vector_load %arg11[%swap3A_145] {strides = array<i32>} : memref<1024xf32, #tpu.memory_space<vmem>>, vector<16xf32>,
    tpu.vector_store %arg11[%swap3A_145], %broadcast_in_dim3A_33 {strides = array<i32>} : memref<1024xf32, #tpu.memory_space<vmem>>, vector<16xf32>,
    %swap3A_147 = arith.constant 448 : index
    %swap3A_148 = tpu.vector_load %arg10[%swap3A_147] {strides = array<i32>} : memref<1024xf32, #tpu.memory_space<vmem>>, vector<16xf32>,
    tpu.vector_store %arg10[%swap3A_147], %broadcast_in_dim3A_33 {strides = array<i32>} : memref<1024xf32, #tpu.memory_space<vmem>>, vector<16xf32>,
    %swap3A_149 = arith.constant 448 : index
    %swap3A_150 = tpu.vector_load %arg11[%swap3A_149] {strides = array<i32>} : memref<1024xf32, #tpu.memory_space<vmem>>, vector<16xf32>,
    tpu.vector_store %arg11[%swap3A_149], %broadcast_in_dim3A_33 {strides = array<i32>} : memref<1024xf32, #tpu.memory_space<vmem>>, vector<16xf32>,
    %swap3A_151 = arith.constant 464 : index
    %swap3A_152 = tpu.vector_load %arg10[%swap3A_151] {strides = array<i32>} : memref<1024xf32, #tpu.memory_space<vmem>>, vector<16xf32>,
    tpu.vector_store %arg10[%swap3A_151], %broadcast_in_dim3A_33 {strides = array<i32>} : memref<1024xf32, #tpu.memory_space<vmem>>, vector<16xf32>,
    %swap3A_153 = arith.constant 464 : index
    %swap3A_154 = tpu.vector_load %arg11[%swap3A_153] {strides = array<i32>} : memref<1024xf32, #tpu.memory_space<vmem>>, vector<16xf32>,
    tpu.vector_store %arg11[%swap3A_153], %broadcast_in_dim3A_33 {strides = array<i32>} : memref<1024xf32, #tpu.memory_space<vmem>>, vector<16xf32>,
    %swap3A_155 = arith.constant 480 : index
    %swap3A_156 = tpu.vector_load %arg10[%swap3A_155] {strides = array<i32>} : memref<1024xf32, #tpu.memory_space<vmem>>, vector<16xf32>,
    tpu.vector_store %arg10[%swap3A_155], %broadcast_in_dim3A_33 {strides = array<i32>} : memref<1024xf32, #tpu.memory_space<vmem>>, vector<16xf32>,
    %swap3A_157 = arith.constant 480 : index
    %swap3A_158 = tpu.vector_load %arg11[%swap3A_157] {strides = array<i32>} : memref<1024xf32, #tpu.memory_space<vmem>>, vector<16xf32>,
    tpu.vector_store %arg11[%swap3A_157], %broadcast_in_dim3A_33 {strides = array<i32>} : memref<1024xf32, #tpu.memory_space<vmem>>, vector<16xf32>,
    %swap3A_159 = arith.constant 496 : index
    %swap3A_160 = tpu.vector_load %arg10[%swap3A_159] {strides = array<i32>} : memref<1024xf32, #tpu.memory_space<vmem>>, vector<16xf32>,
    tpu.vector_store %arg10[%swap3A_159], %broadcast_in_dim3A_33 {strides = array<i32>} : memref<1024xf32, #tpu.memory_space<vmem>>, vector<16xf32>,
    %swap3A_161 = arith.constant 496 : index
    %swap3A_162 = tpu.vector_load %arg11[%swap3A_161] {strides = array<i32>} : memref<1024xf32, #tpu.memory_space<vmem>>, vector<16xf32>,
    tpu.vector_store %arg11[%swap3A_161], %broadcast_in_dim3A_33 {strides = array<i32>} : memref<1024xf32, #tpu.memory_space<vmem>>, vector<16xf32>,
    %swap3A_163 = arith.constant 512 : index
    %swap3A_164 = tpu.vector_load %arg10[%swap3A_163] {strides = array<i32>} : memref<1024xf32, #tpu.memory_space<vmem>>, vector<16xf32>,
    tpu.vector_store %arg10[%swap3A_163], %broadcast_in_dim3A_33 {strides = array<i32>} : memref<1024xf32, #tpu.memory_space<vmem>>, vector<16xf32>,
    %swap3A_165 = arith.constant 512 : index
    %swap3A_166 = tpu.vector_load %arg11[%swap3A_165] {strides = array<i32>} : memref<1024xf32, #tpu.memory_space<vmem>>, vector<16xf32>,
    tpu.vector_store %arg11[%swap3A_165], %broadcast_in_dim3A_33 {strides = array<i32>} : memref<1024xf32, #tpu.memory_space<vmem>>, vector<16xf32>,
    %swap3A_167 = arith.constant 528 : index
    %swap3A_168 = tpu.vector_load %arg10[%swap3A_167] {strides = array<i32>} : memref<1024xf32, #tpu.memory_space<vmem>>, vector<16xf32>,
    tpu.vector_store %arg10[%swap3A_167], %broadcast_in_dim3A_33 {strides = array<i32>} : memref<1024xf32, #tpu.memory_space<vmem>>, vector<16xf32>,
    %swap3A_169 = arith.constant 528 : index
    %swap3A_170 = tpu.vector_load %arg11[%swap3A_169] {strides = array<i32>} : memref<1024xf32, #tpu.memory_space<vmem>>, vector<16xf32>,
    tpu.vector_store %arg11[%swap3A_169], %broadcast_in_dim3A_33 {strides = array<i32>} : memref<1024xf32, #tpu.memory_space<vmem>>, vector<16xf32>,
    %swap3A_171 = arith.constant 544 : index
    %swap3A_172 = tpu.vector_load %arg10[%swap3A_171] {strides = array<i32>} : memref<1024xf32, #tpu.memory_space<vmem>>, vector<16xf32>,
    tpu.vector_store %arg10[%swap3A_171], %broadcast_in_dim3A_33 {strides = array<i32>} : memref<1024xf32, #tpu.memory_space<vmem>>, vector<16xf32>,
    %swap3A_173 = arith.constant 544 : index
    %swap3A_174 = tpu.vector_load %arg11[%swap3A_173] {strides = array<i32>} : memref<1024xf32, #tpu.memory_space<vmem>>, vector<16xf32>,
    tpu.vector_store %arg11[%swap3A_173], %broadcast_in_dim3A_33 {strides = array<i32>} : memref<1024xf32, #tpu.memory_space<vmem>>, vector<16xf32>,
    %swap3A_175 = arith.constant 560 : index
    %swap3A_176 = tpu.vector_load %arg10[%swap3A_175] {strides = array<i32>} : memref<1024xf32, #tpu.memory_space<vmem>>, vector<16xf32>,
    tpu.vector_store %arg10[%swap3A_175], %broadcast_in_dim3A_33 {strides = array<i32>} : memref<1024xf32, #tpu.memory_space<vmem>>, vector<16xf32>,
    %swap3A_177 = arith.constant 560 : index
    %swap3A_178 = tpu.vector_load %arg11[%swap3A_177] {strides = array<i32>} : memref<1024xf32, #tpu.memory_space<vmem>>, vector<16xf32>,
    tpu.vector_store %arg11[%swap3A_177], %broadcast_in_dim3A_33 {strides = array<i32>} : memref<1024xf32, #tpu.memory_space<vmem>>, vector<16xf32>,
    %swap3A_179 = arith.constant 576 : index
    %swap3A_180 = tpu.vector_load %arg10[%swap3A_179] {strides = array<i32>} : memref<1024xf32, #tpu.memory_space<vmem>>, vector<16xf32>,
    tpu.vector_store %arg10[%swap3A_179], %broadcast_in_dim3A_33 {strides = array<i32>} : memref<1024xf32, #tpu.memory_space<vmem>>, vector<16xf32>,
    %swap3A_181 = arith.constant 576 : index
    %swap3A_182 = tpu.vector_load %arg11[%swap3A_181] {strides = array<i32>} : memref<1024xf32, #tpu.memory_space<vmem>>, vector<16xf32>,
    tpu.vector_store %arg11[%swap3A_181], %broadcast_in_dim3A_33 {strides = array<i32>} : memref<1024xf32, #tpu.memory_space<vmem>>, vector<16xf32>,
    %swap3A_183 = arith.constant 592 : index
    %swap3A_184 = tpu.vector_load %arg10[%swap3A_183] {strides = array<i32>} : memref<1024xf32, #tpu.memory_space<vmem>>, vector<16xf32>,
    tpu.vector_store %arg10[%swap3A_183], %broadcast_in_dim3A_33 {strides = array<i32>} : memref<1024xf32, #tpu.memory_space<vmem>>, vector<16xf32>,
    %swap3A_185 = arith.constant 592 : index
    %swap3A_186 = tpu.vector_load %arg11[%swap3A_185] {strides = array<i32>} : memref<1024xf32, #tpu.memory_space<vmem>>, vector<16xf32>,
    tpu.vector_store %arg11[%swap3A_185], %broadcast_in_dim3A_33 {strides = array<i32>} : memref<1024xf32, #tpu.memory_space<vmem>>, vector<16xf32>,
    %swap3A_187 = arith.constant 608 : index
    %swap3A_188 = tpu.vector_load %arg10[%swap3A_187] {strides = array<i32>} : memref<1024xf32, #tpu.memory_space<vmem>>, vector<16xf32>,
    tpu.vector_store %arg10[%swap3A_187], %broadcast_in_dim3A_33 {strides = array<i32>} : memref<1024xf32, #tpu.memory_space<vmem>>, vector<16xf32>,
    %swap3A_189 = arith.constant 608 : index
    %swap3A_190 = tpu.vector_load %arg11[%swap3A_189] {strides = array<i32>} : memref<1024xf32, #tpu.memory_space<vmem>>, vector<16xf32>,
    tpu.vector_store %arg11[%swap3A_189], %broadcast_in_dim3A_33 {strides = array<i32>} : memref<1024xf32, #tpu.memory_space<vmem>>, vector<16xf32>,
    %swap3A_191 = arith.constant 624 : index
    %swap3A_192 = tpu.vector_load %arg10[%swap3A_191] {strides = array<i32>} : memref<1024xf32, #tpu.memory_space<vmem>>, vector<16xf32>,
    tpu.vector_store %arg10[%swap3A_191], %broadcast_in_dim3A_33 {strides = array<i32>} : memref<1024xf32, #tpu.memory_space<vmem>>, vector<16xf32>,
    %swap3A_193 = arith.constant 624 : index
    %swap3A_194 = tpu.vector_load %arg11[%swap3A_193] {strides = array<i32>} : memref<1024xf32, #tpu.memory_space<vmem>>, vector<16xf32>,
    tpu.vector_store %arg11[%swap3A_193], %broadcast_in_dim3A_33 {strides = array<i32>} : memref<1024xf32, #tpu.memory_space<vmem>>, vector<16xf32>,
    %swap3A_195 = arith.constant 640 : index
    %swap3A_196 = tpu.vector_load %arg10[%swap3A_195] {strides = array<i32>} : memref<1024xf32, #tpu.memory_space<vmem>>, vector<16xf32>,
    tpu.vector_store %arg10[%swap3A_195], %broadcast_in_dim3A_33 {strides = array<i32>} : memref<1024xf32, #tpu.memory_space<vmem>>, vector<16xf32>,
    %swap3A_197 = arith.constant 640 : index
    %swap3A_198 = tpu.vector_load %arg11[%swap3A_197] {strides = array<i32>} : memref<1024xf32, #tpu.memory_space<vmem>>, vector<16xf32>,
    tpu.vector_store %arg11[%swap3A_197], %broadcast_in_dim3A_33 {strides = array<i32>} : memref<1024xf32, #tpu.memory_space<vmem>>, vector<16xf32>,
    %swap3A_199 = arith.constant 656 : index
    %swap3A_200 = tpu.vector_load %arg10[%swap3A_199] {strides = array<i32>} : memref<1024xf32, #tpu.memory_space<vmem>>, vector<16xf32>,
    tpu.vector_store %arg10[%swap3A_199], %broadcast_in_dim3A_33 {strides = array<i32>} : memref<1024xf32, #tpu.memory_space<vmem>>, vector<16xf32>,
    %swap3A_201 = arith.constant 656 : index
    %swap3A_202 = tpu.vector_load %arg11[%swap3A_201] {strides = array<i32>} : memref<1024xf32, #tpu.memory_space<vmem>>, vector<16xf32>,
    tpu.vector_store %arg11[%swap3A_201], %broadcast_in_dim3A_33 {strides = array<i32>} : memref<1024xf32, #tpu.memory_space<vmem>>, vector<16xf32>,
    %swap3A_203 = arith.constant 672 : index
    %swap3A_204 = tpu.vector_load %arg10[%swap3A_203] {strides = array<i32>} : memref<1024xf32, #tpu.memory_space<vmem>>, vector<16xf32>,
    tpu.vector_store %arg10[%swap3A_203], %broadcast_in_dim3A_33 {strides = array<i32>} : memref<1024xf32, #tpu.memory_space<vmem>>, vector<16xf32>,
    %swap3A_205 = arith.constant 672 : index
    %swap3A_206 = tpu.vector_load %arg11[%swap3A_205] {strides = array<i32>} : memref<1024xf32, #tpu.memory_space<vmem>>, vector<16xf32>,
    tpu.vector_store %arg11[%swap3A_205], %broadcast_in_dim3A_33 {strides = array<i32>} : memref<1024xf32, #tpu.memory_space<vmem>>, vector<16xf32>,
    %swap3A_207 = arith.constant 688 : index
    %swap3A_208 = tpu.vector_load %arg10[%swap3A_207] {strides = array<i32>} : memref<1024xf32, #tpu.memory_space<vmem>>, vector<16xf32>,
    tpu.vector_store %arg10[%swap3A_207], %broadcast_in_dim3A_33 {strides = array<i32>} : memref<1024xf32, #tpu.memory_space<vmem>>, vector<16xf32>,
    %swap3A_209 = arith.constant 688 : index
    %swap3A_210 = tpu.vector_load %arg11[%swap3A_209] {strides = array<i32>} : memref<1024xf32, #tpu.memory_space<vmem>>, vector<16xf32>,
    tpu.vector_store %arg11[%swap3A_209], %broadcast_in_dim3A_33 {strides = array<i32>} : memref<1024xf32, #tpu.memory_space<vmem>>, vector<16xf32>,
    %swap3A_211 = arith.constant 704 : index
    %swap3A_212 = tpu.vector_load %arg10[%swap3A_211] {strides = array<i32>} : memref<1024xf32, #tpu.memory_space<vmem>>, vector<16xf32>,
    tpu.vector_store %arg10[%swap3A_211], %broadcast_in_dim3A_33 {strides = array<i32>} : memref<1024xf32, #tpu.memory_space<vmem>>, vector<16xf32>,
    %swap3A_213 = arith.constant 704 : index
    %swap3A_214 = tpu.vector_load %arg11[%swap3A_213] {strides = array<i32>} : memref<1024xf32, #tpu.memory_space<vmem>>, vector<16xf32>,
    tpu.vector_store %arg11[%swap3A_213], %broadcast_in_dim3A_33 {strides = array<i32>} : memref<1024xf32, #tpu.memory_space<vmem>>, vector<16xf32>,
    %swap3A_215 = arith.constant 720 : index
    %swap3A_216 = tpu.vector_load %arg10[%swap3A_215] {strides = array<i32>} : memref<1024xf32, #tpu.memory_space<vmem>>, vector<16xf32>,
    tpu.vector_store %arg10[%swap3A_215], %broadcast_in_dim3A_33 {strides = array<i32>} : memref<1024xf32, #tpu.memory_space<vmem>>, vector<16xf32>,
    %swap3A_217 = arith.constant 720 : index
    %swap3A_218 = tpu.vector_load %arg11[%swap3A_217] {strides = array<i32>} : memref<1024xf32, #tpu.memory_space<vmem>>, vector<16xf32>,
    tpu.vector_store %arg11[%swap3A_217], %broadcast_in_dim3A_33 {strides = array<i32>} : memref<1024xf32, #tpu.memory_space<vmem>>, vector<16xf32>,
    %swap3A_219 = arith.constant 736 : index
    %swap3A_220 = tpu.vector_load %arg10[%swap3A_219] {strides = array<i32>} : memref<1024xf32, #tpu.memory_space<vmem>>, vector<16xf32>,
    tpu.vector_store %arg10[%swap3A_219], %broadcast_in_dim3A_33 {strides = array<i32>} : memref<1024xf32, #tpu.memory_space<vmem>>, vector<16xf32>,
    %swap3A_221 = arith.constant 736 : index
    %swap3A_222 = tpu.vector_load %arg11[%swap3A_221] {strides = array<i32>} : memref<1024xf32, #tpu.memory_space<vmem>>, vector<16xf32>,
    tpu.vector_store %arg11[%swap3A_221], %broadcast_in_dim3A_33 {strides = array<i32>} : memref<1024xf32, #tpu.memory_space<vmem>>, vector<16xf32>,
    %swap3A_223 = arith.constant 752 : index
    %swap3A_224 = tpu.vector_load %arg10[%swap3A_223] {strides = array<i32>} : memref<1024xf32, #tpu.memory_space<vmem>>, vector<16xf32>,
    tpu.vector_store %arg10[%swap3A_223], %broadcast_in_dim3A_33 {strides = array<i32>} : memref<1024xf32, #tpu.memory_space<vmem>>, vector<16xf32>,
    %swap3A_225 = arith.constant 752 : index
    %swap3A_226 = tpu.vector_load %arg11[%swap3A_225] {strides = array<i32>} : memref<1024xf32, #tpu.memory_space<vmem>>, vector<16xf32>,
    tpu.vector_store %arg11[%swap3A_225], %broadcast_in_dim3A_33 {strides = array<i32>} : memref<1024xf32, #tpu.memory_space<vmem>>, vector<16xf32>,
    %swap3A_227 = arith.constant 768 : index
    %swap3A_228 = tpu.vector_load %arg10[%swap3A_227] {strides = array<i32>} : memref<1024xf32, #tpu.memory_space<vmem>>, vector<16xf32>,
    tpu.vector_store %arg10[%swap3A_227], %broadcast_in_dim3A_33 {strides = array<i32>} : memref<1024xf32, #tpu.memory_space<vmem>>, vector<16xf32>,
    %swap3A_229 = arith.constant 768 : index
    %swap3A_230 = tpu.vector_load %arg11[%swap3A_229] {strides = array<i32>} : memref<1024xf32, #tpu.memory_space<vmem>>, vector<16xf32>,
    tpu.vector_store %arg11[%swap3A_229], %broadcast_in_dim3A_33 {strides = array<i32>} : memref<1024xf32, #tpu.memory_space<vmem>>, vector<16xf32>,
    %swap3A_231 = arith.constant 784 : index
    %swap3A_232 = tpu.vector_load %arg10[%swap3A_231] {strides = array<i32>} : memref<1024xf32, #tpu.memory_space<vmem>>, vector<16xf32>,
    tpu.vector_store %arg10[%swap3A_231], %broadcast_in_dim3A_33 {strides = array<i32>} : memref<1024xf32, #tpu.memory_space<vmem>>, vector<16xf32>,
    %swap3A_233 = arith.constant 784 : index
    %swap3A_234 = tpu.vector_load %arg11[%swap3A_233] {strides = array<i32>} : memref<1024xf32, #tpu.memory_space<vmem>>, vector<16xf32>,
    tpu.vector_store %arg11[%swap3A_233], %broadcast_in_dim3A_33 {strides = array<i32>} : memref<1024xf32, #tpu.memory_space<vmem>>, vector<16xf32>,
    %swap3A_235 = arith.constant 800 : index
    %swap3A_236 = tpu.vector_load %arg10[%swap3A_235] {strides = array<i32>} : memref<1024xf32, #tpu.memory_space<vmem>>, vector<16xf32>,
    tpu.vector_store %arg10[%swap3A_235], %broadcast_in_dim3A_33 {strides = array<i32>} : memref<1024xf32, #tpu.memory_space<vmem>>, vector<16xf32>,
    %swap3A_237 = arith.constant 800 : index
    %swap3A_238 = tpu.vector_load %arg11[%swap3A_237] {strides = array<i32>} : memref<1024xf32, #tpu.memory_space<vmem>>, vector<16xf32>,
    tpu.vector_store %arg11[%swap3A_237], %broadcast_in_dim3A_33 {strides = array<i32>} : memref<1024xf32, #tpu.memory_space<vmem>>, vector<16xf32>,
    %swap3A_239 = arith.constant 816 : index
    %swap3A_240 = tpu.vector_load %arg10[%swap3A_239] {strides = array<i32>} : memref<1024xf32, #tpu.memory_space<vmem>>, vector<16xf32>,
    tpu.vector_store %arg10[%swap3A_239], %broadcast_in_dim3A_33 {strides = array<i32>} : memref<1024xf32, #tpu.memory_space<vmem>>, vector<16xf32>,
    %swap3A_241 = arith.constant 816 : index
    %swap3A_242 = tpu.vector_load %arg11[%swap3A_241] {strides = array<i32>} : memref<1024xf32, #tpu.memory_space<vmem>>, vector<16xf32>,
    tpu.vector_store %arg11[%swap3A_241], %broadcast_in_dim3A_33 {strides = array<i32>} : memref<1024xf32, #tpu.memory_space<vmem>>, vector<16xf32>,
    %swap3A_243 = arith.constant 832 : index
    %swap3A_244 = tpu.vector_load %arg10[%swap3A_243] {strides = array<i32>} : memref<1024xf32, #tpu.memory_space<vmem>>, vector<16xf32>,
    tpu.vector_store %arg10[%swap3A_243], %broadcast_in_dim3A_33 {strides = array<i32>} : memref<1024xf32, #tpu.memory_space<vmem>>, vector<16xf32>,
    %swap3A_245 = arith.constant 832 : index
    %swap3A_246 = tpu.vector_load %arg11[%swap3A_245] {strides = array<i32>} : memref<1024xf32, #tpu.memory_space<vmem>>, vector<16xf32>,
    tpu.vector_store %arg11[%swap3A_245], %broadcast_in_dim3A_33 {strides = array<i32>} : memref<1024xf32, #tpu.memory_space<vmem>>, vector<16xf32>,
    %swap3A_247 = arith.constant 848 : index
    %swap3A_248 = tpu.vector_load %arg10[%swap3A_247] {strides = array<i32>} : memref<1024xf32, #tpu.memory_space<vmem>>, vector<16xf32>,
    tpu.vector_store %arg10[%swap3A_247], %broadcast_in_dim3A_33 {strides = array<i32>} : memref<1024xf32, #tpu.memory_space<vmem>>, vector<16xf32>,
    %swap3A_249 = arith.constant 848 : index
    %swap3A_250 = tpu.vector_load %arg11[%swap3A_249] {strides = array<i32>} : memref<1024xf32, #tpu.memory_space<vmem>>, vector<16xf32>,
    tpu.vector_store %arg11[%swap3A_249], %broadcast_in_dim3A_33 {strides = array<i32>} : memref<1024xf32, #tpu.memory_space<vmem>>, vector<16xf32>,
    %swap3A_251 = arith.constant 864 : index
    %swap3A_252 = tpu.vector_load %arg10[%swap3A_251] {strides = array<i32>} : memref<1024xf32, #tpu.memory_space<vmem>>, vector<16xf32>,
    tpu.vector_store %arg10[%swap3A_251], %broadcast_in_dim3A_33 {strides = array<i32>} : memref<1024xf32, #tpu.memory_space<vmem>>, vector<16xf32>,
    %swap3A_253 = arith.constant 864 : index
    %swap3A_254 = tpu.vector_load %arg11[%swap3A_253] {strides = array<i32>} : memref<1024xf32, #tpu.memory_space<vmem>>, vector<16xf32>,
    tpu.vector_store %arg11[%swap3A_253], %broadcast_in_dim3A_33 {strides = array<i32>} : memref<1024xf32, #tpu.memory_space<vmem>>, vector<16xf32>,
    %swap3A_255 = arith.constant 880 : index
    %swap3A_256 = tpu.vector_load %arg10[%swap3A_255] {strides = array<i32>} : memref<1024xf32, #tpu.memory_space<vmem>>, vector<16xf32>,
    tpu.vector_store %arg10[%swap3A_255], %broadcast_in_dim3A_33 {strides = array<i32>} : memref<1024xf32, #tpu.memory_space<vmem>>, vector<16xf32>,
    %swap3A_257 = arith.constant 880 : index
    %swap3A_258 = tpu.vector_load %arg11[%swap3A_257] {strides = array<i32>} : memref<1024xf32, #tpu.memory_space<vmem>>, vector<16xf32>,
    tpu.vector_store %arg11[%swap3A_257], %broadcast_in_dim3A_33 {strides = array<i32>} : memref<1024xf32, #tpu.memory_space<vmem>>, vector<16xf32>,
    %swap3A_259 = arith.constant 896 : index
    %swap3A_260 = tpu.vector_load %arg10[%swap3A_259] {strides = array<i32>} : memref<1024xf32, #tpu.memory_space<vmem>>, vector<16xf32>,
    tpu.vector_store %arg10[%swap3A_259], %broadcast_in_dim3A_33 {strides = array<i32>} : memref<1024xf32, #tpu.memory_space<vmem>>, vector<16xf32>,
    %swap3A_261 = arith.constant 896 : index
    %swap3A_262 = tpu.vector_load %arg11[%swap3A_261] {strides = array<i32>} : memref<1024xf32, #tpu.memory_space<vmem>>, vector<16xf32>,
    tpu.vector_store %arg11[%swap3A_261], %broadcast_in_dim3A_33 {strides = array<i32>} : memref<1024xf32, #tpu.memory_space<vmem>>, vector<16xf32>,
    %swap3A_263 = arith.constant 912 : index
    %swap3A_264 = tpu.vector_load %arg10[%swap3A_263] {strides = array<i32>} : memref<1024xf32, #tpu.memory_space<vmem>>, vector<16xf32>,
    tpu.vector_store %arg10[%swap3A_263], %broadcast_in_dim3A_33 {strides = array<i32>} : memref<1024xf32, #tpu.memory_space<vmem>>, vector<16xf32>,
    %swap3A_265 = arith.constant 912 : index
    %swap3A_266 = tpu.vector_load %arg11[%swap3A_265] {strides = array<i32>} : memref<1024xf32, #tpu.memory_space<vmem>>, vector<16xf32>,
    tpu.vector_store %arg11[%swap3A_265], %broadcast_in_dim3A_33 {strides = array<i32>} : memref<1024xf32, #tpu.memory_space<vmem>>, vector<16xf32>,
    %swap3A_267 = arith.constant 928 : index
    %swap3A_268 = tpu.vector_load %arg10[%swap3A_267] {strides = array<i32>} : memref<1024xf32, #tpu.memory_space<vmem>>, vector<16xf32>,
    tpu.vector_store %arg10[%swap3A_267], %broadcast_in_dim3A_33 {strides = array<i32>} : memref<1024xf32, #tpu.memory_space<vmem>>, vector<16xf32>,
    %swap3A_269 = arith.constant 928 : index
    %swap3A_270 = tpu.vector_load %arg11[%swap3A_269] {strides = array<i32>} : memref<1024xf32, #tpu.memory_space<vmem>>, vector<16xf32>,
    tpu.vector_store %arg11[%swap3A_269], %broadcast_in_dim3A_33 {strides = array<i32>} : memref<1024xf32, #tpu.memory_space<vmem>>, vector<16xf32>,
    %swap3A_271 = arith.constant 944 : index
    %swap3A_272 = tpu.vector_load %arg10[%swap3A_271] {strides = array<i32>} : memref<1024xf32, #tpu.memory_space<vmem>>, vector<16xf32>,
    tpu.vector_store %arg10[%swap3A_271], %broadcast_in_dim3A_33 {strides = array<i32>} : memref<1024xf32, #tpu.memory_space<vmem>>, vector<16xf32>,
    %swap3A_273 = arith.constant 944 : index
    %swap3A_274 = tpu.vector_load %arg11[%swap3A_273] {strides = array<i32>} : memref<1024xf32, #tpu.memory_space<vmem>>, vector<16xf32>,
    tpu.vector_store %arg11[%swap3A_273], %broadcast_in_dim3A_33 {strides = array<i32>} : memref<1024xf32, #tpu.memory_space<vmem>>, vector<16xf32>,
    %swap3A_275 = arith.constant 960 : index
    %swap3A_276 = tpu.vector_load %arg10[%swap3A_275] {strides = array<i32>} : memref<1024xf32, #tpu.memory_space<vmem>>, vector<16xf32>,
    tpu.vector_store %arg10[%swap3A_275], %broadcast_in_dim3A_33 {strides = array<i32>} : memref<1024xf32, #tpu.memory_space<vmem>>, vector<16xf32>,
    %swap3A_277 = arith.constant 960 : index
    %swap3A_278 = tpu.vector_load %arg11[%swap3A_277] {strides = array<i32>} : memref<1024xf32, #tpu.memory_space<vmem>>, vector<16xf32>,
    tpu.vector_store %arg11[%swap3A_277], %broadcast_in_dim3A_33 {strides = array<i32>} : memref<1024xf32, #tpu.memory_space<vmem>>, vector<16xf32>,
    %swap3A_279 = arith.constant 976 : index
    %swap3A_280 = tpu.vector_load %arg10[%swap3A_279] {strides = array<i32>} : memref<1024xf32, #tpu.memory_space<vmem>>, vector<16xf32>,
    tpu.vector_store %arg10[%swap3A_279], %broadcast_in_dim3A_33 {strides = array<i32>} : memref<1024xf32, #tpu.memory_space<vmem>>, vector<16xf32>,
    %swap3A_281 = arith.constant 976 : index
    %swap3A_282 = tpu.vector_load %arg11[%swap3A_281] {strides = array<i32>} : memref<1024xf32, #tpu.memory_space<vmem>>, vector<16xf32>,
    tpu.vector_store %arg11[%swap3A_281], %broadcast_in_dim3A_33 {strides = array<i32>} : memref<1024xf32, #tpu.memory_space<vmem>>, vector<16xf32>,
    %swap3A_283 = arith.constant 992 : index
    %swap3A_284 = tpu.vector_load %arg10[%swap3A_283] {strides = array<i32>} : memref<1024xf32, #tpu.memory_space<vmem>>, vector<16xf32>,
    tpu.vector_store %arg10[%swap3A_283], %broadcast_in_dim3A_33 {strides = array<i32>} : memref<1024xf32, #tpu.memory_space<vmem>>, vector<16xf32>,
    %swap3A_285 = arith.constant 992 : index
    %swap3A_286 = tpu.vector_load %arg11[%swap3A_285] {strides = array<i32>} : memref<1024xf32, #tpu.memory_space<vmem>>, vector<16xf32>,
    tpu.vector_store %arg11[%swap3A_285], %broadcast_in_dim3A_33 {strides = array<i32>} : memref<1024xf32, #tpu.memory_space<vmem>>, vector<16xf32>,
    %swap3A_287 = arith.constant 1008 : index
    %swap3A_288 = tpu.vector_load %arg10[%swap3A_287] {strides = array<i32>} : memref<1024xf32, #tpu.memory_space<vmem>>, vector<16xf32>,
    tpu.vector_store %arg10[%swap3A_287], %broadcast_in_dim3A_33 {strides = array<i32>} : memref<1024xf32, #tpu.memory_space<vmem>>, vector<16xf32>,
    %swap3A_289 = arith.constant 1008 : index
    %swap3A_290 = tpu.vector_load %arg11[%swap3A_289] {strides = array<i32>} : memref<1024xf32, #tpu.memory_space<vmem>>, vector<16xf32>,
    tpu.vector_store %arg11[%swap3A_289], %broadcast_in_dim3A_33 {strides = array<i32>} : memref<1024xf32, #tpu.memory_space<vmem>>, vector<16xf32>,
    %add3A_291 = arith.constant 0 : i32
    %add3A_292 = arith.addi %mul3A_32, %add3A_291 : i32
    %dma_start3A = arith.constant 0 : i32
    %dma_start3A_293 = arith.constant 0 : i32
    %dma_start3A_294 = arith.constant 0 : i32
    %dma_start3A_295 = arith.constant 0 : i32
    %dma_start3A_296 = arith.constant 0 : i32
    %dma_start3A_297 = tpu.memref_slice %arg7[%dma_start3A_293, %dma_start3A_294, %dma_start3A_295, %dma_start3A_296] : memref<2x3x16x512xf32, #tpu.memory_space<vmem>> -> memref<1x1x16x512xf32, #tpu.memory_space<vmem>>
    %dma_start3A_298 = tpu.memref_squeeze %dma_start3A_297 : memref<1x1x16x512xf32, #tpu.memory_space<vmem>> -> memref<16x512xf32, #tpu.memory_space<vmem>>
    %dma_start3A_299 = arith.constant 0 : i32
    %dma_start3A_300 = tpu.memref_slice %arg2[%select_n3A, %dma_start3A, %add3A_292, %dma_start3A_299] : memref<16x3x512x512xf32, #tpu.memory_space<hbm>> -> memref<1x1x16x512xf32, #tpu.memory_space<hbm>>
    %dma_start3A_301 = tpu.memref_squeeze %dma_start3A_300 : memref<1x1x16x512xf32, #tpu.memory_space<hbm>> -> memref<16x512xf32, #tpu.memory_space<hbm>>
    %dma_start3A_302 = arith.constant 0 : i32
    %dma_start3A_303 = arith.constant 0 : i32
    %dma_start3A_304 = tpu.memref_slice %arg7[%dma_start3A_293, %dma_start3A_294, %dma_start3A_302, %dma_start3A_303] : memref<2x3x16x512xf32, #tpu.memory_space<vmem>> -> memref<1x1x16x512xf32, #tpu.memory_space<vmem>>
    %dma_start3A_305 = tpu.memref_squeeze %dma_start3A_304 : memref<1x1x16x512xf32, #tpu.memory_space<vmem>> -> memref<16x512xf32, #tpu.memory_space<vmem>>
    %dma_start3A_306 = arith.constant 0 : i32
    %dma_start3A_307 = tpu.memref_slice %arg2[%select_n3A, %dma_start3A, %add3A_292, %dma_start3A_306] : memref<16x3x512x512xf32, #tpu.memory_space<hbm>> -> memref<1x1x16x512xf32, #tpu.memory_space<hbm>>
    %dma_start3A_308 = tpu.memref_squeeze %dma_start3A_307 : memref<1x1x16x512xf32, #tpu.memory_space<hbm>> -> memref<16x512xf32, #tpu.memory_space<hbm>>
    tpu.enqueue_dma source(%dma_start3A_308 : memref<16x512xf32, #tpu.memory_space<hbm>>) target(%dma_start3A_305 : memref<16x512xf32, #tpu.memory_space<vmem>>) target_semaphore(%arg12 : memref<!tpu.dma_semaphore, #tpu.memory_space<semaphore_mem>>)
    %dma_start3A_309 = arith.constant 0 : i32
    %dma_start3A_310 = arith.constant 0 : i32
    %dma_start3A_311 = arith.constant 0 : i32
    %dma_start3A_312 = arith.constant 0 : i32
    %dma_start3A_313 = arith.constant 0 : i32
    %dma_start3A_314 = tpu.memref_slice %arg8[%dma_start3A_310, %dma_start3A_311, %dma_start3A_312, %dma_start3A_313] : memref<2x3x16x512xf32, #tpu.memory_space<vmem>> -> memref<1x1x16x512xf32, #tpu.memory_space<vmem>>
    %dma_start3A_315 = tpu.memref_squeeze %dma_start3A_314 : memref<1x1x16x512xf32, #tpu.memory_space<vmem>> -> memref<16x512xf32, #tpu.memory_space<vmem>>
    %dma_start3A_316 = arith.constant 0 : i32
    %dma_start3A_317 = tpu.memref_slice %arg3[%select_n3A, %dma_start3A_309, %add3A_292, %dma_start3A_316] : memref<16x3x512x512xf32, #tpu.memory_space<hbm>> -> memref<1x1x16x512xf32, #tpu.memory_space<hbm>>
    %dma_start3A_318 = tpu.memref_squeeze %dma_start3A_317 : memref<1x1x16x512xf32, #tpu.memory_space<hbm>> -> memref<16x512xf32, #tpu.memory_space<hbm>>
    %dma_start3A_319 = arith.constant 0 : i32
    %dma_start3A_320 = arith.constant 0 : i32
    %dma_start3A_321 = tpu.memref_slice %arg8[%dma_start3A_310, %dma_start3A_311, %dma_start3A_319, %dma_start3A_320] : memref<2x3x16x512xf32, #tpu.memory_space<vmem>> -> memref<1x1x16x512xf32, #tpu.memory_space<vmem>>
    %dma_start3A_322 = tpu.memref_squeeze %dma_start3A_321 : memref<1x1x16x512xf32, #tpu.memory_space<vmem>> -> memref<16x512xf32, #tpu.memory_space<vmem>>
    %dma_start3A_323 = arith.constant 0 : i32
    %dma_start3A_324 = tpu.memref_slice %arg3[%select_n3A, %dma_start3A_309, %add3A_292, %dma_start3A_323] : memref<16x3x512x512xf32, #tpu.memory_space<hbm>> -> memref<1x1x16x512xf32, #tpu.memory_space<hbm>>
    %dma_start3A_325 = tpu.memref_squeeze %dma_start3A_324 : memref<1x1x16x512xf32, #tpu.memory_space<hbm>> -> memref<16x512xf32, #tpu.memory_space<hbm>>
    tpu.enqueue_dma source(%dma_start3A_325 : memref<16x512xf32, #tpu.memory_space<hbm>>) target(%dma_start3A_322 : memref<16x512xf32, #tpu.memory_space<vmem>>) target_semaphore(%arg12 : memref<!tpu.dma_semaphore, #tpu.memory_space<semaphore_mem>>)
    %dma_start3A_326 = arith.constant 1 : i32
    %dma_start3A_327 = arith.constant 0 : i32
    %dma_start3A_328 = arith.constant 1 : i32
    %dma_start3A_329 = arith.constant 0 : i32
    %dma_start3A_330 = arith.constant 0 : i32
    %dma_start3A_331 = tpu.memref_slice %arg7[%dma_start3A_327, %dma_start3A_328, %dma_start3A_329, %dma_start3A_330] : memref<2x3x16x512xf32, #tpu.memory_space<vmem>> -> memref<1x1x16x512xf32, #tpu.memory_space<vmem>>
    %dma_start3A_332 = tpu.memref_squeeze %dma_start3A_331 : memref<1x1x16x512xf32, #tpu.memory_space<vmem>> -> memref<16x512xf32, #tpu.memory_space<vmem>>
    %dma_start3A_333 = arith.constant 0 : i32
    %dma_start3A_334 = tpu.memref_slice %arg2[%select_n3A, %dma_start3A_326, %add3A_292, %dma_start3A_333] : memref<16x3x512x512xf32, #tpu.memory_space<hbm>> -> memref<1x1x16x512xf32, #tpu.memory_space<hbm>>
    %dma_start3A_335 = tpu.memref_squeeze %dma_start3A_334 : memref<1x1x16x512xf32, #tpu.memory_space<hbm>> -> memref<16x512xf32, #tpu.memory_space<hbm>>
    %dma_start3A_336 = arith.constant 0 : i32
    %dma_start3A_337 = arith.constant 0 : i32
    %dma_start3A_338 = tpu.memref_slice %arg7[%dma_start3A_327, %dma_start3A_328, %dma_start3A_336, %dma_start3A_337] : memref<2x3x16x512xf32, #tpu.memory_space<vmem>> -> memref<1x1x16x512xf32, #tpu.memory_space<vmem>>
    %dma_start3A_339 = tpu.memref_squeeze %dma_start3A_338 : memref<1x1x16x512xf32, #tpu.memory_space<vmem>> -> memref<16x512xf32, #tpu.memory_space<vmem>>
    %dma_start3A_340 = arith.constant 0 : i32
    %dma_start3A_341 = tpu.memref_slice %arg2[%select_n3A, %dma_start3A_326, %add3A_292, %dma_start3A_340] : memref<16x3x512x512xf32, #tpu.memory_space<hbm>> -> memref<1x1x16x512xf32, #tpu.memory_space<hbm>>
    %dma_start3A_342 = tpu.memref_squeeze %dma_start3A_341 : memref<1x1x16x512xf32, #tpu.memory_space<hbm>> -> memref<16x512xf32, #tpu.memory_space<hbm>>
    tpu.enqueue_dma source(%dma_start3A_342 : memref<16x512xf32, #tpu.memory_space<hbm>>) target(%dma_start3A_339 : memref<16x512xf32, #tpu.memory_space<vmem>>) target_semaphore(%arg12 : memref<!tpu.dma_semaphore, #tpu.memory_space<semaphore_mem>>)
    %dma_start3A_343 = arith.constant 1 : i32
    %dma_start3A_344 = arith.constant 0 : i32
    %dma_start3A_345 = arith.constant 1 : i32
    %dma_start3A_346 = arith.constant 0 : i32
    %dma_start3A_347 = arith.constant 0 : i32
    %dma_start3A_348 = tpu.memref_slice %arg8[%dma_start3A_344, %dma_start3A_345, %dma_start3A_346, %dma_start3A_347] : memref<2x3x16x512xf32, #tpu.memory_space<vmem>> -> memref<1x1x16x512xf32, #tpu.memory_space<vmem>>
    %dma_start3A_349 = tpu.memref_squeeze %dma_start3A_348 : memref<1x1x16x512xf32, #tpu.memory_space<vmem>> -> memref<16x512xf32, #tpu.memory_space<vmem>>
    %dma_start3A_350 = arith.constant 0 : i32
    %dma_start3A_351 = tpu.memref_slice %arg3[%select_n3A, %dma_start3A_343, %add3A_292, %dma_start3A_350] : memref<16x3x512x512xf32, #tpu.memory_space<hbm>> -> memref<1x1x16x512xf32, #tpu.memory_space<hbm>>
    %dma_start3A_352 = tpu.memref_squeeze %dma_start3A_351 : memref<1x1x16x512xf32, #tpu.memory_space<hbm>> -> memref<16x512xf32, #tpu.memory_space<hbm>>
    %dma_start3A_353 = arith.constant 0 : i32
    %dma_start3A_354 = arith.constant 0 : i32
    %dma_start3A_355 = tpu.memref_slice %arg8[%dma_start3A_344, %dma_start3A_345, %dma_start3A_353, %dma_start3A_354] : memref<2x3x16x512xf32, #tpu.memory_space<vmem>> -> memref<1x1x16x512xf32, #tpu.memory_space<vmem>>
    %dma_start3A_356 = tpu.memref_squeeze %dma_start3A_355 : memref<1x1x16x512xf32, #tpu.memory_space<vmem>> -> memref<16x512xf32, #tpu.memory_space<vmem>>
    %dma_start3A_357 = arith.constant 0 : i32
    %dma_start3A_358 = tpu.memref_slice %arg3[%select_n3A, %dma_start3A_343, %add3A_292, %dma_start3A_357] : memref<16x3x512x512xf32, #tpu.memory_space<hbm>> -> memref<1x1x16x512xf32, #tpu.memory_space<hbm>>
    %dma_start3A_359 = tpu.memref_squeeze %dma_start3A_358 : memref<1x1x16x512xf32, #tpu.memory_space<hbm>> -> memref<16x512xf32, #tpu.memory_space<hbm>>
    tpu.enqueue_dma source(%dma_start3A_359 : memref<16x512xf32, #tpu.memory_space<hbm>>) target(%dma_start3A_356 : memref<16x512xf32, #tpu.memory_space<vmem>>) target_semaphore(%arg12 : memref<!tpu.dma_semaphore, #tpu.memory_space<semaphore_mem>>)
    %dma_start3A_360 = arith.constant 2 : i32
    %dma_start3A_361 = arith.constant 0 : i32
    %dma_start3A_362 = arith.constant 2 : i32
    %dma_start3A_363 = arith.constant 0 : i32
    %dma_start3A_364 = arith.constant 0 : i32
    %dma_start3A_365 = tpu.memref_slice %arg7[%dma_start3A_361, %dma_start3A_362, %dma_start3A_363, %dma_start3A_364] : memref<2x3x16x512xf32, #tpu.memory_space<vmem>> -> memref<1x1x16x512xf32, #tpu.memory_space<vmem>>
    %dma_start3A_366 = tpu.memref_squeeze %dma_start3A_365 : memref<1x1x16x512xf32, #tpu.memory_space<vmem>> -> memref<16x512xf32, #tpu.memory_space<vmem>>
    %dma_start3A_367 = arith.constant 0 : i32
    %dma_start3A_368 = tpu.memref_slice %arg2[%select_n3A, %dma_start3A_360, %add3A_292, %dma_start3A_367] : memref<16x3x512x512xf32, #tpu.memory_space<hbm>> -> memref<1x1x16x512xf32, #tpu.memory_space<hbm>>
    %dma_start3A_369 = tpu.memref_squeeze %dma_start3A_368 : memref<1x1x16x512xf32, #tpu.memory_space<hbm>> -> memref<16x512xf32, #tpu.memory_space<hbm>>
    %dma_start3A_370 = arith.constant 0 : i32
    %dma_start3A_371 = arith.constant 0 : i32
    %dma_start3A_372 = tpu.memref_slice %arg7[%dma_start3A_361, %dma_start3A_362, %dma_start3A_370, %dma_start3A_371] : memref<2x3x16x512xf32, #tpu.memory_space<vmem>> -> memref<1x1x16x512xf32, #tpu.memory_space<vmem>>
    %dma_start3A_373 = tpu.memref_squeeze %dma_start3A_372 : memref<1x1x16x512xf32, #tpu.memory_space<vmem>> -> memref<16x512xf32, #tpu.memory_space<vmem>>
    %dma_start3A_374 = arith.constant 0 : i32
    %dma_start3A_375 = tpu.memref_slice %arg2[%select_n3A, %dma_start3A_360, %add3A_292, %dma_start3A_374] : memref<16x3x512x512xf32, #tpu.memory_space<hbm>> -> memref<1x1x16x512xf32, #tpu.memory_space<hbm>>
    %dma_start3A_376 = tpu.memref_squeeze %dma_start3A_375 : memref<1x1x16x512xf32, #tpu.memory_space<hbm>> -> memref<16x512xf32, #tpu.memory_space<hbm>>
    tpu.enqueue_dma source(%dma_start3A_376 : memref<16x512xf32, #tpu.memory_space<hbm>>) target(%dma_start3A_373 : memref<16x512xf32, #tpu.memory_space<vmem>>) target_semaphore(%arg12 : memref<!tpu.dma_semaphore, #tpu.memory_space<semaphore_mem>>)
    %dma_start3A_377 = arith.constant 2 : i32
    %dma_start3A_378 = arith.constant 0 : i32
    %dma_start3A_379 = arith.constant 2 : i32
    %dma_start3A_380 = arith.constant 0 : i32
    %dma_start3A_381 = arith.constant 0 : i32
    %dma_start3A_382 = tpu.memref_slice %arg8[%dma_start3A_378, %dma_start3A_379, %dma_start3A_380, %dma_start3A_381] : memref<2x3x16x512xf32, #tpu.memory_space<vmem>> -> memref<1x1x16x512xf32, #tpu.memory_space<vmem>>
    %dma_start3A_383 = tpu.memref_squeeze %dma_start3A_382 : memref<1x1x16x512xf32, #tpu.memory_space<vmem>> -> memref<16x512xf32, #tpu.memory_space<vmem>>
    %dma_start3A_384 = arith.constant 0 : i32
    %dma_start3A_385 = tpu.memref_slice %arg3[%select_n3A, %dma_start3A_377, %add3A_292, %dma_start3A_384] : memref<16x3x512x512xf32, #tpu.memory_space<hbm>> -> memref<1x1x16x512xf32, #tpu.memory_space<hbm>>
    %dma_start3A_386 = tpu.memref_squeeze %dma_start3A_385 : memref<1x1x16x512xf32, #tpu.memory_space<hbm>> -> memref<16x512xf32, #tpu.memory_space<hbm>>
    %dma_start3A_387 = arith.constant 0 : i32
    %dma_start3A_388 = arith.constant 0 : i32
    %dma_start3A_389 = tpu.memref_slice %arg8[%dma_start3A_378, %dma_start3A_379, %dma_start3A_387, %dma_start3A_388] : memref<2x3x16x512xf32, #tpu.memory_space<vmem>> -> memref<1x1x16x512xf32, #tpu.memory_space<vmem>>
    %dma_start3A_390 = tpu.memref_squeeze %dma_start3A_389 : memref<1x1x16x512xf32, #tpu.memory_space<vmem>> -> memref<16x512xf32, #tpu.memory_space<vmem>>
    %dma_start3A_391 = arith.constant 0 : i32
    %dma_start3A_392 = tpu.memref_slice %arg3[%select_n3A, %dma_start3A_377, %add3A_292, %dma_start3A_391] : memref<16x3x512x512xf32, #tpu.memory_space<hbm>> -> memref<1x1x16x512xf32, #tpu.memory_space<hbm>>
    %dma_start3A_393 = tpu.memref_squeeze %dma_start3A_392 : memref<1x1x16x512xf32, #tpu.memory_space<hbm>> -> memref<16x512xf32, #tpu.memory_space<hbm>>
    tpu.enqueue_dma source(%dma_start3A_393 : memref<16x512xf32, #tpu.memory_space<hbm>>) target(%dma_start3A_390 : memref<16x512xf32, #tpu.memory_space<vmem>>) target_semaphore(%arg12 : memref<!tpu.dma_semaphore, #tpu.memory_space<semaphore_mem>>)
    %dma_start3A_394 = arith.constant 0 : i32
    %dma_start3A_395 = arith.constant 0 : i32
    %dma_start3A_396 = arith.constant 0 : i32
    %dma_start3A_397 = tpu.memref_slice %arg9[%dma_start3A_394, %dma_start3A_395, %dma_start3A_396] : memref<2x16x512xi32, #tpu.memory_space<vmem>> -> memref<1x16x512xi32, #tpu.memory_space<vmem>>
    %dma_start3A_398 = tpu.memref_squeeze %dma_start3A_397 : memref<1x16x512xi32, #tpu.memory_space<vmem>> -> memref<16x512xi32, #tpu.memory_space<vmem>>
    %dma_start3A_399 = arith.constant 0 : i32
    %dma_start3A_400 = tpu.memref_slice %arg4[%select_n3A, %add3A_292, %dma_start3A_399] : memref<16x512x512xi32, #tpu.memory_space<hbm>> -> memref<1x16x512xi32, #tpu.memory_space<hbm>>
    %dma_start3A_401 = tpu.memref_squeeze %dma_start3A_400 : memref<1x16x512xi32, #tpu.memory_space<hbm>> -> memref<16x512xi32, #tpu.memory_space<hbm>>
    %dma_start3A_402 = arith.constant 0 : i32
    %dma_start3A_403 = arith.constant 0 : i32
    %dma_start3A_404 = tpu.memref_slice %arg9[%dma_start3A_394, %dma_start3A_402, %dma_start3A_403] : memref<2x16x512xi32, #tpu.memory_space<vmem>> -> memref<1x16x512xi32, #tpu.memory_space<vmem>>
    %dma_start3A_405 = tpu.memref_squeeze %dma_start3A_404 : memref<1x16x512xi32, #tpu.memory_space<vmem>> -> memref<16x512xi32, #tpu.memory_space<vmem>>
    %dma_start3A_406 = arith.constant 0 : i32
    %dma_start3A_407 = tpu.memref_slice %arg4[%select_n3A, %add3A_292, %dma_start3A_406] : memref<16x512x512xi32, #tpu.memory_space<hbm>> -> memref<1x16x512xi32, #tpu.memory_space<hbm>>
    %dma_start3A_408 = tpu.memref_squeeze %dma_start3A_407 : memref<1x16x512xi32, #tpu.memory_space<hbm>> -> memref<16x512xi32, #tpu.memory_space<hbm>>
    tpu.enqueue_dma source(%dma_start3A_408 : memref<16x512xi32, #tpu.memory_space<hbm>>) target(%dma_start3A_405 : memref<16x512xi32, #tpu.memory_space<vmem>>) target_semaphore(%arg12 : memref<!tpu.dma_semaphore, #tpu.memory_space<semaphore_mem>>)
    %scan3A = arith.constant 0 : i32
    %scan3A_409 = arith.constant 0 : i32
    %scan3A_410 = arith.constant 8 : i32
    %scan3A_411 = arith.addi %scan3A_409, %scan3A_410 : i32
    %scan3A_412 = arith.constant 1 : i32
    %scan3A_413 = scf.for %scan3A_415 = %scan3A_409 to %scan3A_411 step %scan3A_412 iter_args(%scan3A_416 = %scan3A) -> (i32)  : i32 {
      %mul3A_417 = arith.constant 2 : i32
      %mul3A_418 = arith.muli %mul3A_417, %scan3A_415 : i32
      %add3A_419 = arith.constant 1 : i32
      %add3A_420 = arith.addi %mul3A_418, %add3A_419 : i32
      %mul3A_421 = arith.constant 16 : i32
      %mul3A_422 = arith.muli %add3A_420, %mul3A_421 : i32
      %add3A_423 = arith.addi %mul3A_32, %mul3A_422 : i32
      %dma_start3A_424 = arith.constant 0 : i32
      %dma_start3A_425 = arith.constant 1 : i32
      %dma_start3A_426 = arith.constant 0 : i32
      %dma_start3A_427 = arith.constant 0 : i32
      %dma_start3A_428 = arith.constant 0 : i32
      %dma_start3A_429 = tpu.memref_slice %arg7[%dma_start3A_425, %dma_start3A_426, %dma_start3A_427, %dma_start3A_428] : memref<2x3x16x512xf32, #tpu.memory_space<vmem>> -> memref<1x1x16x512xf32, #tpu.memory_space<vmem>>
      %dma_start3A_430 = tpu.memref_squeeze %dma_start3A_429 : memref<1x1x16x512xf32, #tpu.memory_space<vmem>> -> memref<16x512xf32, #tpu.memory_space<vmem>>
      %dma_start3A_431 = arith.constant 0 : i32
      %dma_start3A_432 = tpu.memref_slice %arg2[%select_n3A, %dma_start3A_424, %add3A_423, %dma_start3A_431] : memref<16x3x512x512xf32, #tpu.memory_space<hbm>> -> memref<1x1x16x512xf32, #tpu.memory_space<hbm>>
      %dma_start3A_433 = tpu.memref_squeeze %dma_start3A_432 : memref<1x1x16x512xf32, #tpu.memory_space<hbm>> -> memref<16x512xf32, #tpu.memory_space<hbm>>
      %dma_start3A_434 = arith.constant 0 : i32
      %dma_start3A_435 = arith.constant 0 : i32
      %dma_start3A_436 = tpu.memref_slice %arg7[%dma_start3A_425, %dma_start3A_426, %dma_start3A_434, %dma_start3A_435] : memref<2x3x16x512xf32, #tpu.memory_space<vmem>> -> memref<1x1x16x512xf32, #tpu.memory_space<vmem>>
      %dma_start3A_437 = tpu.memref_squeeze %dma_start3A_436 : memref<1x1x16x512xf32, #tpu.memory_space<vmem>> -> memref<16x512xf32, #tpu.memory_space<vmem>>
      %dma_start3A_438 = arith.constant 0 : i32
      %dma_start3A_439 = tpu.memref_slice %arg2[%select_n3A, %dma_start3A_424, %add3A_423, %dma_start3A_438] : memref<16x3x512x512xf32, #tpu.memory_space<hbm>> -> memref<1x1x16x512xf32, #tpu.memory_space<hbm>>
      %dma_start3A_440 = tpu.memref_squeeze %dma_start3A_439 : memref<1x1x16x512xf32, #tpu.memory_space<hbm>> -> memref<16x512xf32, #tpu.memory_space<hbm>>
      tpu.enqueue_dma source(%dma_start3A_440 : memref<16x512xf32, #tpu.memory_space<hbm>>) target(%dma_start3A_437 : memref<16x512xf32, #tpu.memory_space<vmem>>) target_semaphore(%arg13 : memref<!tpu.dma_semaphore, #tpu.memory_space<semaphore_mem>>)
      %dma_start3A_441 = arith.constant 0 : i32
      %dma_start3A_442 = arith.constant 1 : i32
      %dma_start3A_443 = arith.constant 0 : i32
      %dma_start3A_444 = arith.constant 0 : i32
      %dma_start3A_445 = arith.constant 0 : i32
      %dma_start3A_446 = tpu.memref_slice %arg8[%dma_start3A_442, %dma_start3A_443, %dma_start3A_444, %dma_start3A_445] : memref<2x3x16x512xf32, #tpu.memory_space<vmem>> -> memref<1x1x16x512xf32, #tpu.memory_space<vmem>>
      %dma_start3A_447 = tpu.memref_squeeze %dma_start3A_446 : memref<1x1x16x512xf32, #tpu.memory_space<vmem>> -> memref<16x512xf32, #tpu.memory_space<vmem>>
      %dma_start3A_448 = arith.constant 0 : i32
      %dma_start3A_449 = tpu.memref_slice %arg3[%select_n3A, %dma_start3A_441, %add3A_423, %dma_start3A_448] : memref<16x3x512x512xf32, #tpu.memory_space<hbm>> -> memref<1x1x16x512xf32, #tpu.memory_space<hbm>>
      %dma_start3A_450 = tpu.memref_squeeze %dma_start3A_449 : memref<1x1x16x512xf32, #tpu.memory_space<hbm>> -> memref<16x512xf32, #tpu.memory_space<hbm>>
      %dma_start3A_451 = arith.constant 0 : i32
      %dma_start3A_452 = arith.constant 0 : i32
      %dma_start3A_453 = tpu.memref_slice %arg8[%dma_start3A_442, %dma_start3A_443, %dma_start3A_451, %dma_start3A_452] : memref<2x3x16x512xf32, #tpu.memory_space<vmem>> -> memref<1x1x16x512xf32, #tpu.memory_space<vmem>>
      %dma_start3A_454 = tpu.memref_squeeze %dma_start3A_453 : memref<1x1x16x512xf32, #tpu.memory_space<vmem>> -> memref<16x512xf32, #tpu.memory_space<vmem>>
      %dma_start3A_455 = arith.constant 0 : i32
      %dma_start3A_456 = tpu.memref_slice %arg3[%select_n3A, %dma_start3A_441, %add3A_423, %dma_start3A_455] : memref<16x3x512x512xf32, #tpu.memory_space<hbm>> -> memref<1x1x16x512xf32, #tpu.memory_space<hbm>>
      %dma_start3A_457 = tpu.memref_squeeze %dma_start3A_456 : memref<1x1x16x512xf32, #tpu.memory_space<hbm>> -> memref<16x512xf32, #tpu.memory_space<hbm>>
      tpu.enqueue_dma source(%dma_start3A_457 : memref<16x512xf32, #tpu.memory_space<hbm>>) target(%dma_start3A_454 : memref<16x512xf32, #tpu.memory_space<vmem>>) target_semaphore(%arg13 : memref<!tpu.dma_semaphore, #tpu.memory_space<semaphore_mem>>)
      %dma_start3A_458 = arith.constant 1 : i32
      %dma_start3A_459 = arith.constant 1 : i32
      %dma_start3A_460 = arith.constant 1 : i32
      %dma_start3A_461 = arith.constant 0 : i32
      %dma_start3A_462 = arith.constant 0 : i32
      %dma_start3A_463 = tpu.memref_slice %arg7[%dma_start3A_459, %dma_start3A_460, %dma_start3A_461, %dma_start3A_462] : memref<2x3x16x512xf32, #tpu.memory_space<vmem>> -> memref<1x1x16x512xf32, #tpu.memory_space<vmem>>
      %dma_start3A_464 = tpu.memref_squeeze %dma_start3A_463 : memref<1x1x16x512xf32, #tpu.memory_space<vmem>> -> memref<16x512xf32, #tpu.memory_space<vmem>>
      %dma_start3A_465 = arith.constant 0 : i32
      %dma_start3A_466 = tpu.memref_slice %arg2[%select_n3A, %dma_start3A_458, %add3A_423, %dma_start3A_465] : memref<16x3x512x512xf32, #tpu.memory_space<hbm>> -> memref<1x1x16x512xf32, #tpu.memory_space<hbm>>
      %dma_start3A_467 = tpu.memref_squeeze %dma_start3A_466 : memref<1x1x16x512xf32, #tpu.memory_space<hbm>> -> memref<16x512xf32, #tpu.memory_space<hbm>>
      %dma_start3A_468 = arith.constant 0 : i32
      %dma_start3A_469 = arith.constant 0 : i32
      %dma_start3A_470 = tpu.memref_slice %arg7[%dma_start3A_459, %dma_start3A_460, %dma_start3A_468, %dma_start3A_469] : memref<2x3x16x512xf32, #tpu.memory_space<vmem>> -> memref<1x1x16x512xf32, #tpu.memory_space<vmem>>
      %dma_start3A_471 = tpu.memref_squeeze %dma_start3A_470 : memref<1x1x16x512xf32, #tpu.memory_space<vmem>> -> memref<16x512xf32, #tpu.memory_space<vmem>>
      %dma_start3A_472 = arith.constant 0 : i32
      %dma_start3A_473 = tpu.memref_slice %arg2[%select_n3A, %dma_start3A_458, %add3A_423, %dma_start3A_472] : memref<16x3x512x512xf32, #tpu.memory_space<hbm>> -> memref<1x1x16x512xf32, #tpu.memory_space<hbm>>
      %dma_start3A_474 = tpu.memref_squeeze %dma_start3A_473 : memref<1x1x16x512xf32, #tpu.memory_space<hbm>> -> memref<16x512xf32, #tpu.memory_space<hbm>>
      tpu.enqueue_dma source(%dma_start3A_474 : memref<16x512xf32, #tpu.memory_space<hbm>>) target(%dma_start3A_471 : memref<16x512xf32, #tpu.memory_space<vmem>>) target_semaphore(%arg13 : memref<!tpu.dma_semaphore, #tpu.memory_space<semaphore_mem>>)
      %dma_start3A_475 = arith.constant 1 : i32
      %dma_start3A_476 = arith.constant 1 : i32
      %dma_start3A_477 = arith.constant 1 : i32
      %dma_start3A_478 = arith.constant 0 : i32
      %dma_start3A_479 = arith.constant 0 : i32
      %dma_start3A_480 = tpu.memref_slice %arg8[%dma_start3A_476, %dma_start3A_477, %dma_start3A_478, %dma_start3A_479] : memref<2x3x16x512xf32, #tpu.memory_space<vmem>> -> memref<1x1x16x512xf32, #tpu.memory_space<vmem>>
      %dma_start3A_481 = tpu.memref_squeeze %dma_start3A_480 : memref<1x1x16x512xf32, #tpu.memory_space<vmem>> -> memref<16x512xf32, #tpu.memory_space<vmem>>
      %dma_start3A_482 = arith.constant 0 : i32
      %dma_start3A_483 = tpu.memref_slice %arg3[%select_n3A, %dma_start3A_475, %add3A_423, %dma_start3A_482] : memref<16x3x512x512xf32, #tpu.memory_space<hbm>> -> memref<1x1x16x512xf32, #tpu.memory_space<hbm>>
      %dma_start3A_484 = tpu.memref_squeeze %dma_start3A_483 : memref<1x1x16x512xf32, #tpu.memory_space<hbm>> -> memref<16x512xf32, #tpu.memory_space<hbm>>
      %dma_start3A_485 = arith.constant 0 : i32
      %dma_start3A_486 = arith.constant 0 : i32
      %dma_start3A_487 = tpu.memref_slice %arg8[%dma_start3A_476, %dma_start3A_477, %dma_start3A_485, %dma_start3A_486] : memref<2x3x16x512xf32, #tpu.memory_space<vmem>> -> memref<1x1x16x512xf32, #tpu.memory_space<vmem>>
      %dma_start3A_488 = tpu.memref_squeeze %dma_start3A_487 : memref<1x1x16x512xf32, #tpu.memory_space<vmem>> -> memref<16x512xf32, #tpu.memory_space<vmem>>
      %dma_start3A_489 = arith.constant 0 : i32
      %dma_start3A_490 = tpu.memref_slice %arg3[%select_n3A, %dma_start3A_475, %add3A_423, %dma_start3A_489] : memref<16x3x512x512xf32, #tpu.memory_space<hbm>> -> memref<1x1x16x512xf32, #tpu.memory_space<hbm>>
      %dma_start3A_491 = tpu.memref_squeeze %dma_start3A_490 : memref<1x1x16x512xf32, #tpu.memory_space<hbm>> -> memref<16x512xf32, #tpu.memory_space<hbm>>
      tpu.enqueue_dma source(%dma_start3A_491 : memref<16x512xf32, #tpu.memory_space<hbm>>) target(%dma_start3A_488 : memref<16x512xf32, #tpu.memory_space<vmem>>) target_semaphore(%arg13 : memref<!tpu.dma_semaphore, #tpu.memory_space<semaphore_mem>>)
      %dma_start3A_492 = arith.constant 2 : i32
      %dma_start3A_493 = arith.constant 1 : i32
      %dma_start3A_494 = arith.constant 2 : i32
      %dma_start3A_495 = arith.constant 0 : i32
      %dma_start3A_496 = arith.constant 0 : i32
      %dma_start3A_497 = tpu.memref_slice %arg7[%dma_start3A_493, %dma_start3A_494, %dma_start3A_495, %dma_start3A_496] : memref<2x3x16x512xf32, #tpu.memory_space<vmem>> -> memref<1x1x16x512xf32, #tpu.memory_space<vmem>>
      %dma_start3A_498 = tpu.memref_squeeze %dma_start3A_497 : memref<1x1x16x512xf32, #tpu.memory_space<vmem>> -> memref<16x512xf32, #tpu.memory_space<vmem>>
      %dma_start3A_499 = arith.constant 0 : i32
      %dma_start3A_500 = tpu.memref_slice %arg2[%select_n3A, %dma_start3A_492, %add3A_423, %dma_start3A_499] : memref<16x3x512x512xf32, #tpu.memory_space<hbm>> -> memref<1x1x16x512xf32, #tpu.memory_space<hbm>>
      %dma_start3A_501 = tpu.memref_squeeze %dma_start3A_500 : memref<1x1x16x512xf32, #tpu.memory_space<hbm>> -> memref<16x512xf32, #tpu.memory_space<hbm>>
      %dma_start3A_502 = arith.constant 0 : i32
      %dma_start3A_503 = arith.constant 0 : i32
      %dma_start3A_504 = tpu.memref_slice %arg7[%dma_start3A_493, %dma_start3A_494, %dma_start3A_502, %dma_start3A_503] : memref<2x3x16x512xf32, #tpu.memory_space<vmem>> -> memref<1x1x16x512xf32, #tpu.memory_space<vmem>>
      %dma_start3A_505 = tpu.memref_squeeze %dma_start3A_504 : memref<1x1x16x512xf32, #tpu.memory_space<vmem>> -> memref<16x512xf32, #tpu.memory_space<vmem>>
      %dma_start3A_506 = arith.constant 0 : i32
      %dma_start3A_507 = tpu.memref_slice %arg2[%select_n3A, %dma_start3A_492, %add3A_423, %dma_start3A_506] : memref<16x3x512x512xf32, #tpu.memory_space<hbm>> -> memref<1x1x16x512xf32, #tpu.memory_space<hbm>>
      %dma_start3A_508 = tpu.memref_squeeze %dma_start3A_507 : memref<1x1x16x512xf32, #tpu.memory_space<hbm>> -> memref<16x512xf32, #tpu.memory_space<hbm>>
      tpu.enqueue_dma source(%dma_start3A_508 : memref<16x512xf32, #tpu.memory_space<hbm>>) target(%dma_start3A_505 : memref<16x512xf32, #tpu.memory_space<vmem>>) target_semaphore(%arg13 : memref<!tpu.dma_semaphore, #tpu.memory_space<semaphore_mem>>)
      %dma_start3A_509 = arith.constant 2 : i32
      %dma_start3A_510 = arith.constant 1 : i32
      %dma_start3A_511 = arith.constant 2 : i32
      %dma_start3A_512 = arith.constant 0 : i32
      %dma_start3A_513 = arith.constant 0 : i32
      %dma_start3A_514 = tpu.memref_slice %arg8[%dma_start3A_510, %dma_start3A_511, %dma_start3A_512, %dma_start3A_513] : memref<2x3x16x512xf32, #tpu.memory_space<vmem>> -> memref<1x1x16x512xf32, #tpu.memory_space<vmem>>
      %dma_start3A_515 = tpu.memref_squeeze %dma_start3A_514 : memref<1x1x16x512xf32, #tpu.memory_space<vmem>> -> memref<16x512xf32, #tpu.memory_space<vmem>>
      %dma_start3A_516 = arith.constant 0 : i32
      %dma_start3A_517 = tpu.memref_slice %arg3[%select_n3A, %dma_start3A_509, %add3A_423, %dma_start3A_516] : memref<16x3x512x512xf32, #tpu.memory_space<hbm>> -> memref<1x1x16x512xf32, #tpu.memory_space<hbm>>
      %dma_start3A_518 = tpu.memref_squeeze %dma_start3A_517 : memref<1x1x16x512xf32, #tpu.memory_space<hbm>> -> memref<16x512xf32, #tpu.memory_space<hbm>>
      %dma_start3A_519 = arith.constant 0 : i32
      %dma_start3A_520 = arith.constant 0 : i32
      %dma_start3A_521 = tpu.memref_slice %arg8[%dma_start3A_510, %dma_start3A_511, %dma_start3A_519, %dma_start3A_520] : memref<2x3x16x512xf32, #tpu.memory_space<vmem>> -> memref<1x1x16x512xf32, #tpu.memory_space<vmem>>
      %dma_start3A_522 = tpu.memref_squeeze %dma_start3A_521 : memref<1x1x16x512xf32, #tpu.memory_space<vmem>> -> memref<16x512xf32, #tpu.memory_space<vmem>>
      %dma_start3A_523 = arith.constant 0 : i32
      %dma_start3A_524 = tpu.memref_slice %arg3[%select_n3A, %dma_start3A_509, %add3A_423, %dma_start3A_523] : memref<16x3x512x512xf32, #tpu.memory_space<hbm>> -> memref<1x1x16x512xf32, #tpu.memory_space<hbm>>
      %dma_start3A_525 = tpu.memref_squeeze %dma_start3A_524 : memref<1x1x16x512xf32, #tpu.memory_space<hbm>> -> memref<16x512xf32, #tpu.memory_space<hbm>>
      tpu.enqueue_dma source(%dma_start3A_525 : memref<16x512xf32, #tpu.memory_space<hbm>>) target(%dma_start3A_522 : memref<16x512xf32, #tpu.memory_space<vmem>>) target_semaphore(%arg13 : memref<!tpu.dma_semaphore, #tpu.memory_space<semaphore_mem>>)
      %dma_start3A_526 = arith.constant 1 : i32
      %dma_start3A_527 = arith.constant 0 : i32
      %dma_start3A_528 = arith.constant 0 : i32
      %dma_start3A_529 = tpu.memref_slice %arg9[%dma_start3A_526, %dma_start3A_527, %dma_start3A_528] : memref<2x16x512xi32, #tpu.memory_space<vmem>> -> memref<1x16x512xi32, #tpu.memory_space<vmem>>
      %dma_start3A_530 = tpu.memref_squeeze %dma_start3A_529 : memref<1x16x512xi32, #tpu.memory_space<vmem>> -> memref<16x512xi32, #tpu.memory_space<vmem>>
      %dma_start3A_531 = arith.constant 0 : i32
      %dma_start3A_532 = tpu.memref_slice %arg4[%select_n3A, %add3A_423, %dma_start3A_531] : memref<16x512x512xi32, #tpu.memory_space<hbm>> -> memref<1x16x512xi32, #tpu.memory_space<hbm>>
      %dma_start3A_533 = tpu.memref_squeeze %dma_start3A_532 : memref<1x16x512xi32, #tpu.memory_space<hbm>> -> memref<16x512xi32, #tpu.memory_space<hbm>>
      %dma_start3A_534 = arith.constant 0 : i32
      %dma_start3A_535 = arith.constant 0 : i32
      %dma_start3A_536 = tpu.memref_slice %arg9[%dma_start3A_526, %dma_start3A_534, %dma_start3A_535] : memref<2x16x512xi32, #tpu.memory_space<vmem>> -> memref<1x16x512xi32, #tpu.memory_space<vmem>>
      %dma_start3A_537 = tpu.memref_squeeze %dma_start3A_536 : memref<1x16x512xi32, #tpu.memory_space<vmem>> -> memref<16x512xi32, #tpu.memory_space<vmem>>
      %dma_start3A_538 = arith.constant 0 : i32
      %dma_start3A_539 = tpu.memref_slice %arg4[%select_n3A, %add3A_423, %dma_start3A_538] : memref<16x512x512xi32, #tpu.memory_space<hbm>> -> memref<1x16x512xi32, #tpu.memory_space<hbm>>
      %dma_start3A_540 = tpu.memref_squeeze %dma_start3A_539 : memref<1x16x512xi32, #tpu.memory_space<hbm>> -> memref<16x512xi32, #tpu.memory_space<hbm>>
      tpu.enqueue_dma source(%dma_start3A_540 : memref<16x512xi32, #tpu.memory_space<hbm>>) target(%dma_start3A_537 : memref<16x512xi32, #tpu.memory_space<vmem>>) target_semaphore(%arg13 : memref<!tpu.dma_semaphore, #tpu.memory_space<semaphore_mem>>)
      %dma_wait3A = arith.constant 0 : i32
      %dma_wait3A_541 = arith.constant 0 : i32
      %dma_wait3A_542 = arith.constant 0 : i32
      %dma_wait3A_543 = arith.constant 0 : i32
      %dma_wait3A_544 = arith.constant 0 : i32
      %dma_wait3A_545 = tpu.memref_slice %arg7[%dma_wait3A_541, %dma_wait3A_542, %dma_wait3A_543, %dma_wait3A_544] : memref<2x3x16x512xf32, #tpu.memory_space<vmem>> -> memref<1x1x16x512xf32, #tpu.memory_space<vmem>>
      %dma_wait3A_546 = tpu.memref_squeeze %dma_wait3A_545 : memref<1x1x16x512xf32, #tpu.memory_space<vmem>> -> memref<16x512xf32, #tpu.memory_space<vmem>>
      %dma_wait3A_547 = arith.constant 0 : i32
      %dma_wait3A_548 = tpu.memref_slice %arg2[%select_n3A, %dma_wait3A, %mul3A_32, %dma_wait3A_547] : memref<16x3x512x512xf32, #tpu.memory_space<hbm>> -> memref<1x1x16x512xf32, #tpu.memory_space<hbm>>
      %dma_wait3A_549 = tpu.memref_squeeze %dma_wait3A_548 : memref<1x1x16x512xf32, #tpu.memory_space<hbm>> -> memref<16x512xf32, #tpu.memory_space<hbm>>
      %dma_wait3A_550 = arith.constant 0 : i32
      %dma_wait3A_551 = arith.constant 0 : i32
      %dma_wait3A_552 = tpu.memref_slice %arg7[%dma_wait3A_541, %dma_wait3A_542, %dma_wait3A_550, %dma_wait3A_551] : memref<2x3x16x512xf32, #tpu.memory_space<vmem>> -> memref<1x1x16x512xf32, #tpu.memory_space<vmem>>
      %dma_wait3A_553 = tpu.memref_squeeze %dma_wait3A_552 : memref<1x1x16x512xf32, #tpu.memory_space<vmem>> -> memref<16x512xf32, #tpu.memory_space<vmem>>
      %dma_wait3A_554 = arith.constant 0 : i32
      %dma_wait3A_555 = tpu.memref_slice %arg2[%select_n3A, %dma_wait3A, %mul3A_32, %dma_wait3A_554] : memref<16x3x512x512xf32, #tpu.memory_space<hbm>> -> memref<1x1x16x512xf32, #tpu.memory_space<hbm>>
      %dma_wait3A_556 = tpu.memref_squeeze %dma_wait3A_555 : memref<1x1x16x512xf32, #tpu.memory_space<hbm>> -> memref<16x512xf32, #tpu.memory_space<hbm>>
      tpu.wait_dma2 semaphore(%arg12 : memref<!tpu.dma_semaphore, #tpu.memory_space<semaphore_mem>>) src(%dma_wait3A_556 : memref<16x512xf32, #tpu.memory_space<hbm>>) dst(%dma_wait3A_553 : memref<16x512xf32, #tpu.memory_space<vmem>>)
      %dma_wait3A_557 = arith.constant 0 : i32
      %dma_wait3A_558 = arith.constant 0 : i32
      %dma_wait3A_559 = arith.constant 0 : i32
      %dma_wait3A_560 = arith.constant 0 : i32
      %dma_wait3A_561 = arith.constant 0 : i32
      %dma_wait3A_562 = tpu.memref_slice %arg8[%dma_wait3A_558, %dma_wait3A_559, %dma_wait3A_560, %dma_wait3A_561] : memref<2x3x16x512xf32, #tpu.memory_space<vmem>> -> memref<1x1x16x512xf32, #tpu.memory_space<vmem>>
      %dma_wait3A_563 = tpu.memref_squeeze %dma_wait3A_562 : memref<1x1x16x512xf32, #tpu.memory_space<vmem>> -> memref<16x512xf32, #tpu.memory_space<vmem>>
      %dma_wait3A_564 = arith.constant 0 : i32
      %dma_wait3A_565 = tpu.memref_slice %arg3[%select_n3A, %dma_wait3A_557, %mul3A_32, %dma_wait3A_564] : memref<16x3x512x512xf32, #tpu.memory_space<hbm>> -> memref<1x1x16x512xf32, #tpu.memory_space<hbm>>
      %dma_wait3A_566 = tpu.memref_squeeze %dma_wait3A_565 : memref<1x1x16x512xf32, #tpu.memory_space<hbm>> -> memref<16x512xf32, #tpu.memory_space<hbm>>
      %dma_wait3A_567 = arith.constant 0 : i32
      %dma_wait3A_568 = arith.constant 0 : i32
      %dma_wait3A_569 = tpu.memref_slice %arg8[%dma_wait3A_558, %dma_wait3A_559, %dma_wait3A_567, %dma_wait3A_568] : memref<2x3x16x512xf32, #tpu.memory_space<vmem>> -> memref<1x1x16x512xf32, #tpu.memory_space<vmem>>
      %dma_wait3A_570 = tpu.memref_squeeze %dma_wait3A_569 : memref<1x1x16x512xf32, #tpu.memory_space<vmem>> -> memref<16x512xf32, #tpu.memory_space<vmem>>
      %dma_wait3A_571 = arith.constant 0 : i32
      %dma_wait3A_572 = tpu.memref_slice %arg3[%select_n3A, %dma_wait3A_557, %mul3A_32, %dma_wait3A_571] : memref<16x3x512x512xf32, #tpu.memory_space<hbm>> -> memref<1x1x16x512xf32, #tpu.memory_space<hbm>>
      %dma_wait3A_573 = tpu.memref_squeeze %dma_wait3A_572 : memref<1x1x16x512xf32, #tpu.memory_space<hbm>> -> memref<16x512xf32, #tpu.memory_space<hbm>>
      tpu.wait_dma2 semaphore(%arg12 : memref<!tpu.dma_semaphore, #tpu.memory_space<semaphore_mem>>) src(%dma_wait3A_573 : memref<16x512xf32, #tpu.memory_space<hbm>>) dst(%dma_wait3A_570 : memref<16x512xf32, #tpu.memory_space<vmem>>)
      %dma_wait3A_574 = arith.constant 1 : i32
      %dma_wait3A_575 = arith.constant 0 : i32
      %dma_wait3A_576 = arith.constant 1 : i32
      %dma_wait3A_577 = arith.constant 0 : i32
      %dma_wait3A_578 = arith.constant 0 : i32
      %dma_wait3A_579 = tpu.memref_slice %arg7[%dma_wait3A_575, %dma_wait3A_576, %dma_wait3A_577, %dma_wait3A_578] : memref<2x3x16x512xf32, #tpu.memory_space<vmem>> -> memref<1x1x16x512xf32, #tpu.memory_space<vmem>>
      %dma_wait3A_580 = tpu.memref_squeeze %dma_wait3A_579 : memref<1x1x16x512xf32, #tpu.memory_space<vmem>> -> memref<16x512xf32, #tpu.memory_space<vmem>>
      %dma_wait3A_581 = arith.constant 0 : i32
      %dma_wait3A_582 = tpu.memref_slice %arg2[%select_n3A, %dma_wait3A_574, %mul3A_32, %dma_wait3A_581] : memref<16x3x512x512xf32, #tpu.memory_space<hbm>> -> memref<1x1x16x512xf32, #tpu.memory_space<hbm>>
      %dma_wait3A_583 = tpu.memref_squeeze %dma_wait3A_582 : memref<1x1x16x512xf32, #tpu.memory_space<hbm>> -> memref<16x512xf32, #tpu.memory_space<hbm>>
      %dma_wait3A_584 = arith.constant 0 : i32
      %dma_wait3A_585 = arith.constant 0 : i32
      %dma_wait3A_586 = tpu.memref_slice %arg7[%dma_wait3A_575, %dma_wait3A_576, %dma_wait3A_584, %dma_wait3A_585] : memref<2x3x16x512xf32, #tpu.memory_space<vmem>> -> memref<1x1x16x512xf32, #tpu.memory_space<vmem>>
      %dma_wait3A_587 = tpu.memref_squeeze %dma_wait3A_586 : memref<1x1x16x512xf32, #tpu.memory_space<vmem>> -> memref<16x512xf32, #tpu.memory_space<vmem>>
      %dma_wait3A_588 = arith.constant 0 : i32
      %dma_wait3A_589 = tpu.memref_slice %arg2[%select_n3A, %dma_wait3A_574, %mul3A_32, %dma_wait3A_588] : memref<16x3x512x512xf32, #tpu.memory_space<hbm>> -> memref<1x1x16x512xf32, #tpu.memory_space<hbm>>
      %dma_wait3A_590 = tpu.memref_squeeze %dma_wait3A_589 : memref<1x1x16x512xf32, #tpu.memory_space<hbm>> -> memref<16x512xf32, #tpu.memory_space<hbm>>
      tpu.wait_dma2 semaphore(%arg12 : memref<!tpu.dma_semaphore, #tpu.memory_space<semaphore_mem>>) src(%dma_wait3A_590 : memref<16x512xf32, #tpu.memory_space<hbm>>) dst(%dma_wait3A_587 : memref<16x512xf32, #tpu.memory_space<vmem>>)
      %dma_wait3A_591 = arith.constant 1 : i32
      %dma_wait3A_592 = arith.constant 0 : i32
      %dma_wait3A_593 = arith.constant 1 : i32
      %dma_wait3A_594 = arith.constant 0 : i32
      %dma_wait3A_595 = arith.constant 0 : i32
      %dma_wait3A_596 = tpu.memref_slice %arg8[%dma_wait3A_592, %dma_wait3A_593, %dma_wait3A_594, %dma_wait3A_595] : memref<2x3x16x512xf32, #tpu.memory_space<vmem>> -> memref<1x1x16x512xf32, #tpu.memory_space<vmem>>
      %dma_wait3A_597 = tpu.memref_squeeze %dma_wait3A_596 : memref<1x1x16x512xf32, #tpu.memory_space<vmem>> -> memref<16x512xf32, #tpu.memory_space<vmem>>
      %dma_wait3A_598 = arith.constant 0 : i32
      %dma_wait3A_599 = tpu.memref_slice %arg3[%select_n3A, %dma_wait3A_591, %mul3A_32, %dma_wait3A_598] : memref<16x3x512x512xf32, #tpu.memory_space<hbm>> -> memref<1x1x16x512xf32, #tpu.memory_space<hbm>>
      %dma_wait3A_600 = tpu.memref_squeeze %dma_wait3A_599 : memref<1x1x16x512xf32, #tpu.memory_space<hbm>> -> memref<16x512xf32, #tpu.memory_space<hbm>>
      %dma_wait3A_601 = arith.constant 0 : i32
      %dma_wait3A_602 = arith.constant 0 : i32
      %dma_wait3A_603 = tpu.memref_slice %arg8[%dma_wait3A_592, %dma_wait3A_593, %dma_wait3A_601, %dma_wait3A_602] : memref<2x3x16x512xf32, #tpu.memory_space<vmem>> -> memref<1x1x16x512xf32, #tpu.memory_space<vmem>>
      %dma_wait3A_604 = tpu.memref_squeeze %dma_wait3A_603 : memref<1x1x16x512xf32, #tpu.memory_space<vmem>> -> memref<16x512xf32, #tpu.memory_space<vmem>>
      %dma_wait3A_605 = arith.constant 0 : i32
      %dma_wait3A_606 = tpu.memref_slice %arg3[%select_n3A, %dma_wait3A_591, %mul3A_32, %dma_wait3A_605] : memref<16x3x512x512xf32, #tpu.memory_space<hbm>> -> memref<1x1x16x512xf32, #tpu.memory_space<hbm>>
      %dma_wait3A_607 = tpu.memref_squeeze %dma_wait3A_606 : memref<1x1x16x512xf32, #tpu.memory_space<hbm>> -> memref<16x512xf32, #tpu.memory_space<hbm>>
      tpu.wait_dma2 semaphore(%arg12 : memref<!tpu.dma_semaphore, #tpu.memory_space<semaphore_mem>>) src(%dma_wait3A_607 : memref<16x512xf32, #tpu.memory_space<hbm>>) dst(%dma_wait3A_604 : memref<16x512xf32, #tpu.memory_space<vmem>>)
      %dma_wait3A_608 = arith.constant 2 : i32
      %dma_wait3A_609 = arith.constant 0 : i32
      %dma_wait3A_610 = arith.constant 2 : i32
      %dma_wait3A_611 = arith.constant 0 : i32
      %dma_wait3A_612 = arith.constant 0 : i32
      %dma_wait3A_613 = tpu.memref_slice %arg7[%dma_wait3A_609, %dma_wait3A_610, %dma_wait3A_611, %dma_wait3A_612] : memref<2x3x16x512xf32, #tpu.memory_space<vmem>> -> memref<1x1x16x512xf32, #tpu.memory_space<vmem>>
      %dma_wait3A_614 = tpu.memref_squeeze %dma_wait3A_613 : memref<1x1x16x512xf32, #tpu.memory_space<vmem>> -> memref<16x512xf32, #tpu.memory_space<vmem>>
      %dma_wait3A_615 = arith.constant 0 : i32
      %dma_wait3A_616 = tpu.memref_slice %arg2[%select_n3A, %dma_wait3A_608, %mul3A_32, %dma_wait3A_615] : memref<16x3x512x512xf32, #tpu.memory_space<hbm>> -> memref<1x1x16x512xf32, #tpu.memory_space<hbm>>
      %dma_wait3A_617 = tpu.memref_squeeze %dma_wait3A_616 : memref<1x1x16x512xf32, #tpu.memory_space<hbm>> -> memref<16x512xf32, #tpu.memory_space<hbm>>
      %dma_wait3A_618 = arith.constant 0 : i32
      %dma_wait3A_619 = arith.constant 0 : i32
      %dma_wait3A_620 = tpu.memref_slice %arg7[%dma_wait3A_609, %dma_wait3A_610, %dma_wait3A_618, %dma_wait3A_619] : memref<2x3x16x512xf32, #tpu.memory_space<vmem>> -> memref<1x1x16x512xf32, #tpu.memory_space<vmem>>
      %dma_wait3A_621 = tpu.memref_squeeze %dma_wait3A_620 : memref<1x1x16x512xf32, #tpu.memory_space<vmem>> -> memref<16x512xf32, #tpu.memory_space<vmem>>
      %dma_wait3A_622 = arith.constant 0 : i32
      %dma_wait3A_623 = tpu.memref_slice %arg2[%select_n3A, %dma_wait3A_608, %mul3A_32, %dma_wait3A_622] : memref<16x3x512x512xf32, #tpu.memory_space<hbm>> -> memref<1x1x16x512xf32, #tpu.memory_space<hbm>>
      %dma_wait3A_624 = tpu.memref_squeeze %dma_wait3A_623 : memref<1x1x16x512xf32, #tpu.memory_space<hbm>> -> memref<16x512xf32, #tpu.memory_space<hbm>>
      tpu.wait_dma2 semaphore(%arg12 : memref<!tpu.dma_semaphore, #tpu.memory_space<semaphore_mem>>) src(%dma_wait3A_624 : memref<16x512xf32, #tpu.memory_space<hbm>>) dst(%dma_wait3A_621 : memref<16x512xf32, #tpu.memory_space<vmem>>)
      %dma_wait3A_625 = arith.constant 2 : i32
      %dma_wait3A_626 = arith.constant 0 : i32
      %dma_wait3A_627 = arith.constant 2 : i32
      %dma_wait3A_628 = arith.constant 0 : i32
      %dma_wait3A_629 = arith.constant 0 : i32
      %dma_wait3A_630 = tpu.memref_slice %arg8[%dma_wait3A_626, %dma_wait3A_627, %dma_wait3A_628, %dma_wait3A_629] : memref<2x3x16x512xf32, #tpu.memory_space<vmem>> -> memref<1x1x16x512xf32, #tpu.memory_space<vmem>>
      %dma_wait3A_631 = tpu.memref_squeeze %dma_wait3A_630 : memref<1x1x16x512xf32, #tpu.memory_space<vmem>> -> memref<16x512xf32, #tpu.memory_space<vmem>>
      %dma_wait3A_632 = arith.constant 0 : i32
      %dma_wait3A_633 = tpu.memref_slice %arg3[%select_n3A, %dma_wait3A_625, %mul3A_32, %dma_wait3A_632] : memref<16x3x512x512xf32, #tpu.memory_space<hbm>> -> memref<1x1x16x512xf32, #tpu.memory_space<hbm>>
      %dma_wait3A_634 = tpu.memref_squeeze %dma_wait3A_633 : memref<1x1x16x512xf32, #tpu.memory_space<hbm>> -> memref<16x512xf32, #tpu.memory_space<hbm>>
      %dma_wait3A_635 = arith.constant 0 : i32
      %dma_wait3A_636 = arith.constant 0 : i32
      %dma_wait3A_637 = tpu.memref_slice %arg8[%dma_wait3A_626, %dma_wait3A_627, %dma_wait3A_635, %dma_wait3A_636] : memref<2x3x16x512xf32, #tpu.memory_space<vmem>> -> memref<1x1x16x512xf32, #tpu.memory_space<vmem>>
      %dma_wait3A_638 = tpu.memref_squeeze %dma_wait3A_637 : memref<1x1x16x512xf32, #tpu.memory_space<vmem>> -> memref<16x512xf32, #tpu.memory_space<vmem>>
      %dma_wait3A_639 = arith.constant 0 : i32
      %dma_wait3A_640 = tpu.memref_slice %arg3[%select_n3A, %dma_wait3A_625, %mul3A_32, %dma_wait3A_639] : memref<16x3x512x512xf32, #tpu.memory_space<hbm>> -> memref<1x1x16x512xf32, #tpu.memory_space<hbm>>
      %dma_wait3A_641 = tpu.memref_squeeze %dma_wait3A_640 : memref<1x1x16x512xf32, #tpu.memory_space<hbm>> -> memref<16x512xf32, #tpu.memory_space<hbm>>
      tpu.wait_dma2 semaphore(%arg12 : memref<!tpu.dma_semaphore, #tpu.memory_space<semaphore_mem>>) src(%dma_wait3A_641 : memref<16x512xf32, #tpu.memory_space<hbm>>) dst(%dma_wait3A_638 : memref<16x512xf32, #tpu.memory_space<vmem>>)
      %dma_wait3A_642 = arith.constant 0 : i32
      %dma_wait3A_643 = arith.constant 0 : i32
      %dma_wait3A_644 = arith.constant 0 : i32
      %dma_wait3A_645 = tpu.memref_slice %arg9[%dma_wait3A_642, %dma_wait3A_643, %dma_wait3A_644] : memref<2x16x512xi32, #tpu.memory_space<vmem>> -> memref<1x16x512xi32, #tpu.memory_space<vmem>>
      %dma_wait3A_646 = tpu.memref_squeeze %dma_wait3A_645 : memref<1x16x512xi32, #tpu.memory_space<vmem>> -> memref<16x512xi32, #tpu.memory_space<vmem>>
      %dma_wait3A_647 = arith.constant 0 : i32
      %dma_wait3A_648 = tpu.memref_slice %arg4[%select_n3A, %mul3A_32, %dma_wait3A_647] : memref<16x512x512xi32, #tpu.memory_space<hbm>> -> memref<1x16x512xi32, #tpu.memory_space<hbm>>
      %dma_wait3A_649 = tpu.memref_squeeze %dma_wait3A_648 : memref<1x16x512xi32, #tpu.memory_space<hbm>> -> memref<16x512xi32, #tpu.memory_space<hbm>>
      %dma_wait3A_650 = arith.constant 0 : i32
      %dma_wait3A_651 = arith.constant 0 : i32
      %dma_wait3A_652 = tpu.memref_slice %arg9[%dma_wait3A_642, %dma_wait3A_650, %dma_wait3A_651] : memref<2x16x512xi32, #tpu.memory_space<vmem>> -> memref<1x16x512xi32, #tpu.memory_space<vmem>>
      %dma_wait3A_653 = tpu.memref_squeeze %dma_wait3A_652 : memref<1x16x512xi32, #tpu.memory_space<vmem>> -> memref<16x512xi32, #tpu.memory_space<vmem>>
      %dma_wait3A_654 = arith.constant 0 : i32
      %dma_wait3A_655 = tpu.memref_slice %arg4[%select_n3A, %mul3A_32, %dma_wait3A_654] : memref<16x512x512xi32, #tpu.memory_space<hbm>> -> memref<1x16x512xi32, #tpu.memory_space<hbm>>
      %dma_wait3A_656 = tpu.memref_squeeze %dma_wait3A_655 : memref<1x16x512xi32, #tpu.memory_space<hbm>> -> memref<16x512xi32, #tpu.memory_space<hbm>>
      tpu.wait_dma2 semaphore(%arg12 : memref<!tpu.dma_semaphore, #tpu.memory_space<semaphore_mem>>) src(%dma_wait3A_656 : memref<16x512xi32, #tpu.memory_space<hbm>>) dst(%dma_wait3A_653 : memref<16x512xi32, #tpu.memory_space<vmem>>)
      %parallel_loop3A = arith.constant 0 : i32
      %parallel_loop3A_657 = arith.constant 512 : i32
      %parallel_loop3A_658 = arith.constant 1 : i32
      scf.for %parallel_loop3A_783 = %parallel_loop3A to %parallel_loop3A_657 step %parallel_loop3A_658  : i32 {
        %parallel_loop3A_784 = arith.constant 5 : i32
        %parallel_loop3A_785 = arith.shrui %parallel_loop3A_783, %parallel_loop3A_784 : i32
        %parallel_loop3A_786 = arith.constant 31 : i32
        %parallel_loop3A_787 = arith.andi %parallel_loop3A_783, %parallel_loop3A_786 : i32
        %parallel_loop3A_788 = arith.constant 4 : i32
        %parallel_loop3A_789 = arith.shli %parallel_loop3A_787, %parallel_loop3A_788 : i32
        %parallel_loop3A_790 = arith.constant 0 : i32
        %parallel_loop3A_791 = arith.index_cast %parallel_loop3A_790 : i32 to index
        %parallel_loop3A_792 = arith.index_cast %parallel_loop3A_785 : i32 to index
        %parallel_loop3A_793 = arith.index_cast %parallel_loop3A_789 : i32 to index
        %parallel_loop3A_794 = tpu.vector_load %arg9[%parallel_loop3A_791, %parallel_loop3A_792, %parallel_loop3A_793] {strides = array<i32>} : memref<2x16x512xi32, #tpu.memory_space<vmem>>, vector<16xi32>,
        %parallel_loop3A_795 = arith.constant 0 : i32
        %parallel_loop3A_796 = arith.constant 0 : i32
        %parallel_loop3A_797 = arith.index_cast %parallel_loop3A_795 : i32 to index
        %parallel_loop3A_798 = arith.index_cast %parallel_loop3A_796 : i32 to index
        %parallel_loop3A_799 = arith.index_cast %parallel_loop3A_785 : i32 to index
        %parallel_loop3A_800 = arith.index_cast %parallel_loop3A_789 : i32 to index
        %parallel_loop3A_801 = tpu.vector_load %arg7[%parallel_loop3A_797, %parallel_loop3A_798, %parallel_loop3A_799, %parallel_loop3A_800] {strides = array<i32>} : memref<2x3x16x512xf32, #tpu.memory_space<vmem>>, vector<16xf32>,
        %parallel_loop3A_802 = arith.constant 0 : i32
        %parallel_loop3A_803 = arith.constant 0 : i32
        %parallel_loop3A_804 = arith.index_cast %parallel_loop3A_802 : i32 to index
        %parallel_loop3A_805 = arith.index_cast %parallel_loop3A_803 : i32 to index
        %parallel_loop3A_806 = arith.index_cast %parallel_loop3A_785 : i32 to index
        %parallel_loop3A_807 = arith.index_cast %parallel_loop3A_789 : i32 to index
        %parallel_loop3A_808 = tpu.vector_load %arg8[%parallel_loop3A_804, %parallel_loop3A_805, %parallel_loop3A_806, %parallel_loop3A_807] {strides = array<i32>} : memref<2x3x16x512xf32, #tpu.memory_space<vmem>>, vector<16xf32>,
        %parallel_loop3A_809 = arith.subf %parallel_loop3A_801, %parallel_loop3A_808 : vector<16xf32>
        %parallel_loop3A_810 = math.absf %parallel_loop3A_809 : vector<16xf32>
        %parallel_loop3A_811 = arith.constant 0 : i32
        %parallel_loop3A_812 = arith.constant 1 : i32
        %parallel_loop3A_813 = arith.index_cast %parallel_loop3A_811 : i32 to index
        %parallel_loop3A_814 = arith.index_cast %parallel_loop3A_812 : i32 to index
        %parallel_loop3A_815 = arith.index_cast %parallel_loop3A_785 : i32 to index
        %parallel_loop3A_816 = arith.index_cast %parallel_loop3A_789 : i32 to index
        %parallel_loop3A_817 = tpu.vector_load %arg7[%parallel_loop3A_813, %parallel_loop3A_814, %parallel_loop3A_815, %parallel_loop3A_816] {strides = array<i32>} : memref<2x3x16x512xf32, #tpu.memory_space<vmem>>, vector<16xf32>,
        %parallel_loop3A_818 = arith.constant 0 : i32
        %parallel_loop3A_819 = arith.constant 1 : i32
        %parallel_loop3A_820 = arith.index_cast %parallel_loop3A_818 : i32 to index
        %parallel_loop3A_821 = arith.index_cast %parallel_loop3A_819 : i32 to index
        %parallel_loop3A_822 = arith.index_cast %parallel_loop3A_785 : i32 to index
        %parallel_loop3A_823 = arith.index_cast %parallel_loop3A_789 : i32 to index
        %parallel_loop3A_824 = tpu.vector_load %arg8[%parallel_loop3A_820, %parallel_loop3A_821, %parallel_loop3A_822, %parallel_loop3A_823] {strides = array<i32>} : memref<2x3x16x512xf32, #tpu.memory_space<vmem>>, vector<16xf32>,
        %parallel_loop3A_825 = arith.subf %parallel_loop3A_817, %parallel_loop3A_824 : vector<16xf32>
        %parallel_loop3A_826 = math.absf %parallel_loop3A_825 : vector<16xf32>
        %parallel_loop3A_827 = arith.addf %parallel_loop3A_810, %parallel_loop3A_826 : vector<16xf32>
        %parallel_loop3A_828 = arith.constant 0 : i32
        %parallel_loop3A_829 = arith.constant 2 : i32
        %parallel_loop3A_830 = arith.index_cast %parallel_loop3A_828 : i32 to index
        %parallel_loop3A_831 = arith.index_cast %parallel_loop3A_829 : i32 to index
        %parallel_loop3A_832 = arith.index_cast %parallel_loop3A_785 : i32 to index
        %parallel_loop3A_833 = arith.index_cast %parallel_loop3A_789 : i32 to index
        %parallel_loop3A_834 = tpu.vector_load %arg7[%parallel_loop3A_830, %parallel_loop3A_831, %parallel_loop3A_832, %parallel_loop3A_833] {strides = array<i32>} : memref<2x3x16x512xf32, #tpu.memory_space<vmem>>, vector<16xf32>,
        %parallel_loop3A_835 = arith.constant 0 : i32
        %parallel_loop3A_836 = arith.constant 2 : i32
        %parallel_loop3A_837 = arith.index_cast %parallel_loop3A_835 : i32 to index
        %parallel_loop3A_838 = arith.index_cast %parallel_loop3A_836 : i32 to index
        %parallel_loop3A_839 = arith.index_cast %parallel_loop3A_785 : i32 to index
        %parallel_loop3A_840 = arith.index_cast %parallel_loop3A_789 : i32 to index
        %parallel_loop3A_841 = tpu.vector_load %arg8[%parallel_loop3A_837, %parallel_loop3A_838, %parallel_loop3A_839, %parallel_loop3A_840] {strides = array<i32>} : memref<2x3x16x512xf32, #tpu.memory_space<vmem>>, vector<16xf32>,
        %parallel_loop3A_842 = arith.subf %parallel_loop3A_834, %parallel_loop3A_841 : vector<16xf32>
        %parallel_loop3A_843 = math.absf %parallel_loop3A_842 : vector<16xf32>
        %parallel_loop3A_844 = arith.addf %parallel_loop3A_827, %parallel_loop3A_843 : vector<16xf32>
        %parallel_loop3A_845 = arith.constant 4 : i32
        %parallel_loop3A_846 = vector.broadcast %parallel_loop3A_845 : i32 to vector<16xi32>
        %parallel_loop3A_847 = arith.shli %parallel_loop3A_794, %parallel_loop3A_846 : vector<16xi32>
        %parallel_loop3A_848 = arith.addi %iota3A, %parallel_loop3A_847 : vector<16xi32>
        tpu.vector_store_idx %arg10[%parallel_loop3A_848], %parallel_loop3A_844 {add = true} : memref<1024xf32, #tpu.memory_space<vmem>>[vector<16xi32>], vector<16xf32>,
        tpu.vector_store_idx %arg11[%parallel_loop3A_848], %broadcast_in_dim3A_35 {add = true} : memref<1024xf32, #tpu.memory_space<vmem>>[vector<16xi32>], vector<16xf32>,
      } {sc.loop_unroll_factor = 8 : i64, sc.parallel_access}
      %lt3A_659 = arith.constant 7 : i32
      %lt3A_660 = arith.cmpi slt, %scan3A_415, %lt3A_659 : i32
      %convert_element_type3A = arith.extui %lt3A_660 : i1 to i32
      %cond3A = arith.constant 0 : i32
      %cond3A_661 = arith.cmpi ne, %convert_element_type3A, %cond3A : i32
      scf.if %cond3A_661 {
        %mul3A_783 = arith.constant 2 : i32
        %mul3A_784 = arith.muli %mul3A_783, %scan3A_415 : i32
        %add3A_785 = arith.constant 2 : i32
        %add3A_786 = arith.addi %mul3A_784, %add3A_785 : i32
        %mul3A_787 = arith.constant 16 : i32
        %mul3A_788 = arith.muli %add3A_786, %mul3A_787 : i32
        %add3A_789 = arith.addi %mul3A_32, %mul3A_788 : i32
        %dma_start3A_790 = arith.constant 0 : i32
        %dma_start3A_791 = arith.constant 0 : i32
        %dma_start3A_792 = arith.constant 0 : i32
        %dma_start3A_793 = arith.constant 0 : i32
        %dma_start3A_794 = arith.constant 0 : i32
        %dma_start3A_795 = tpu.memref_slice %arg7[%dma_start3A_791, %dma_start3A_792, %dma_start3A_793, %dma_start3A_794] : memref<2x3x16x512xf32, #tpu.memory_space<vmem>> -> memref<1x1x16x512xf32, #tpu.memory_space<vmem>>
        %dma_start3A_796 = tpu.memref_squeeze %dma_start3A_795 : memref<1x1x16x512xf32, #tpu.memory_space<vmem>> -> memref<16x512xf32, #tpu.memory_space<vmem>>
        %dma_start3A_797 = arith.constant 0 : i32
        %dma_start3A_798 = tpu.memref_slice %arg2[%select_n3A, %dma_start3A_790, %add3A_789, %dma_start3A_797] : memref<16x3x512x512xf32, #tpu.memory_space<hbm>> -> memref<1x1x16x512xf32, #tpu.memory_space<hbm>>
        %dma_start3A_799 = tpu.memref_squeeze %dma_start3A_798 : memref<1x1x16x512xf32, #tpu.memory_space<hbm>> -> memref<16x512xf32, #tpu.memory_space<hbm>>
        %dma_start3A_800 = arith.constant 0 : i32
        %dma_start3A_801 = arith.constant 0 : i32
        %dma_start3A_802 = tpu.memref_slice %arg7[%dma_start3A_791, %dma_start3A_792, %dma_start3A_800, %dma_start3A_801] : memref<2x3x16x512xf32, #tpu.memory_space<vmem>> -> memref<1x1x16x512xf32, #tpu.memory_space<vmem>>
        %dma_start3A_803 = tpu.memref_squeeze %dma_start3A_802 : memref<1x1x16x512xf32, #tpu.memory_space<vmem>> -> memref<16x512xf32, #tpu.memory_space<vmem>>
        %dma_start3A_804 = arith.constant 0 : i32
        %dma_start3A_805 = tpu.memref_slice %arg2[%select_n3A, %dma_start3A_790, %add3A_789, %dma_start3A_804] : memref<16x3x512x512xf32, #tpu.memory_space<hbm>> -> memref<1x1x16x512xf32, #tpu.memory_space<hbm>>
        %dma_start3A_806 = tpu.memref_squeeze %dma_start3A_805 : memref<1x1x16x512xf32, #tpu.memory_space<hbm>> -> memref<16x512xf32, #tpu.memory_space<hbm>>
        tpu.enqueue_dma source(%dma_start3A_806 : memref<16x512xf32, #tpu.memory_space<hbm>>) target(%dma_start3A_803 : memref<16x512xf32, #tpu.memory_space<vmem>>) target_semaphore(%arg12 : memref<!tpu.dma_semaphore, #tpu.memory_space<semaphore_mem>>)
        %dma_start3A_807 = arith.constant 0 : i32
        %dma_start3A_808 = arith.constant 0 : i32
        %dma_start3A_809 = arith.constant 0 : i32
        %dma_start3A_810 = arith.constant 0 : i32
        %dma_start3A_811 = arith.constant 0 : i32
        %dma_start3A_812 = tpu.memref_slice %arg8[%dma_start3A_808, %dma_start3A_809, %dma_start3A_810, %dma_start3A_811] : memref<2x3x16x512xf32, #tpu.memory_space<vmem>> -> memref<1x1x16x512xf32, #tpu.memory_space<vmem>>
        %dma_start3A_813 = tpu.memref_squeeze %dma_start3A_812 : memref<1x1x16x512xf32, #tpu.memory_space<vmem>> -> memref<16x512xf32, #tpu.memory_space<vmem>>
        %dma_start3A_814 = arith.constant 0 : i32
        %dma_start3A_815 = tpu.memref_slice %arg3[%select_n3A, %dma_start3A_807, %add3A_789, %dma_start3A_814] : memref<16x3x512x512xf32, #tpu.memory_space<hbm>> -> memref<1x1x16x512xf32, #tpu.memory_space<hbm>>
        %dma_start3A_816 = tpu.memref_squeeze %dma_start3A_815 : memref<1x1x16x512xf32, #tpu.memory_space<hbm>> -> memref<16x512xf32, #tpu.memory_space<hbm>>
        %dma_start3A_817 = arith.constant 0 : i32
        %dma_start3A_818 = arith.constant 0 : i32
        %dma_start3A_819 = tpu.memref_slice %arg8[%dma_start3A_808, %dma_start3A_809, %dma_start3A_817, %dma_start3A_818] : memref<2x3x16x512xf32, #tpu.memory_space<vmem>> -> memref<1x1x16x512xf32, #tpu.memory_space<vmem>>
        %dma_start3A_820 = tpu.memref_squeeze %dma_start3A_819 : memref<1x1x16x512xf32, #tpu.memory_space<vmem>> -> memref<16x512xf32, #tpu.memory_space<vmem>>
        %dma_start3A_821 = arith.constant 0 : i32
        %dma_start3A_822 = tpu.memref_slice %arg3[%select_n3A, %dma_start3A_807, %add3A_789, %dma_start3A_821] : memref<16x3x512x512xf32, #tpu.memory_space<hbm>> -> memref<1x1x16x512xf32, #tpu.memory_space<hbm>>
        %dma_start3A_823 = tpu.memref_squeeze %dma_start3A_822 : memref<1x1x16x512xf32, #tpu.memory_space<hbm>> -> memref<16x512xf32, #tpu.memory_space<hbm>>
        tpu.enqueue_dma source(%dma_start3A_823 : memref<16x512xf32, #tpu.memory_space<hbm>>) target(%dma_start3A_820 : memref<16x512xf32, #tpu.memory_space<vmem>>) target_semaphore(%arg12 : memref<!tpu.dma_semaphore, #tpu.memory_space<semaphore_mem>>)
        %dma_start3A_824 = arith.constant 1 : i32
        %dma_start3A_825 = arith.constant 0 : i32
        %dma_start3A_826 = arith.constant 1 : i32
        %dma_start3A_827 = arith.constant 0 : i32
        %dma_start3A_828 = arith.constant 0 : i32
        %dma_start3A_829 = tpu.memref_slice %arg7[%dma_start3A_825, %dma_start3A_826, %dma_start3A_827, %dma_start3A_828] : memref<2x3x16x512xf32, #tpu.memory_space<vmem>> -> memref<1x1x16x512xf32, #tpu.memory_space<vmem>>
        %dma_start3A_830 = tpu.memref_squeeze %dma_start3A_829 : memref<1x1x16x512xf32, #tpu.memory_space<vmem>> -> memref<16x512xf32, #tpu.memory_space<vmem>>
        %dma_start3A_831 = arith.constant 0 : i32
        %dma_start3A_832 = tpu.memref_slice %arg2[%select_n3A, %dma_start3A_824, %add3A_789, %dma_start3A_831] : memref<16x3x512x512xf32, #tpu.memory_space<hbm>> -> memref<1x1x16x512xf32, #tpu.memory_space<hbm>>
        %dma_start3A_833 = tpu.memref_squeeze %dma_start3A_832 : memref<1x1x16x512xf32, #tpu.memory_space<hbm>> -> memref<16x512xf32, #tpu.memory_space<hbm>>
        %dma_start3A_834 = arith.constant 0 : i32
        %dma_start3A_835 = arith.constant 0 : i32
        %dma_start3A_836 = tpu.memref_slice %arg7[%dma_start3A_825, %dma_start3A_826, %dma_start3A_834, %dma_start3A_835] : memref<2x3x16x512xf32, #tpu.memory_space<vmem>> -> memref<1x1x16x512xf32, #tpu.memory_space<vmem>>
        %dma_start3A_837 = tpu.memref_squeeze %dma_start3A_836 : memref<1x1x16x512xf32, #tpu.memory_space<vmem>> -> memref<16x512xf32, #tpu.memory_space<vmem>>
        %dma_start3A_838 = arith.constant 0 : i32
        %dma_start3A_839 = tpu.memref_slice %arg2[%select_n3A, %dma_start3A_824, %add3A_789, %dma_start3A_838] : memref<16x3x512x512xf32, #tpu.memory_space<hbm>> -> memref<1x1x16x512xf32, #tpu.memory_space<hbm>>
        %dma_start3A_840 = tpu.memref_squeeze %dma_start3A_839 : memref<1x1x16x512xf32, #tpu.memory_space<hbm>> -> memref<16x512xf32, #tpu.memory_space<hbm>>
        tpu.enqueue_dma source(%dma_start3A_840 : memref<16x512xf32, #tpu.memory_space<hbm>>) target(%dma_start3A_837 : memref<16x512xf32, #tpu.memory_space<vmem>>) target_semaphore(%arg12 : memref<!tpu.dma_semaphore, #tpu.memory_space<semaphore_mem>>)
        %dma_start3A_841 = arith.constant 1 : i32
        %dma_start3A_842 = arith.constant 0 : i32
        %dma_start3A_843 = arith.constant 1 : i32
        %dma_start3A_844 = arith.constant 0 : i32
        %dma_start3A_845 = arith.constant 0 : i32
        %dma_start3A_846 = tpu.memref_slice %arg8[%dma_start3A_842, %dma_start3A_843, %dma_start3A_844, %dma_start3A_845] : memref<2x3x16x512xf32, #tpu.memory_space<vmem>> -> memref<1x1x16x512xf32, #tpu.memory_space<vmem>>
        %dma_start3A_847 = tpu.memref_squeeze %dma_start3A_846 : memref<1x1x16x512xf32, #tpu.memory_space<vmem>> -> memref<16x512xf32, #tpu.memory_space<vmem>>
        %dma_start3A_848 = arith.constant 0 : i32
        %dma_start3A_849 = tpu.memref_slice %arg3[%select_n3A, %dma_start3A_841, %add3A_789, %dma_start3A_848] : memref<16x3x512x512xf32, #tpu.memory_space<hbm>> -> memref<1x1x16x512xf32, #tpu.memory_space<hbm>>
        %dma_start3A_850 = tpu.memref_squeeze %dma_start3A_849 : memref<1x1x16x512xf32, #tpu.memory_space<hbm>> -> memref<16x512xf32, #tpu.memory_space<hbm>>
        %dma_start3A_851 = arith.constant 0 : i32
        %dma_start3A_852 = arith.constant 0 : i32
        %dma_start3A_853 = tpu.memref_slice %arg8[%dma_start3A_842, %dma_start3A_843, %dma_start3A_851, %dma_start3A_852] : memref<2x3x16x512xf32, #tpu.memory_space<vmem>> -> memref<1x1x16x512xf32, #tpu.memory_space<vmem>>
        %dma_start3A_854 = tpu.memref_squeeze %dma_start3A_853 : memref<1x1x16x512xf32, #tpu.memory_space<vmem>> -> memref<16x512xf32, #tpu.memory_space<vmem>>
        %dma_start3A_855 = arith.constant 0 : i32
        %dma_start3A_856 = tpu.memref_slice %arg3[%select_n3A, %dma_start3A_841, %add3A_789, %dma_start3A_855] : memref<16x3x512x512xf32, #tpu.memory_space<hbm>> -> memref<1x1x16x512xf32, #tpu.memory_space<hbm>>
        %dma_start3A_857 = tpu.memref_squeeze %dma_start3A_856 : memref<1x1x16x512xf32, #tpu.memory_space<hbm>> -> memref<16x512xf32, #tpu.memory_space<hbm>>
        tpu.enqueue_dma source(%dma_start3A_857 : memref<16x512xf32, #tpu.memory_space<hbm>>) target(%dma_start3A_854 : memref<16x512xf32, #tpu.memory_space<vmem>>) target_semaphore(%arg12 : memref<!tpu.dma_semaphore, #tpu.memory_space<semaphore_mem>>)
        %dma_start3A_858 = arith.constant 2 : i32
        %dma_start3A_859 = arith.constant 0 : i32
        %dma_start3A_860 = arith.constant 2 : i32
        %dma_start3A_861 = arith.constant 0 : i32
        %dma_start3A_862 = arith.constant 0 : i32
        %dma_start3A_863 = tpu.memref_slice %arg7[%dma_start3A_859, %dma_start3A_860, %dma_start3A_861, %dma_start3A_862] : memref<2x3x16x512xf32, #tpu.memory_space<vmem>> -> memref<1x1x16x512xf32, #tpu.memory_space<vmem>>
        %dma_start3A_864 = tpu.memref_squeeze %dma_start3A_863 : memref<1x1x16x512xf32, #tpu.memory_space<vmem>> -> memref<16x512xf32, #tpu.memory_space<vmem>>
        %dma_start3A_865 = arith.constant 0 : i32
        %dma_start3A_866 = tpu.memref_slice %arg2[%select_n3A, %dma_start3A_858, %add3A_789, %dma_start3A_865] : memref<16x3x512x512xf32, #tpu.memory_space<hbm>> -> memref<1x1x16x512xf32, #tpu.memory_space<hbm>>
        %dma_start3A_867 = tpu.memref_squeeze %dma_start3A_866 : memref<1x1x16x512xf32, #tpu.memory_space<hbm>> -> memref<16x512xf32, #tpu.memory_space<hbm>>
        %dma_start3A_868 = arith.constant 0 : i32
        %dma_start3A_869 = arith.constant 0 : i32
        %dma_start3A_870 = tpu.memref_slice %arg7[%dma_start3A_859, %dma_start3A_860, %dma_start3A_868, %dma_start3A_869] : memref<2x3x16x512xf32, #tpu.memory_space<vmem>> -> memref<1x1x16x512xf32, #tpu.memory_space<vmem>>
        %dma_start3A_871 = tpu.memref_squeeze %dma_start3A_870 : memref<1x1x16x512xf32, #tpu.memory_space<vmem>> -> memref<16x512xf32, #tpu.memory_space<vmem>>
        %dma_start3A_872 = arith.constant 0 : i32
        %dma_start3A_873 = tpu.memref_slice %arg2[%select_n3A, %dma_start3A_858, %add3A_789, %dma_start3A_872] : memref<16x3x512x512xf32, #tpu.memory_space<hbm>> -> memref<1x1x16x512xf32, #tpu.memory_space<hbm>>
        %dma_start3A_874 = tpu.memref_squeeze %dma_start3A_873 : memref<1x1x16x512xf32, #tpu.memory_space<hbm>> -> memref<16x512xf32, #tpu.memory_space<hbm>>
        tpu.enqueue_dma source(%dma_start3A_874 : memref<16x512xf32, #tpu.memory_space<hbm>>) target(%dma_start3A_871 : memref<16x512xf32, #tpu.memory_space<vmem>>) target_semaphore(%arg12 : memref<!tpu.dma_semaphore, #tpu.memory_space<semaphore_mem>>)
        %dma_start3A_875 = arith.constant 2 : i32
        %dma_start3A_876 = arith.constant 0 : i32
        %dma_start3A_877 = arith.constant 2 : i32
        %dma_start3A_878 = arith.constant 0 : i32
        %dma_start3A_879 = arith.constant 0 : i32
        %dma_start3A_880 = tpu.memref_slice %arg8[%dma_start3A_876, %dma_start3A_877, %dma_start3A_878, %dma_start3A_879] : memref<2x3x16x512xf32, #tpu.memory_space<vmem>> -> memref<1x1x16x512xf32, #tpu.memory_space<vmem>>
        %dma_start3A_881 = tpu.memref_squeeze %dma_start3A_880 : memref<1x1x16x512xf32, #tpu.memory_space<vmem>> -> memref<16x512xf32, #tpu.memory_space<vmem>>
        %dma_start3A_882 = arith.constant 0 : i32
        %dma_start3A_883 = tpu.memref_slice %arg3[%select_n3A, %dma_start3A_875, %add3A_789, %dma_start3A_882] : memref<16x3x512x512xf32, #tpu.memory_space<hbm>> -> memref<1x1x16x512xf32, #tpu.memory_space<hbm>>
        %dma_start3A_884 = tpu.memref_squeeze %dma_start3A_883 : memref<1x1x16x512xf32, #tpu.memory_space<hbm>> -> memref<16x512xf32, #tpu.memory_space<hbm>>
        %dma_start3A_885 = arith.constant 0 : i32
        %dma_start3A_886 = arith.constant 0 : i32
        %dma_start3A_887 = tpu.memref_slice %arg8[%dma_start3A_876, %dma_start3A_877, %dma_start3A_885, %dma_start3A_886] : memref<2x3x16x512xf32, #tpu.memory_space<vmem>> -> memref<1x1x16x512xf32, #tpu.memory_space<vmem>>
        %dma_start3A_888 = tpu.memref_squeeze %dma_start3A_887 : memref<1x1x16x512xf32, #tpu.memory_space<vmem>> -> memref<16x512xf32, #tpu.memory_space<vmem>>
        %dma_start3A_889 = arith.constant 0 : i32
        %dma_start3A_890 = tpu.memref_slice %arg3[%select_n3A, %dma_start3A_875, %add3A_789, %dma_start3A_889] : memref<16x3x512x512xf32, #tpu.memory_space<hbm>> -> memref<1x1x16x512xf32, #tpu.memory_space<hbm>>
        %dma_start3A_891 = tpu.memref_squeeze %dma_start3A_890 : memref<1x1x16x512xf32, #tpu.memory_space<hbm>> -> memref<16x512xf32, #tpu.memory_space<hbm>>
        tpu.enqueue_dma source(%dma_start3A_891 : memref<16x512xf32, #tpu.memory_space<hbm>>) target(%dma_start3A_888 : memref<16x512xf32, #tpu.memory_space<vmem>>) target_semaphore(%arg12 : memref<!tpu.dma_semaphore, #tpu.memory_space<semaphore_mem>>)
        %dma_start3A_892 = arith.constant 0 : i32
        %dma_start3A_893 = arith.constant 0 : i32
        %dma_start3A_894 = arith.constant 0 : i32
        %dma_start3A_895 = tpu.memref_slice %arg9[%dma_start3A_892, %dma_start3A_893, %dma_start3A_894] : memref<2x16x512xi32, #tpu.memory_space<vmem>> -> memref<1x16x512xi32, #tpu.memory_space<vmem>>
        %dma_start3A_896 = tpu.memref_squeeze %dma_start3A_895 : memref<1x16x512xi32, #tpu.memory_space<vmem>> -> memref<16x512xi32, #tpu.memory_space<vmem>>
        %dma_start3A_897 = arith.constant 0 : i32
        %dma_start3A_898 = tpu.memref_slice %arg4[%select_n3A, %add3A_789, %dma_start3A_897] : memref<16x512x512xi32, #tpu.memory_space<hbm>> -> memref<1x16x512xi32, #tpu.memory_space<hbm>>
        %dma_start3A_899 = tpu.memref_squeeze %dma_start3A_898 : memref<1x16x512xi32, #tpu.memory_space<hbm>> -> memref<16x512xi32, #tpu.memory_space<hbm>>
        %dma_start3A_900 = arith.constant 0 : i32
        %dma_start3A_901 = arith.constant 0 : i32
        %dma_start3A_902 = tpu.memref_slice %arg9[%dma_start3A_892, %dma_start3A_900, %dma_start3A_901] : memref<2x16x512xi32, #tpu.memory_space<vmem>> -> memref<1x16x512xi32, #tpu.memory_space<vmem>>
        %dma_start3A_903 = tpu.memref_squeeze %dma_start3A_902 : memref<1x16x512xi32, #tpu.memory_space<vmem>> -> memref<16x512xi32, #tpu.memory_space<vmem>>
        %dma_start3A_904 = arith.constant 0 : i32
        %dma_start3A_905 = tpu.memref_slice %arg4[%select_n3A, %add3A_789, %dma_start3A_904] : memref<16x512x512xi32, #tpu.memory_space<hbm>> -> memref<1x16x512xi32, #tpu.memory_space<hbm>>
        %dma_start3A_906 = tpu.memref_squeeze %dma_start3A_905 : memref<1x16x512xi32, #tpu.memory_space<hbm>> -> memref<16x512xi32, #tpu.memory_space<hbm>>
        tpu.enqueue_dma source(%dma_start3A_906 : memref<16x512xi32, #tpu.memory_space<hbm>>) target(%dma_start3A_903 : memref<16x512xi32, #tpu.memory_space<vmem>>) target_semaphore(%arg12 : memref<!tpu.dma_semaphore, #tpu.memory_space<semaphore_mem>>)
      } else {
      }
      %dma_wait3A_662 = arith.constant 0 : i32
      %dma_wait3A_663 = arith.constant 1 : i32
      %dma_wait3A_664 = arith.constant 0 : i32
      %dma_wait3A_665 = arith.constant 0 : i32
      %dma_wait3A_666 = arith.constant 0 : i32
      %dma_wait3A_667 = tpu.memref_slice %arg7[%dma_wait3A_663, %dma_wait3A_664, %dma_wait3A_665, %dma_wait3A_666] : memref<2x3x16x512xf32, #tpu.memory_space<vmem>> -> memref<1x1x16x512xf32, #tpu.memory_space<vmem>>
      %dma_wait3A_668 = tpu.memref_squeeze %dma_wait3A_667 : memref<1x1x16x512xf32, #tpu.memory_space<vmem>> -> memref<16x512xf32, #tpu.memory_space<vmem>>
      %dma_wait3A_669 = arith.constant 0 : i32
      %dma_wait3A_670 = tpu.memref_slice %arg2[%select_n3A, %dma_wait3A_662, %mul3A_32, %dma_wait3A_669] : memref<16x3x512x512xf32, #tpu.memory_space<hbm>> -> memref<1x1x16x512xf32, #tpu.memory_space<hbm>>
      %dma_wait3A_671 = tpu.memref_squeeze %dma_wait3A_670 : memref<1x1x16x512xf32, #tpu.memory_space<hbm>> -> memref<16x512xf32, #tpu.memory_space<hbm>>
      %dma_wait3A_672 = arith.constant 0 : i32
      %dma_wait3A_673 = arith.constant 0 : i32
      %dma_wait3A_674 = tpu.memref_slice %arg7[%dma_wait3A_663, %dma_wait3A_664, %dma_wait3A_672, %dma_wait3A_673] : memref<2x3x16x512xf32, #tpu.memory_space<vmem>> -> memref<1x1x16x512xf32, #tpu.memory_space<vmem>>
      %dma_wait3A_675 = tpu.memref_squeeze %dma_wait3A_674 : memref<1x1x16x512xf32, #tpu.memory_space<vmem>> -> memref<16x512xf32, #tpu.memory_space<vmem>>
      %dma_wait3A_676 = arith.constant 0 : i32
      %dma_wait3A_677 = tpu.memref_slice %arg2[%select_n3A, %dma_wait3A_662, %mul3A_32, %dma_wait3A_676] : memref<16x3x512x512xf32, #tpu.memory_space<hbm>> -> memref<1x1x16x512xf32, #tpu.memory_space<hbm>>
      %dma_wait3A_678 = tpu.memref_squeeze %dma_wait3A_677 : memref<1x1x16x512xf32, #tpu.memory_space<hbm>> -> memref<16x512xf32, #tpu.memory_space<hbm>>
      tpu.wait_dma2 semaphore(%arg13 : memref<!tpu.dma_semaphore, #tpu.memory_space<semaphore_mem>>) src(%dma_wait3A_678 : memref<16x512xf32, #tpu.memory_space<hbm>>) dst(%dma_wait3A_675 : memref<16x512xf32, #tpu.memory_space<vmem>>)
      %dma_wait3A_679 = arith.constant 0 : i32
      %dma_wait3A_680 = arith.constant 1 : i32
      %dma_wait3A_681 = arith.constant 0 : i32
      %dma_wait3A_682 = arith.constant 0 : i32
      %dma_wait3A_683 = arith.constant 0 : i32
      %dma_wait3A_684 = tpu.memref_slice %arg8[%dma_wait3A_680, %dma_wait3A_681, %dma_wait3A_682, %dma_wait3A_683] : memref<2x3x16x512xf32, #tpu.memory_space<vmem>> -> memref<1x1x16x512xf32, #tpu.memory_space<vmem>>
      %dma_wait3A_685 = tpu.memref_squeeze %dma_wait3A_684 : memref<1x1x16x512xf32, #tpu.memory_space<vmem>> -> memref<16x512xf32, #tpu.memory_space<vmem>>
      %dma_wait3A_686 = arith.constant 0 : i32
      %dma_wait3A_687 = tpu.memref_slice %arg3[%select_n3A, %dma_wait3A_679, %mul3A_32, %dma_wait3A_686] : memref<16x3x512x512xf32, #tpu.memory_space<hbm>> -> memref<1x1x16x512xf32, #tpu.memory_space<hbm>>
      %dma_wait3A_688 = tpu.memref_squeeze %dma_wait3A_687 : memref<1x1x16x512xf32, #tpu.memory_space<hbm>> -> memref<16x512xf32, #tpu.memory_space<hbm>>
      %dma_wait3A_689 = arith.constant 0 : i32
      %dma_wait3A_690 = arith.constant 0 : i32
      %dma_wait3A_691 = tpu.memref_slice %arg8[%dma_wait3A_680, %dma_wait3A_681, %dma_wait3A_689, %dma_wait3A_690] : memref<2x3x16x512xf32, #tpu.memory_space<vmem>> -> memref<1x1x16x512xf32, #tpu.memory_space<vmem>>
      %dma_wait3A_692 = tpu.memref_squeeze %dma_wait3A_691 : memref<1x1x16x512xf32, #tpu.memory_space<vmem>> -> memref<16x512xf32, #tpu.memory_space<vmem>>
      %dma_wait3A_693 = arith.constant 0 : i32
      %dma_wait3A_694 = tpu.memref_slice %arg3[%select_n3A, %dma_wait3A_679, %mul3A_32, %dma_wait3A_693] : memref<16x3x512x512xf32, #tpu.memory_space<hbm>> -> memref<1x1x16x512xf32, #tpu.memory_space<hbm>>
      %dma_wait3A_695 = tpu.memref_squeeze %dma_wait3A_694 : memref<1x1x16x512xf32, #tpu.memory_space<hbm>> -> memref<16x512xf32, #tpu.memory_space<hbm>>
      tpu.wait_dma2 semaphore(%arg13 : memref<!tpu.dma_semaphore, #tpu.memory_space<semaphore_mem>>) src(%dma_wait3A_695 : memref<16x512xf32, #tpu.memory_space<hbm>>) dst(%dma_wait3A_692 : memref<16x512xf32, #tpu.memory_space<vmem>>)
      %dma_wait3A_696 = arith.constant 1 : i32
      %dma_wait3A_697 = arith.constant 1 : i32
      %dma_wait3A_698 = arith.constant 1 : i32
      %dma_wait3A_699 = arith.constant 0 : i32
      %dma_wait3A_700 = arith.constant 0 : i32
      %dma_wait3A_701 = tpu.memref_slice %arg7[%dma_wait3A_697, %dma_wait3A_698, %dma_wait3A_699, %dma_wait3A_700] : memref<2x3x16x512xf32, #tpu.memory_space<vmem>> -> memref<1x1x16x512xf32, #tpu.memory_space<vmem>>
      %dma_wait3A_702 = tpu.memref_squeeze %dma_wait3A_701 : memref<1x1x16x512xf32, #tpu.memory_space<vmem>> -> memref<16x512xf32, #tpu.memory_space<vmem>>
      %dma_wait3A_703 = arith.constant 0 : i32
      %dma_wait3A_704 = tpu.memref_slice %arg2[%select_n3A, %dma_wait3A_696, %mul3A_32, %dma_wait3A_703] : memref<16x3x512x512xf32, #tpu.memory_space<hbm>> -> memref<1x1x16x512xf32, #tpu.memory_space<hbm>>
      %dma_wait3A_705 = tpu.memref_squeeze %dma_wait3A_704 : memref<1x1x16x512xf32, #tpu.memory_space<hbm>> -> memref<16x512xf32, #tpu.memory_space<hbm>>
      %dma_wait3A_706 = arith.constant 0 : i32
      %dma_wait3A_707 = arith.constant 0 : i32
      %dma_wait3A_708 = tpu.memref_slice %arg7[%dma_wait3A_697, %dma_wait3A_698, %dma_wait3A_706, %dma_wait3A_707] : memref<2x3x16x512xf32, #tpu.memory_space<vmem>> -> memref<1x1x16x512xf32, #tpu.memory_space<vmem>>
      %dma_wait3A_709 = tpu.memref_squeeze %dma_wait3A_708 : memref<1x1x16x512xf32, #tpu.memory_space<vmem>> -> memref<16x512xf32, #tpu.memory_space<vmem>>
      %dma_wait3A_710 = arith.constant 0 : i32
      %dma_wait3A_711 = tpu.memref_slice %arg2[%select_n3A, %dma_wait3A_696, %mul3A_32, %dma_wait3A_710] : memref<16x3x512x512xf32, #tpu.memory_space<hbm>> -> memref<1x1x16x512xf32, #tpu.memory_space<hbm>>
      %dma_wait3A_712 = tpu.memref_squeeze %dma_wait3A_711 : memref<1x1x16x512xf32, #tpu.memory_space<hbm>> -> memref<16x512xf32, #tpu.memory_space<hbm>>
      tpu.wait_dma2 semaphore(%arg13 : memref<!tpu.dma_semaphore, #tpu.memory_space<semaphore_mem>>) src(%dma_wait3A_712 : memref<16x512xf32, #tpu.memory_space<hbm>>) dst(%dma_wait3A_709 : memref<16x512xf32, #tpu.memory_space<vmem>>)
      %dma_wait3A_713 = arith.constant 1 : i32
      %dma_wait3A_714 = arith.constant 1 : i32
      %dma_wait3A_715 = arith.constant 1 : i32
      %dma_wait3A_716 = arith.constant 0 : i32
      %dma_wait3A_717 = arith.constant 0 : i32
      %dma_wait3A_718 = tpu.memref_slice %arg8[%dma_wait3A_714, %dma_wait3A_715, %dma_wait3A_716, %dma_wait3A_717] : memref<2x3x16x512xf32, #tpu.memory_space<vmem>> -> memref<1x1x16x512xf32, #tpu.memory_space<vmem>>
      %dma_wait3A_719 = tpu.memref_squeeze %dma_wait3A_718 : memref<1x1x16x512xf32, #tpu.memory_space<vmem>> -> memref<16x512xf32, #tpu.memory_space<vmem>>
      %dma_wait3A_720 = arith.constant 0 : i32
      %dma_wait3A_721 = tpu.memref_slice %arg3[%select_n3A, %dma_wait3A_713, %mul3A_32, %dma_wait3A_720] : memref<16x3x512x512xf32, #tpu.memory_space<hbm>> -> memref<1x1x16x512xf32, #tpu.memory_space<hbm>>
      %dma_wait3A_722 = tpu.memref_squeeze %dma_wait3A_721 : memref<1x1x16x512xf32, #tpu.memory_space<hbm>> -> memref<16x512xf32, #tpu.memory_space<hbm>>
      %dma_wait3A_723 = arith.constant 0 : i32
      %dma_wait3A_724 = arith.constant 0 : i32
      %dma_wait3A_725 = tpu.memref_slice %arg8[%dma_wait3A_714, %dma_wait3A_715, %dma_wait3A_723, %dma_wait3A_724] : memref<2x3x16x512xf32, #tpu.memory_space<vmem>> -> memref<1x1x16x512xf32, #tpu.memory_space<vmem>>
      %dma_wait3A_726 = tpu.memref_squeeze %dma_wait3A_725 : memref<1x1x16x512xf32, #tpu.memory_space<vmem>> -> memref<16x512xf32, #tpu.memory_space<vmem>>
      %dma_wait3A_727 = arith.constant 0 : i32
      %dma_wait3A_728 = tpu.memref_slice %arg3[%select_n3A, %dma_wait3A_713, %mul3A_32, %dma_wait3A_727] : memref<16x3x512x512xf32, #tpu.memory_space<hbm>> -> memref<1x1x16x512xf32, #tpu.memory_space<hbm>>
      %dma_wait3A_729 = tpu.memref_squeeze %dma_wait3A_728 : memref<1x1x16x512xf32, #tpu.memory_space<hbm>> -> memref<16x512xf32, #tpu.memory_space<hbm>>
      tpu.wait_dma2 semaphore(%arg13 : memref<!tpu.dma_semaphore, #tpu.memory_space<semaphore_mem>>) src(%dma_wait3A_729 : memref<16x512xf32, #tpu.memory_space<hbm>>) dst(%dma_wait3A_726 : memref<16x512xf32, #tpu.memory_space<vmem>>)
      %dma_wait3A_730 = arith.constant 2 : i32
      %dma_wait3A_731 = arith.constant 1 : i32
      %dma_wait3A_732 = arith.constant 2 : i32
      %dma_wait3A_733 = arith.constant 0 : i32
      %dma_wait3A_734 = arith.constant 0 : i32
      %dma_wait3A_735 = tpu.memref_slice %arg7[%dma_wait3A_731, %dma_wait3A_732, %dma_wait3A_733, %dma_wait3A_734] : memref<2x3x16x512xf32, #tpu.memory_space<vmem>> -> memref<1x1x16x512xf32, #tpu.memory_space<vmem>>
      %dma_wait3A_736 = tpu.memref_squeeze %dma_wait3A_735 : memref<1x1x16x512xf32, #tpu.memory_space<vmem>> -> memref<16x512xf32, #tpu.memory_space<vmem>>
      %dma_wait3A_737 = arith.constant 0 : i32
      %dma_wait3A_738 = tpu.memref_slice %arg2[%select_n3A, %dma_wait3A_730, %mul3A_32, %dma_wait3A_737] : memref<16x3x512x512xf32, #tpu.memory_space<hbm>> -> memref<1x1x16x512xf32, #tpu.memory_space<hbm>>
      %dma_wait3A_739 = tpu.memref_squeeze %dma_wait3A_738 : memref<1x1x16x512xf32, #tpu.memory_space<hbm>> -> memref<16x512xf32, #tpu.memory_space<hbm>>
      %dma_wait3A_740 = arith.constant 0 : i32
      %dma_wait3A_741 = arith.constant 0 : i32
      %dma_wait3A_742 = tpu.memref_slice %arg7[%dma_wait3A_731, %dma_wait3A_732, %dma_wait3A_740, %dma_wait3A_741] : memref<2x3x16x512xf32, #tpu.memory_space<vmem>> -> memref<1x1x16x512xf32, #tpu.memory_space<vmem>>
      %dma_wait3A_743 = tpu.memref_squeeze %dma_wait3A_742 : memref<1x1x16x512xf32, #tpu.memory_space<vmem>> -> memref<16x512xf32, #tpu.memory_space<vmem>>
      %dma_wait3A_744 = arith.constant 0 : i32
      %dma_wait3A_745 = tpu.memref_slice %arg2[%select_n3A, %dma_wait3A_730, %mul3A_32, %dma_wait3A_744] : memref<16x3x512x512xf32, #tpu.memory_space<hbm>> -> memref<1x1x16x512xf32, #tpu.memory_space<hbm>>
      %dma_wait3A_746 = tpu.memref_squeeze %dma_wait3A_745 : memref<1x1x16x512xf32, #tpu.memory_space<hbm>> -> memref<16x512xf32, #tpu.memory_space<hbm>>
      tpu.wait_dma2 semaphore(%arg13 : memref<!tpu.dma_semaphore, #tpu.memory_space<semaphore_mem>>) src(%dma_wait3A_746 : memref<16x512xf32, #tpu.memory_space<hbm>>) dst(%dma_wait3A_743 : memref<16x512xf32, #tpu.memory_space<vmem>>)
      %dma_wait3A_747 = arith.constant 2 : i32
      %dma_wait3A_748 = arith.constant 1 : i32
      %dma_wait3A_749 = arith.constant 2 : i32
      %dma_wait3A_750 = arith.constant 0 : i32
      %dma_wait3A_751 = arith.constant 0 : i32
      %dma_wait3A_752 = tpu.memref_slice %arg8[%dma_wait3A_748, %dma_wait3A_749, %dma_wait3A_750, %dma_wait3A_751] : memref<2x3x16x512xf32, #tpu.memory_space<vmem>> -> memref<1x1x16x512xf32, #tpu.memory_space<vmem>>
      %dma_wait3A_753 = tpu.memref_squeeze %dma_wait3A_752 : memref<1x1x16x512xf32, #tpu.memory_space<vmem>> -> memref<16x512xf32, #tpu.memory_space<vmem>>
      %dma_wait3A_754 = arith.constant 0 : i32
      %dma_wait3A_755 = tpu.memref_slice %arg3[%select_n3A, %dma_wait3A_747, %mul3A_32, %dma_wait3A_754] : memref<16x3x512x512xf32, #tpu.memory_space<hbm>> -> memref<1x1x16x512xf32, #tpu.memory_space<hbm>>
      %dma_wait3A_756 = tpu.memref_squeeze %dma_wait3A_755 : memref<1x1x16x512xf32, #tpu.memory_space<hbm>> -> memref<16x512xf32, #tpu.memory_space<hbm>>
      %dma_wait3A_757 = arith.constant 0 : i32
      %dma_wait3A_758 = arith.constant 0 : i32
      %dma_wait3A_759 = tpu.memref_slice %arg8[%dma_wait3A_748, %dma_wait3A_749, %dma_wait3A_757, %dma_wait3A_758] : memref<2x3x16x512xf32, #tpu.memory_space<vmem>> -> memref<1x1x16x512xf32, #tpu.memory_space<vmem>>
      %dma_wait3A_760 = tpu.memref_squeeze %dma_wait3A_759 : memref<1x1x16x512xf32, #tpu.memory_space<vmem>> -> memref<16x512xf32, #tpu.memory_space<vmem>>
      %dma_wait3A_761 = arith.constant 0 : i32
      %dma_wait3A_762 = tpu.memref_slice %arg3[%select_n3A, %dma_wait3A_747, %mul3A_32, %dma_wait3A_761] : memref<16x3x512x512xf32, #tpu.memory_space<hbm>> -> memref<1x1x16x512xf32, #tpu.memory_space<hbm>>
      %dma_wait3A_763 = tpu.memref_squeeze %dma_wait3A_762 : memref<1x1x16x512xf32, #tpu.memory_space<hbm>> -> memref<16x512xf32, #tpu.memory_space<hbm>>
      tpu.wait_dma2 semaphore(%arg13 : memref<!tpu.dma_semaphore, #tpu.memory_space<semaphore_mem>>) src(%dma_wait3A_763 : memref<16x512xf32, #tpu.memory_space<hbm>>) dst(%dma_wait3A_760 : memref<16x512xf32, #tpu.memory_space<vmem>>)
      %dma_wait3A_764 = arith.constant 1 : i32
      %dma_wait3A_765 = arith.constant 0 : i32
      %dma_wait3A_766 = arith.constant 0 : i32
      %dma_wait3A_767 = tpu.memref_slice %arg9[%dma_wait3A_764, %dma_wait3A_765, %dma_wait3A_766] : memref<2x16x512xi32, #tpu.memory_space<vmem>> -> memref<1x16x512xi32, #tpu.memory_space<vmem>>
      %dma_wait3A_768 = tpu.memref_squeeze %dma_wait3A_767 : memref<1x16x512xi32, #tpu.memory_space<vmem>> -> memref<16x512xi32, #tpu.memory_space<vmem>>
      %dma_wait3A_769 = arith.constant 0 : i32
      %dma_wait3A_770 = tpu.memref_slice %arg4[%select_n3A, %mul3A_32, %dma_wait3A_769] : memref<16x512x512xi32, #tpu.memory_space<hbm>> -> memref<1x16x512xi32, #tpu.memory_space<hbm>>
      %dma_wait3A_771 = tpu.memref_squeeze %dma_wait3A_770 : memref<1x16x512xi32, #tpu.memory_space<hbm>> -> memref<16x512xi32, #tpu.memory_space<hbm>>
      %dma_wait3A_772 = arith.constant 0 : i32
      %dma_wait3A_773 = arith.constant 0 : i32
      %dma_wait3A_774 = tpu.memref_slice %arg9[%dma_wait3A_764, %dma_wait3A_772, %dma_wait3A_773] : memref<2x16x512xi32, #tpu.memory_space<vmem>> -> memref<1x16x512xi32, #tpu.memory_space<vmem>>
      %dma_wait3A_775 = tpu.memref_squeeze %dma_wait3A_774 : memref<1x16x512xi32, #tpu.memory_space<vmem>> -> memref<16x512xi32, #tpu.memory_space<vmem>>
      %dma_wait3A_776 = arith.constant 0 : i32
      %dma_wait3A_777 = tpu.memref_slice %arg4[%select_n3A, %mul3A_32, %dma_wait3A_776] : memref<16x512x512xi32, #tpu.memory_space<hbm>> -> memref<1x16x512xi32, #tpu.memory_space<hbm>>
      %dma_wait3A_778 = tpu.memref_squeeze %dma_wait3A_777 : memref<1x16x512xi32, #tpu.memory_space<hbm>> -> memref<16x512xi32, #tpu.memory_space<hbm>>
      tpu.wait_dma2 semaphore(%arg13 : memref<!tpu.dma_semaphore, #tpu.memory_space<semaphore_mem>>) src(%dma_wait3A_778 : memref<16x512xi32, #tpu.memory_space<hbm>>) dst(%dma_wait3A_775 : memref<16x512xi32, #tpu.memory_space<vmem>>)
      %parallel_loop3A_779 = arith.constant 0 : i32
      %parallel_loop3A_780 = arith.constant 512 : i32
      %parallel_loop3A_781 = arith.constant 1 : i32
      scf.for %parallel_loop3A_783 = %parallel_loop3A_779 to %parallel_loop3A_780 step %parallel_loop3A_781  : i32 {
        %parallel_loop3A_784 = arith.constant 5 : i32
        %parallel_loop3A_785 = arith.shrui %parallel_loop3A_783, %parallel_loop3A_784 : i32
        %parallel_loop3A_786 = arith.constant 31 : i32
        %parallel_loop3A_787 = arith.andi %parallel_loop3A_783, %parallel_loop3A_786 : i32
        %parallel_loop3A_788 = arith.constant 4 : i32
        %parallel_loop3A_789 = arith.shli %parallel_loop3A_787, %parallel_loop3A_788 : i32
        %parallel_loop3A_790 = arith.constant 1 : i32
        %parallel_loop3A_791 = arith.index_cast %parallel_loop3A_790 : i32 to index
        %parallel_loop3A_792 = arith.index_cast %parallel_loop3A_785 : i32 to index
        %parallel_loop3A_793 = arith.index_cast %parallel_loop3A_789 : i32 to index
        %parallel_loop3A_794 = tpu.vector_load %arg9[%parallel_loop3A_791, %parallel_loop3A_792, %parallel_loop3A_793] {strides = array<i32>} : memref<2x16x512xi32, #tpu.memory_space<vmem>>, vector<16xi32>,
        %parallel_loop3A_795 = arith.constant 1 : i32
        %parallel_loop3A_796 = arith.constant 0 : i32
        %parallel_loop3A_797 = arith.index_cast %parallel_loop3A_795 : i32 to index
        %parallel_loop3A_798 = arith.index_cast %parallel_loop3A_796 : i32 to index
        %parallel_loop3A_799 = arith.index_cast %parallel_loop3A_785 : i32 to index
        %parallel_loop3A_800 = arith.index_cast %parallel_loop3A_789 : i32 to index
        %parallel_loop3A_801 = tpu.vector_load %arg7[%parallel_loop3A_797, %parallel_loop3A_798, %parallel_loop3A_799, %parallel_loop3A_800] {strides = array<i32>} : memref<2x3x16x512xf32, #tpu.memory_space<vmem>>, vector<16xf32>,
        %parallel_loop3A_802 = arith.constant 1 : i32
        %parallel_loop3A_803 = arith.constant 0 : i32
        %parallel_loop3A_804 = arith.index_cast %parallel_loop3A_802 : i32 to index
        %parallel_loop3A_805 = arith.index_cast %parallel_loop3A_803 : i32 to index
        %parallel_loop3A_806 = arith.index_cast %parallel_loop3A_785 : i32 to index
        %parallel_loop3A_807 = arith.index_cast %parallel_loop3A_789 : i32 to index
        %parallel_loop3A_808 = tpu.vector_load %arg8[%parallel_loop3A_804, %parallel_loop3A_805, %parallel_loop3A_806, %parallel_loop3A_807] {strides = array<i32>} : memref<2x3x16x512xf32, #tpu.memory_space<vmem>>, vector<16xf32>,
        %parallel_loop3A_809 = arith.subf %parallel_loop3A_801, %parallel_loop3A_808 : vector<16xf32>
        %parallel_loop3A_810 = math.absf %parallel_loop3A_809 : vector<16xf32>
        %parallel_loop3A_811 = arith.constant 1 : i32
        %parallel_loop3A_812 = arith.constant 1 : i32
        %parallel_loop3A_813 = arith.index_cast %parallel_loop3A_811 : i32 to index
        %parallel_loop3A_814 = arith.index_cast %parallel_loop3A_812 : i32 to index
        %parallel_loop3A_815 = arith.index_cast %parallel_loop3A_785 : i32 to index
        %parallel_loop3A_816 = arith.index_cast %parallel_loop3A_789 : i32 to index
        %parallel_loop3A_817 = tpu.vector_load %arg7[%parallel_loop3A_813, %parallel_loop3A_814, %parallel_loop3A_815, %parallel_loop3A_816] {strides = array<i32>} : memref<2x3x16x512xf32, #tpu.memory_space<vmem>>, vector<16xf32>,
        %parallel_loop3A_818 = arith.constant 1 : i32
        %parallel_loop3A_819 = arith.constant 1 : i32
        %parallel_loop3A_820 = arith.index_cast %parallel_loop3A_818 : i32 to index
        %parallel_loop3A_821 = arith.index_cast %parallel_loop3A_819 : i32 to index
        %parallel_loop3A_822 = arith.index_cast %parallel_loop3A_785 : i32 to index
        %parallel_loop3A_823 = arith.index_cast %parallel_loop3A_789 : i32 to index
        %parallel_loop3A_824 = tpu.vector_load %arg8[%parallel_loop3A_820, %parallel_loop3A_821, %parallel_loop3A_822, %parallel_loop3A_823] {strides = array<i32>} : memref<2x3x16x512xf32, #tpu.memory_space<vmem>>, vector<16xf32>,
        %parallel_loop3A_825 = arith.subf %parallel_loop3A_817, %parallel_loop3A_824 : vector<16xf32>
        %parallel_loop3A_826 = math.absf %parallel_loop3A_825 : vector<16xf32>
        %parallel_loop3A_827 = arith.addf %parallel_loop3A_810, %parallel_loop3A_826 : vector<16xf32>
        %parallel_loop3A_828 = arith.constant 1 : i32
        %parallel_loop3A_829 = arith.constant 2 : i32
        %parallel_loop3A_830 = arith.index_cast %parallel_loop3A_828 : i32 to index
        %parallel_loop3A_831 = arith.index_cast %parallel_loop3A_829 : i32 to index
        %parallel_loop3A_832 = arith.index_cast %parallel_loop3A_785 : i32 to index
        %parallel_loop3A_833 = arith.index_cast %parallel_loop3A_789 : i32 to index
        %parallel_loop3A_834 = tpu.vector_load %arg7[%parallel_loop3A_830, %parallel_loop3A_831, %parallel_loop3A_832, %parallel_loop3A_833] {strides = array<i32>} : memref<2x3x16x512xf32, #tpu.memory_space<vmem>>, vector<16xf32>,
        %parallel_loop3A_835 = arith.constant 1 : i32
        %parallel_loop3A_836 = arith.constant 2 : i32
        %parallel_loop3A_837 = arith.index_cast %parallel_loop3A_835 : i32 to index
        %parallel_loop3A_838 = arith.index_cast %parallel_loop3A_836 : i32 to index
        %parallel_loop3A_839 = arith.index_cast %parallel_loop3A_785 : i32 to index
        %parallel_loop3A_840 = arith.index_cast %parallel_loop3A_789 : i32 to index
        %parallel_loop3A_841 = tpu.vector_load %arg8[%parallel_loop3A_837, %parallel_loop3A_838, %parallel_loop3A_839, %parallel_loop3A_840] {strides = array<i32>} : memref<2x3x16x512xf32, #tpu.memory_space<vmem>>, vector<16xf32>,
        %parallel_loop3A_842 = arith.subf %parallel_loop3A_834, %parallel_loop3A_841 : vector<16xf32>
        %parallel_loop3A_843 = math.absf %parallel_loop3A_842 : vector<16xf32>
        %parallel_loop3A_844 = arith.addf %parallel_loop3A_827, %parallel_loop3A_843 : vector<16xf32>
        %parallel_loop3A_845 = arith.constant 4 : i32
        %parallel_loop3A_846 = vector.broadcast %parallel_loop3A_845 : i32 to vector<16xi32>
        %parallel_loop3A_847 = arith.shli %parallel_loop3A_794, %parallel_loop3A_846 : vector<16xi32>
        %parallel_loop3A_848 = arith.addi %iota3A, %parallel_loop3A_847 : vector<16xi32>
        tpu.vector_store_idx %arg10[%parallel_loop3A_848], %parallel_loop3A_844 {add = true} : memref<1024xf32, #tpu.memory_space<vmem>>[vector<16xi32>], vector<16xf32>,
        tpu.vector_store_idx %arg11[%parallel_loop3A_848], %broadcast_in_dim3A_35 {add = true} : memref<1024xf32, #tpu.memory_space<vmem>>[vector<16xi32>], vector<16xf32>,
      } {sc.loop_unroll_factor = 8 : i64, sc.parallel_access}
      %scan3A_782 = arith.constant 0 : i32
      scf.yield %scan3A_782 : i32
    }
    %scan3A_414 = arith.constant 8 : i32
    "tpu.region"() ({
      %run_scoped3A = tpu.sem_alloc : memref<!tpu.dma_semaphore, #tpu.memory_space<semaphore_mem>>
      %dma_start3A_415 = arith.constant 0 : i32
      %dma_start3A_416 = tpu.memref_slice %arg5[%add3A, %dma_start3A_415] : memref<32x1024xf32, #tpu.memory_space<hbm>> -> memref<1x1024xf32, #tpu.memory_space<hbm>>
      %dma_start3A_417 = tpu.memref_squeeze %dma_start3A_416 : memref<1x1024xf32, #tpu.memory_space<hbm>> -> memref<1024xf32, #tpu.memory_space<hbm>>
      %dma_start3A_418 = arith.constant 0 : i32
      %dma_start3A_419 = tpu.memref_slice %arg5[%add3A, %dma_start3A_418] : memref<32x1024xf32, #tpu.memory_space<hbm>> -> memref<1x1024xf32, #tpu.memory_space<hbm>>
      %dma_start3A_420 = tpu.memref_squeeze %dma_start3A_419 : memref<1x1024xf32, #tpu.memory_space<hbm>> -> memref<1024xf32, #tpu.memory_space<hbm>>
      tpu.enqueue_dma source(%arg10 : memref<1024xf32, #tpu.memory_space<vmem>>) target(%dma_start3A_420 : memref<1024xf32, #tpu.memory_space<hbm>>) target_semaphore(%run_scoped3A : memref<!tpu.dma_semaphore, #tpu.memory_space<semaphore_mem>>)
      %dma_wait3A = arith.constant 0 : i32
      %dma_wait3A_421 = tpu.memref_slice %arg5[%add3A, %dma_wait3A] : memref<32x1024xf32, #tpu.memory_space<hbm>> -> memref<1x1024xf32, #tpu.memory_space<hbm>>
      %dma_wait3A_422 = tpu.memref_squeeze %dma_wait3A_421 : memref<1x1024xf32, #tpu.memory_space<hbm>> -> memref<1024xf32, #tpu.memory_space<hbm>>
      %dma_wait3A_423 = arith.constant 0 : i32
      %dma_wait3A_424 = tpu.memref_slice %arg5[%add3A, %dma_wait3A_423] : memref<32x1024xf32, #tpu.memory_space<hbm>> -> memref<1x1024xf32, #tpu.memory_space<hbm>>
      %dma_wait3A_425 = tpu.memref_squeeze %dma_wait3A_424 : memref<1x1024xf32, #tpu.memory_space<hbm>> -> memref<1024xf32, #tpu.memory_space<hbm>>
      tpu.wait_dma2 semaphore(%run_scoped3A : memref<!tpu.dma_semaphore, #tpu.memory_space<semaphore_mem>>) src(%arg10 : memref<1024xf32, #tpu.memory_space<vmem>>) dst(%dma_wait3A_425 : memref<1024xf32, #tpu.memory_space<hbm>>)
      tpu.yield
    }) : () -> ()
    "tpu.region"() ({
      %run_scoped3A = tpu.sem_alloc : memref<!tpu.dma_semaphore, #tpu.memory_space<semaphore_mem>>
      %dma_start3A_415 = arith.constant 0 : i32
      %dma_start3A_416 = tpu.memref_slice %arg6[%add3A, %dma_start3A_415] : memref<32x1024xf32, #tpu.memory_space<hbm>> -> memref<1x1024xf32, #tpu.memory_space<hbm>>
      %dma_start3A_417 = tpu.memref_squeeze %dma_start3A_416 : memref<1x1024xf32, #tpu.memory_space<hbm>> -> memref<1024xf32, #tpu.memory_space<hbm>>
      %dma_start3A_418 = arith.constant 0 : i32
      %dma_start3A_419 = tpu.memref_slice %arg6[%add3A, %dma_start3A_418] : memref<32x1024xf32, #tpu.memory_space<hbm>> -> memref<1x1024xf32, #tpu.memory_space<hbm>>
      %dma_start3A_420 = tpu.memref_squeeze %dma_start3A_419 : memref<1x1024xf32, #tpu.memory_space<hbm>> -> memref<1024xf32, #tpu.memory_space<hbm>>
      tpu.enqueue_dma source(%arg11 : memref<1024xf32, #tpu.memory_space<vmem>>) target(%dma_start3A_420 : memref<1024xf32, #tpu.memory_space<hbm>>) target_semaphore(%run_scoped3A : memref<!tpu.dma_semaphore, #tpu.memory_space<semaphore_mem>>)
      %dma_wait3A = arith.constant 0 : i32
      %dma_wait3A_421 = tpu.memref_slice %arg6[%add3A, %dma_wait3A] : memref<32x1024xf32, #tpu.memory_space<hbm>> -> memref<1x1024xf32, #tpu.memory_space<hbm>>
      %dma_wait3A_422 = tpu.memref_squeeze %dma_wait3A_421 : memref<1x1024xf32, #tpu.memory_space<hbm>> -> memref<1024xf32, #tpu.memory_space<hbm>>
      %dma_wait3A_423 = arith.constant 0 : i32
      %dma_wait3A_424 = tpu.memref_slice %arg6[%add3A, %dma_wait3A_423] : memref<32x1024xf32, #tpu.memory_space<hbm>> -> memref<1x1024xf32, #tpu.memory_space<hbm>>
      %dma_wait3A_425 = tpu.memref_squeeze %dma_wait3A_424 : memref<1x1024xf32, #tpu.memory_space<hbm>> -> memref<1024xf32, #tpu.memory_space<hbm>>
      tpu.wait_dma2 semaphore(%run_scoped3A : memref<!tpu.dma_semaphore, #tpu.memory_space<semaphore_mem>>) src(%arg11 : memref<1024xf32, #tpu.memory_space<vmem>>) dst(%dma_wait3A_425 : memref<1024xf32, #tpu.memory_space<hbm>>)
      tpu.yield
    }) : () -> ()
    return
  }
}

module attributes {stable_mosaic.version = 14 : i64} {
  func.func @_combine_body(%arg0: memref<32x64x16xf32, #tpu.memory_space<vmem>>, %arg1: memref<32x64x16xf32, #tpu.memory_space<vmem>>, %arg2: memref<1x1xf32, #tpu.memory_space<smem>>) attributes {dimension_semantics = [], scalar_prefetch = 0 : i64, scratch_operands = 0 : i64, tpu.core_type = #tpu.core_type<tc>} {
    %get3A = arith.constant 0 : index
    %get3A_0 = arith.constant 0 : index
    %get3A_1 = arith.constant 0 : index
    %get3A_2 = vector.load %arg0[%get3A, %get3A_0, %get3A_1] : memref<32x64x16xf32, #tpu.memory_space<vmem>>, vector<32x64x16xf32>
    %reduce_sum3A = arith.constant dense<0.000000e+00> : vector<32x64xf32>
    %reduce_sum3A_3 = vector.multi_reduction <add>, %get3A_2, %reduce_sum3A [2] : vector<32x64x16xf32> to vector<32x64xf32>
    %get3A_4 = arith.constant 0 : index
    %get3A_5 = arith.constant 0 : index
    %get3A_6 = arith.constant 0 : index
    %get3A_7 = vector.load %arg1[%get3A_4, %get3A_5, %get3A_6] : memref<32x64x16xf32, #tpu.memory_space<vmem>>, vector<32x64x16xf32>
    %reduce_sum3A_8 = arith.constant dense<0.000000e+00> : vector<32x64xf32>
    %reduce_sum3A_9 = vector.multi_reduction <add>, %get3A_7, %reduce_sum3A_8 [2] : vector<32x64x16xf32> to vector<32x64xf32>
    %slice3A = vector.extract_strided_slice %reduce_sum3A_3 {offsets = [0, 0], sizes = [1, 64], strides = [1, 1]} : vector<32x64xf32> to vector<1x64xf32>
    %squeeze3A = vector.shape_cast %slice3A : vector<1x64xf32> to vector<64xf32>
    %slice3A_10 = vector.extract_strided_slice %reduce_sum3A_3 {offsets = [1, 0], sizes = [1, 64], strides = [1, 1]} : vector<32x64xf32> to vector<1x64xf32>
    %squeeze3A_11 = vector.shape_cast %slice3A_10 : vector<1x64xf32> to vector<64xf32>
    %add3A = arith.addf %squeeze3A, %squeeze3A_11 : vector<64xf32>
    %slice3A_12 = vector.extract_strided_slice %reduce_sum3A_3 {offsets = [2, 0], sizes = [1, 64], strides = [1, 1]} : vector<32x64xf32> to vector<1x64xf32>
    %squeeze3A_13 = vector.shape_cast %slice3A_12 : vector<1x64xf32> to vector<64xf32>
    %slice3A_14 = vector.extract_strided_slice %reduce_sum3A_3 {offsets = [3, 0], sizes = [1, 64], strides = [1, 1]} : vector<32x64xf32> to vector<1x64xf32>
    %squeeze3A_15 = vector.shape_cast %slice3A_14 : vector<1x64xf32> to vector<64xf32>
    %add3A_16 = arith.addf %squeeze3A_13, %squeeze3A_15 : vector<64xf32>
    %slice3A_17 = vector.extract_strided_slice %reduce_sum3A_3 {offsets = [4, 0], sizes = [1, 64], strides = [1, 1]} : vector<32x64xf32> to vector<1x64xf32>
    %squeeze3A_18 = vector.shape_cast %slice3A_17 : vector<1x64xf32> to vector<64xf32>
    %slice3A_19 = vector.extract_strided_slice %reduce_sum3A_3 {offsets = [5, 0], sizes = [1, 64], strides = [1, 1]} : vector<32x64xf32> to vector<1x64xf32>
    %squeeze3A_20 = vector.shape_cast %slice3A_19 : vector<1x64xf32> to vector<64xf32>
    %add3A_21 = arith.addf %squeeze3A_18, %squeeze3A_20 : vector<64xf32>
    %slice3A_22 = vector.extract_strided_slice %reduce_sum3A_3 {offsets = [6, 0], sizes = [1, 64], strides = [1, 1]} : vector<32x64xf32> to vector<1x64xf32>
    %squeeze3A_23 = vector.shape_cast %slice3A_22 : vector<1x64xf32> to vector<64xf32>
    %slice3A_24 = vector.extract_strided_slice %reduce_sum3A_3 {offsets = [7, 0], sizes = [1, 64], strides = [1, 1]} : vector<32x64xf32> to vector<1x64xf32>
    %squeeze3A_25 = vector.shape_cast %slice3A_24 : vector<1x64xf32> to vector<64xf32>
    %add3A_26 = arith.addf %squeeze3A_23, %squeeze3A_25 : vector<64xf32>
    %slice3A_27 = vector.extract_strided_slice %reduce_sum3A_3 {offsets = [8, 0], sizes = [1, 64], strides = [1, 1]} : vector<32x64xf32> to vector<1x64xf32>
    %squeeze3A_28 = vector.shape_cast %slice3A_27 : vector<1x64xf32> to vector<64xf32>
    %slice3A_29 = vector.extract_strided_slice %reduce_sum3A_3 {offsets = [9, 0], sizes = [1, 64], strides = [1, 1]} : vector<32x64xf32> to vector<1x64xf32>
    %squeeze3A_30 = vector.shape_cast %slice3A_29 : vector<1x64xf32> to vector<64xf32>
    %add3A_31 = arith.addf %squeeze3A_28, %squeeze3A_30 : vector<64xf32>
    %slice3A_32 = vector.extract_strided_slice %reduce_sum3A_3 {offsets = [10, 0], sizes = [1, 64], strides = [1, 1]} : vector<32x64xf32> to vector<1x64xf32>
    %squeeze3A_33 = vector.shape_cast %slice3A_32 : vector<1x64xf32> to vector<64xf32>
    %slice3A_34 = vector.extract_strided_slice %reduce_sum3A_3 {offsets = [11, 0], sizes = [1, 64], strides = [1, 1]} : vector<32x64xf32> to vector<1x64xf32>
    %squeeze3A_35 = vector.shape_cast %slice3A_34 : vector<1x64xf32> to vector<64xf32>
    %add3A_36 = arith.addf %squeeze3A_33, %squeeze3A_35 : vector<64xf32>
    %slice3A_37 = vector.extract_strided_slice %reduce_sum3A_3 {offsets = [12, 0], sizes = [1, 64], strides = [1, 1]} : vector<32x64xf32> to vector<1x64xf32>
    %squeeze3A_38 = vector.shape_cast %slice3A_37 : vector<1x64xf32> to vector<64xf32>
    %slice3A_39 = vector.extract_strided_slice %reduce_sum3A_3 {offsets = [13, 0], sizes = [1, 64], strides = [1, 1]} : vector<32x64xf32> to vector<1x64xf32>
    %squeeze3A_40 = vector.shape_cast %slice3A_39 : vector<1x64xf32> to vector<64xf32>
    %add3A_41 = arith.addf %squeeze3A_38, %squeeze3A_40 : vector<64xf32>
    %slice3A_42 = vector.extract_strided_slice %reduce_sum3A_3 {offsets = [14, 0], sizes = [1, 64], strides = [1, 1]} : vector<32x64xf32> to vector<1x64xf32>
    %squeeze3A_43 = vector.shape_cast %slice3A_42 : vector<1x64xf32> to vector<64xf32>
    %slice3A_44 = vector.extract_strided_slice %reduce_sum3A_3 {offsets = [15, 0], sizes = [1, 64], strides = [1, 1]} : vector<32x64xf32> to vector<1x64xf32>
    %squeeze3A_45 = vector.shape_cast %slice3A_44 : vector<1x64xf32> to vector<64xf32>
    %add3A_46 = arith.addf %squeeze3A_43, %squeeze3A_45 : vector<64xf32>
    %slice3A_47 = vector.extract_strided_slice %reduce_sum3A_3 {offsets = [16, 0], sizes = [1, 64], strides = [1, 1]} : vector<32x64xf32> to vector<1x64xf32>
    %squeeze3A_48 = vector.shape_cast %slice3A_47 : vector<1x64xf32> to vector<64xf32>
    %slice3A_49 = vector.extract_strided_slice %reduce_sum3A_3 {offsets = [17, 0], sizes = [1, 64], strides = [1, 1]} : vector<32x64xf32> to vector<1x64xf32>
    %squeeze3A_50 = vector.shape_cast %slice3A_49 : vector<1x64xf32> to vector<64xf32>
    %add3A_51 = arith.addf %squeeze3A_48, %squeeze3A_50 : vector<64xf32>
    %slice3A_52 = vector.extract_strided_slice %reduce_sum3A_3 {offsets = [18, 0], sizes = [1, 64], strides = [1, 1]} : vector<32x64xf32> to vector<1x64xf32>
    %squeeze3A_53 = vector.shape_cast %slice3A_52 : vector<1x64xf32> to vector<64xf32>
    %slice3A_54 = vector.extract_strided_slice %reduce_sum3A_3 {offsets = [19, 0], sizes = [1, 64], strides = [1, 1]} : vector<32x64xf32> to vector<1x64xf32>
    %squeeze3A_55 = vector.shape_cast %slice3A_54 : vector<1x64xf32> to vector<64xf32>
    %add3A_56 = arith.addf %squeeze3A_53, %squeeze3A_55 : vector<64xf32>
    %slice3A_57 = vector.extract_strided_slice %reduce_sum3A_3 {offsets = [20, 0], sizes = [1, 64], strides = [1, 1]} : vector<32x64xf32> to vector<1x64xf32>
    %squeeze3A_58 = vector.shape_cast %slice3A_57 : vector<1x64xf32> to vector<64xf32>
    %slice3A_59 = vector.extract_strided_slice %reduce_sum3A_3 {offsets = [21, 0], sizes = [1, 64], strides = [1, 1]} : vector<32x64xf32> to vector<1x64xf32>
    %squeeze3A_60 = vector.shape_cast %slice3A_59 : vector<1x64xf32> to vector<64xf32>
    %add3A_61 = arith.addf %squeeze3A_58, %squeeze3A_60 : vector<64xf32>
    %slice3A_62 = vector.extract_strided_slice %reduce_sum3A_3 {offsets = [22, 0], sizes = [1, 64], strides = [1, 1]} : vector<32x64xf32> to vector<1x64xf32>
    %squeeze3A_63 = vector.shape_cast %slice3A_62 : vector<1x64xf32> to vector<64xf32>
    %slice3A_64 = vector.extract_strided_slice %reduce_sum3A_3 {offsets = [23, 0], sizes = [1, 64], strides = [1, 1]} : vector<32x64xf32> to vector<1x64xf32>
    %squeeze3A_65 = vector.shape_cast %slice3A_64 : vector<1x64xf32> to vector<64xf32>
    %add3A_66 = arith.addf %squeeze3A_63, %squeeze3A_65 : vector<64xf32>
    %slice3A_67 = vector.extract_strided_slice %reduce_sum3A_3 {offsets = [24, 0], sizes = [1, 64], strides = [1, 1]} : vector<32x64xf32> to vector<1x64xf32>
    %squeeze3A_68 = vector.shape_cast %slice3A_67 : vector<1x64xf32> to vector<64xf32>
    %slice3A_69 = vector.extract_strided_slice %reduce_sum3A_3 {offsets = [25, 0], sizes = [1, 64], strides = [1, 1]} : vector<32x64xf32> to vector<1x64xf32>
    %squeeze3A_70 = vector.shape_cast %slice3A_69 : vector<1x64xf32> to vector<64xf32>
    %add3A_71 = arith.addf %squeeze3A_68, %squeeze3A_70 : vector<64xf32>
    %slice3A_72 = vector.extract_strided_slice %reduce_sum3A_3 {offsets = [26, 0], sizes = [1, 64], strides = [1, 1]} : vector<32x64xf32> to vector<1x64xf32>
    %squeeze3A_73 = vector.shape_cast %slice3A_72 : vector<1x64xf32> to vector<64xf32>
    %slice3A_74 = vector.extract_strided_slice %reduce_sum3A_3 {offsets = [27, 0], sizes = [1, 64], strides = [1, 1]} : vector<32x64xf32> to vector<1x64xf32>
    %squeeze3A_75 = vector.shape_cast %slice3A_74 : vector<1x64xf32> to vector<64xf32>
    %add3A_76 = arith.addf %squeeze3A_73, %squeeze3A_75 : vector<64xf32>
    %slice3A_77 = vector.extract_strided_slice %reduce_sum3A_3 {offsets = [28, 0], sizes = [1, 64], strides = [1, 1]} : vector<32x64xf32> to vector<1x64xf32>
    %squeeze3A_78 = vector.shape_cast %slice3A_77 : vector<1x64xf32> to vector<64xf32>
    %slice3A_79 = vector.extract_strided_slice %reduce_sum3A_3 {offsets = [29, 0], sizes = [1, 64], strides = [1, 1]} : vector<32x64xf32> to vector<1x64xf32>
    %squeeze3A_80 = vector.shape_cast %slice3A_79 : vector<1x64xf32> to vector<64xf32>
    %add3A_81 = arith.addf %squeeze3A_78, %squeeze3A_80 : vector<64xf32>
    %slice3A_82 = vector.extract_strided_slice %reduce_sum3A_3 {offsets = [30, 0], sizes = [1, 64], strides = [1, 1]} : vector<32x64xf32> to vector<1x64xf32>
    %squeeze3A_83 = vector.shape_cast %slice3A_82 : vector<1x64xf32> to vector<64xf32>
    %slice3A_84 = vector.extract_strided_slice %reduce_sum3A_3 {offsets = [31, 0], sizes = [1, 64], strides = [1, 1]} : vector<32x64xf32> to vector<1x64xf32>
    %squeeze3A_85 = vector.shape_cast %slice3A_84 : vector<1x64xf32> to vector<64xf32>
    %add3A_86 = arith.addf %squeeze3A_83, %squeeze3A_85 : vector<64xf32>
    %stack3A = vector.shape_cast %add3A : vector<64xf32> to vector<1x64xf32>
    %stack3A_87 = vector.shape_cast %add3A_16 : vector<64xf32> to vector<1x64xf32>
    %stack3A_88 = vector.shape_cast %add3A_21 : vector<64xf32> to vector<1x64xf32>
    %stack3A_89 = vector.shape_cast %add3A_26 : vector<64xf32> to vector<1x64xf32>
    %stack3A_90 = vector.shape_cast %add3A_31 : vector<64xf32> to vector<1x64xf32>
    %stack3A_91 = vector.shape_cast %add3A_36 : vector<64xf32> to vector<1x64xf32>
    %stack3A_92 = vector.shape_cast %add3A_41 : vector<64xf32> to vector<1x64xf32>
    %stack3A_93 = vector.shape_cast %add3A_46 : vector<64xf32> to vector<1x64xf32>
    %stack3A_94 = vector.shape_cast %add3A_51 : vector<64xf32> to vector<1x64xf32>
    %stack3A_95 = vector.shape_cast %add3A_56 : vector<64xf32> to vector<1x64xf32>
    %stack3A_96 = vector.shape_cast %add3A_61 : vector<64xf32> to vector<1x64xf32>
    %stack3A_97 = vector.shape_cast %add3A_66 : vector<64xf32> to vector<1x64xf32>
    %stack3A_98 = vector.shape_cast %add3A_71 : vector<64xf32> to vector<1x64xf32>
    %stack3A_99 = vector.shape_cast %add3A_76 : vector<64xf32> to vector<1x64xf32>
    %stack3A_100 = vector.shape_cast %add3A_81 : vector<64xf32> to vector<1x64xf32>
    %stack3A_101 = vector.shape_cast %add3A_86 : vector<64xf32> to vector<1x64xf32>
    %stack3A_102 = tpu.concatenate %stack3A, %stack3A_87, %stack3A_88, %stack3A_89, %stack3A_90, %stack3A_91, %stack3A_92, %stack3A_93, %stack3A_94, %stack3A_95, %stack3A_96, %stack3A_97, %stack3A_98, %stack3A_99, %stack3A_100, %stack3A_101 in 0 : vector<1x64xf32>, vector<1x64xf32>, vector<1x64xf32>, vector<1x64xf32>, vector<1x64xf32>, vector<1x64xf32>, vector<1x64xf32>, vector<1x64xf32>, vector<1x64xf32>, vector<1x64xf32>, vector<1x64xf32>, vector<1x64xf32>, vector<1x64xf32>, vector<1x64xf32>, vector<1x64xf32>, vector<1x64xf32> -> vector<16x64xf32>
    %slice3A_103 = vector.extract_strided_slice %reduce_sum3A_9 {offsets = [0, 0], sizes = [1, 64], strides = [1, 1]} : vector<32x64xf32> to vector<1x64xf32>
    %squeeze3A_104 = vector.shape_cast %slice3A_103 : vector<1x64xf32> to vector<64xf32>
    %slice3A_105 = vector.extract_strided_slice %reduce_sum3A_9 {offsets = [1, 0], sizes = [1, 64], strides = [1, 1]} : vector<32x64xf32> to vector<1x64xf32>
    %squeeze3A_106 = vector.shape_cast %slice3A_105 : vector<1x64xf32> to vector<64xf32>
    %add3A_107 = arith.addf %squeeze3A_104, %squeeze3A_106 : vector<64xf32>
    %slice3A_108 = vector.extract_strided_slice %reduce_sum3A_9 {offsets = [2, 0], sizes = [1, 64], strides = [1, 1]} : vector<32x64xf32> to vector<1x64xf32>
    %squeeze3A_109 = vector.shape_cast %slice3A_108 : vector<1x64xf32> to vector<64xf32>
    %slice3A_110 = vector.extract_strided_slice %reduce_sum3A_9 {offsets = [3, 0], sizes = [1, 64], strides = [1, 1]} : vector<32x64xf32> to vector<1x64xf32>
    %squeeze3A_111 = vector.shape_cast %slice3A_110 : vector<1x64xf32> to vector<64xf32>
    %add3A_112 = arith.addf %squeeze3A_109, %squeeze3A_111 : vector<64xf32>
    %slice3A_113 = vector.extract_strided_slice %reduce_sum3A_9 {offsets = [4, 0], sizes = [1, 64], strides = [1, 1]} : vector<32x64xf32> to vector<1x64xf32>
    %squeeze3A_114 = vector.shape_cast %slice3A_113 : vector<1x64xf32> to vector<64xf32>
    %slice3A_115 = vector.extract_strided_slice %reduce_sum3A_9 {offsets = [5, 0], sizes = [1, 64], strides = [1, 1]} : vector<32x64xf32> to vector<1x64xf32>
    %squeeze3A_116 = vector.shape_cast %slice3A_115 : vector<1x64xf32> to vector<64xf32>
    %add3A_117 = arith.addf %squeeze3A_114, %squeeze3A_116 : vector<64xf32>
    %slice3A_118 = vector.extract_strided_slice %reduce_sum3A_9 {offsets = [6, 0], sizes = [1, 64], strides = [1, 1]} : vector<32x64xf32> to vector<1x64xf32>
    %squeeze3A_119 = vector.shape_cast %slice3A_118 : vector<1x64xf32> to vector<64xf32>
    %slice3A_120 = vector.extract_strided_slice %reduce_sum3A_9 {offsets = [7, 0], sizes = [1, 64], strides = [1, 1]} : vector<32x64xf32> to vector<1x64xf32>
    %squeeze3A_121 = vector.shape_cast %slice3A_120 : vector<1x64xf32> to vector<64xf32>
    %add3A_122 = arith.addf %squeeze3A_119, %squeeze3A_121 : vector<64xf32>
    %slice3A_123 = vector.extract_strided_slice %reduce_sum3A_9 {offsets = [8, 0], sizes = [1, 64], strides = [1, 1]} : vector<32x64xf32> to vector<1x64xf32>
    %squeeze3A_124 = vector.shape_cast %slice3A_123 : vector<1x64xf32> to vector<64xf32>
    %slice3A_125 = vector.extract_strided_slice %reduce_sum3A_9 {offsets = [9, 0], sizes = [1, 64], strides = [1, 1]} : vector<32x64xf32> to vector<1x64xf32>
    %squeeze3A_126 = vector.shape_cast %slice3A_125 : vector<1x64xf32> to vector<64xf32>
    %add3A_127 = arith.addf %squeeze3A_124, %squeeze3A_126 : vector<64xf32>
    %slice3A_128 = vector.extract_strided_slice %reduce_sum3A_9 {offsets = [10, 0], sizes = [1, 64], strides = [1, 1]} : vector<32x64xf32> to vector<1x64xf32>
    %squeeze3A_129 = vector.shape_cast %slice3A_128 : vector<1x64xf32> to vector<64xf32>
    %slice3A_130 = vector.extract_strided_slice %reduce_sum3A_9 {offsets = [11, 0], sizes = [1, 64], strides = [1, 1]} : vector<32x64xf32> to vector<1x64xf32>
    %squeeze3A_131 = vector.shape_cast %slice3A_130 : vector<1x64xf32> to vector<64xf32>
    %add3A_132 = arith.addf %squeeze3A_129, %squeeze3A_131 : vector<64xf32>
    %slice3A_133 = vector.extract_strided_slice %reduce_sum3A_9 {offsets = [12, 0], sizes = [1, 64], strides = [1, 1]} : vector<32x64xf32> to vector<1x64xf32>
    %squeeze3A_134 = vector.shape_cast %slice3A_133 : vector<1x64xf32> to vector<64xf32>
    %slice3A_135 = vector.extract_strided_slice %reduce_sum3A_9 {offsets = [13, 0], sizes = [1, 64], strides = [1, 1]} : vector<32x64xf32> to vector<1x64xf32>
    %squeeze3A_136 = vector.shape_cast %slice3A_135 : vector<1x64xf32> to vector<64xf32>
    %add3A_137 = arith.addf %squeeze3A_134, %squeeze3A_136 : vector<64xf32>
    %slice3A_138 = vector.extract_strided_slice %reduce_sum3A_9 {offsets = [14, 0], sizes = [1, 64], strides = [1, 1]} : vector<32x64xf32> to vector<1x64xf32>
    %squeeze3A_139 = vector.shape_cast %slice3A_138 : vector<1x64xf32> to vector<64xf32>
    %slice3A_140 = vector.extract_strided_slice %reduce_sum3A_9 {offsets = [15, 0], sizes = [1, 64], strides = [1, 1]} : vector<32x64xf32> to vector<1x64xf32>
    %squeeze3A_141 = vector.shape_cast %slice3A_140 : vector<1x64xf32> to vector<64xf32>
    %add3A_142 = arith.addf %squeeze3A_139, %squeeze3A_141 : vector<64xf32>
    %slice3A_143 = vector.extract_strided_slice %reduce_sum3A_9 {offsets = [16, 0], sizes = [1, 64], strides = [1, 1]} : vector<32x64xf32> to vector<1x64xf32>
    %squeeze3A_144 = vector.shape_cast %slice3A_143 : vector<1x64xf32> to vector<64xf32>
    %slice3A_145 = vector.extract_strided_slice %reduce_sum3A_9 {offsets = [17, 0], sizes = [1, 64], strides = [1, 1]} : vector<32x64xf32> to vector<1x64xf32>
    %squeeze3A_146 = vector.shape_cast %slice3A_145 : vector<1x64xf32> to vector<64xf32>
    %add3A_147 = arith.addf %squeeze3A_144, %squeeze3A_146 : vector<64xf32>
    %slice3A_148 = vector.extract_strided_slice %reduce_sum3A_9 {offsets = [18, 0], sizes = [1, 64], strides = [1, 1]} : vector<32x64xf32> to vector<1x64xf32>
    %squeeze3A_149 = vector.shape_cast %slice3A_148 : vector<1x64xf32> to vector<64xf32>
    %slice3A_150 = vector.extract_strided_slice %reduce_sum3A_9 {offsets = [19, 0], sizes = [1, 64], strides = [1, 1]} : vector<32x64xf32> to vector<1x64xf32>
    %squeeze3A_151 = vector.shape_cast %slice3A_150 : vector<1x64xf32> to vector<64xf32>
    %add3A_152 = arith.addf %squeeze3A_149, %squeeze3A_151 : vector<64xf32>
    %slice3A_153 = vector.extract_strided_slice %reduce_sum3A_9 {offsets = [20, 0], sizes = [1, 64], strides = [1, 1]} : vector<32x64xf32> to vector<1x64xf32>
    %squeeze3A_154 = vector.shape_cast %slice3A_153 : vector<1x64xf32> to vector<64xf32>
    %slice3A_155 = vector.extract_strided_slice %reduce_sum3A_9 {offsets = [21, 0], sizes = [1, 64], strides = [1, 1]} : vector<32x64xf32> to vector<1x64xf32>
    %squeeze3A_156 = vector.shape_cast %slice3A_155 : vector<1x64xf32> to vector<64xf32>
    %add3A_157 = arith.addf %squeeze3A_154, %squeeze3A_156 : vector<64xf32>
    %slice3A_158 = vector.extract_strided_slice %reduce_sum3A_9 {offsets = [22, 0], sizes = [1, 64], strides = [1, 1]} : vector<32x64xf32> to vector<1x64xf32>
    %squeeze3A_159 = vector.shape_cast %slice3A_158 : vector<1x64xf32> to vector<64xf32>
    %slice3A_160 = vector.extract_strided_slice %reduce_sum3A_9 {offsets = [23, 0], sizes = [1, 64], strides = [1, 1]} : vector<32x64xf32> to vector<1x64xf32>
    %squeeze3A_161 = vector.shape_cast %slice3A_160 : vector<1x64xf32> to vector<64xf32>
    %add3A_162 = arith.addf %squeeze3A_159, %squeeze3A_161 : vector<64xf32>
    %slice3A_163 = vector.extract_strided_slice %reduce_sum3A_9 {offsets = [24, 0], sizes = [1, 64], strides = [1, 1]} : vector<32x64xf32> to vector<1x64xf32>
    %squeeze3A_164 = vector.shape_cast %slice3A_163 : vector<1x64xf32> to vector<64xf32>
    %slice3A_165 = vector.extract_strided_slice %reduce_sum3A_9 {offsets = [25, 0], sizes = [1, 64], strides = [1, 1]} : vector<32x64xf32> to vector<1x64xf32>
    %squeeze3A_166 = vector.shape_cast %slice3A_165 : vector<1x64xf32> to vector<64xf32>
    %add3A_167 = arith.addf %squeeze3A_164, %squeeze3A_166 : vector<64xf32>
    %slice3A_168 = vector.extract_strided_slice %reduce_sum3A_9 {offsets = [26, 0], sizes = [1, 64], strides = [1, 1]} : vector<32x64xf32> to vector<1x64xf32>
    %squeeze3A_169 = vector.shape_cast %slice3A_168 : vector<1x64xf32> to vector<64xf32>
    %slice3A_170 = vector.extract_strided_slice %reduce_sum3A_9 {offsets = [27, 0], sizes = [1, 64], strides = [1, 1]} : vector<32x64xf32> to vector<1x64xf32>
    %squeeze3A_171 = vector.shape_cast %slice3A_170 : vector<1x64xf32> to vector<64xf32>
    %add3A_172 = arith.addf %squeeze3A_169, %squeeze3A_171 : vector<64xf32>
    %slice3A_173 = vector.extract_strided_slice %reduce_sum3A_9 {offsets = [28, 0], sizes = [1, 64], strides = [1, 1]} : vector<32x64xf32> to vector<1x64xf32>
    %squeeze3A_174 = vector.shape_cast %slice3A_173 : vector<1x64xf32> to vector<64xf32>
    %slice3A_175 = vector.extract_strided_slice %reduce_sum3A_9 {offsets = [29, 0], sizes = [1, 64], strides = [1, 1]} : vector<32x64xf32> to vector<1x64xf32>
    %squeeze3A_176 = vector.shape_cast %slice3A_175 : vector<1x64xf32> to vector<64xf32>
    %add3A_177 = arith.addf %squeeze3A_174, %squeeze3A_176 : vector<64xf32>
    %slice3A_178 = vector.extract_strided_slice %reduce_sum3A_9 {offsets = [30, 0], sizes = [1, 64], strides = [1, 1]} : vector<32x64xf32> to vector<1x64xf32>
    %squeeze3A_179 = vector.shape_cast %slice3A_178 : vector<1x64xf32> to vector<64xf32>
    %slice3A_180 = vector.extract_strided_slice %reduce_sum3A_9 {offsets = [31, 0], sizes = [1, 64], strides = [1, 1]} : vector<32x64xf32> to vector<1x64xf32>
    %squeeze3A_181 = vector.shape_cast %slice3A_180 : vector<1x64xf32> to vector<64xf32>
    %add3A_182 = arith.addf %squeeze3A_179, %squeeze3A_181 : vector<64xf32>
    %stack3A_183 = vector.shape_cast %add3A_107 : vector<64xf32> to vector<1x64xf32>
    %stack3A_184 = vector.shape_cast %add3A_112 : vector<64xf32> to vector<1x64xf32>
    %stack3A_185 = vector.shape_cast %add3A_117 : vector<64xf32> to vector<1x64xf32>
    %stack3A_186 = vector.shape_cast %add3A_122 : vector<64xf32> to vector<1x64xf32>
    %stack3A_187 = vector.shape_cast %add3A_127 : vector<64xf32> to vector<1x64xf32>
    %stack3A_188 = vector.shape_cast %add3A_132 : vector<64xf32> to vector<1x64xf32>
    %stack3A_189 = vector.shape_cast %add3A_137 : vector<64xf32> to vector<1x64xf32>
    %stack3A_190 = vector.shape_cast %add3A_142 : vector<64xf32> to vector<1x64xf32>
    %stack3A_191 = vector.shape_cast %add3A_147 : vector<64xf32> to vector<1x64xf32>
    %stack3A_192 = vector.shape_cast %add3A_152 : vector<64xf32> to vector<1x64xf32>
    %stack3A_193 = vector.shape_cast %add3A_157 : vector<64xf32> to vector<1x64xf32>
    %stack3A_194 = vector.shape_cast %add3A_162 : vector<64xf32> to vector<1x64xf32>
    %stack3A_195 = vector.shape_cast %add3A_167 : vector<64xf32> to vector<1x64xf32>
    %stack3A_196 = vector.shape_cast %add3A_172 : vector<64xf32> to vector<1x64xf32>
    %stack3A_197 = vector.shape_cast %add3A_177 : vector<64xf32> to vector<1x64xf32>
    %stack3A_198 = vector.shape_cast %add3A_182 : vector<64xf32> to vector<1x64xf32>
    %stack3A_199 = tpu.concatenate %stack3A_183, %stack3A_184, %stack3A_185, %stack3A_186, %stack3A_187, %stack3A_188, %stack3A_189, %stack3A_190, %stack3A_191, %stack3A_192, %stack3A_193, %stack3A_194, %stack3A_195, %stack3A_196, %stack3A_197, %stack3A_198 in 0 : vector<1x64xf32>, vector<1x64xf32>, vector<1x64xf32>, vector<1x64xf32>, vector<1x64xf32>, vector<1x64xf32>, vector<1x64xf32>, vector<1x64xf32>, vector<1x64xf32>, vector<1x64xf32>, vector<1x64xf32>, vector<1x64xf32>, vector<1x64xf32>, vector<1x64xf32>, vector<1x64xf32>, vector<1x64xf32> -> vector<16x64xf32>
    %mul3A = arith.constant 3.000000e+00 : f32
    %mul3A_200 = vector.broadcast %mul3A : f32 to vector<16x64xf32>
    %mul3A_201 = arith.mulf %stack3A_199, %mul3A_200 : vector<16x64xf32>
    %max3A = arith.constant 1.000000e+00 : f32
    %max3A_202 = vector.broadcast %max3A : f32 to vector<16x64xf32>
    %max3A_203 = arith.maximumf %mul3A_201, %max3A_202 : vector<16x64xf32>
    %div3A = arith.divf %stack3A_102, %max3A_203 : vector<16x64xf32>
    %reduce_sum3A_204 = vector.shape_cast %stack3A_102 : vector<16x64xf32> to vector<1x16x64xf32>
    %reduce_sum3A_205 = arith.constant dense<0.000000e+00> : vector<1xf32>
    %reduce_sum3A_206 = vector.multi_reduction <add>, %reduce_sum3A_204, %reduce_sum3A_205 [1, 2] : vector<1x16x64xf32> to vector<1xf32>
    %reduce_sum3A_207 = vector.shape_cast %reduce_sum3A_206 : vector<1xf32> to vector<1x1x1xf32>
    %reduce_sum3A_208 = vector.extract %reduce_sum3A_207[0, 0, 0] : f32 from vector<1x1x1xf32>
    %reduce_max3A = vector.shape_cast %div3A : vector<16x64xf32> to vector<1x16x64xf32>
    %reduce_max3A_209 = arith.constant dense<0xFF800000> : vector<1xf32>
    %reduce_max3A_210 = vector.multi_reduction <maximumf>, %reduce_max3A, %reduce_max3A_209 [1, 2] : vector<1x16x64xf32> to vector<1xf32>
    %reduce_max3A_211 = vector.shape_cast %reduce_max3A_210 : vector<1xf32> to vector<1x1x1xf32>
    %reduce_max3A_212 = vector.extract %reduce_max3A_211[0, 0, 0] : f32 from vector<1x1x1xf32>
    %mul3A_213 = arith.mulf %div3A, %stack3A_102 : vector<16x64xf32>
    %reduce_sum3A_214 = vector.shape_cast %mul3A_213 : vector<16x64xf32> to vector<1x16x64xf32>
    %reduce_sum3A_215 = arith.constant dense<0.000000e+00> : vector<1xf32>
    %reduce_sum3A_216 = vector.multi_reduction <add>, %reduce_sum3A_214, %reduce_sum3A_215 [1, 2] : vector<1x16x64xf32> to vector<1xf32>
    %reduce_sum3A_217 = vector.shape_cast %reduce_sum3A_216 : vector<1xf32> to vector<1x1x1xf32>
    %reduce_sum3A_218 = vector.extract %reduce_sum3A_217[0, 0, 0] : f32 from vector<1x1x1xf32>
    %gt3A = arith.constant 0.000000e+00 : f32
    %gt3A_219 = arith.cmpf ogt, %reduce_max3A_212, %gt3A : f32
    %div3A_220 = arith.divf %reduce_sum3A_218, %reduce_max3A_212 : f32
    %jit3A = arith.constant 0.000000e+00 : f32
    %select_n3A = arith.select %gt3A_219, %div3A_220, %jit3A : f32
    %add3A_221 = arith.addf %reduce_sum3A_208, %select_n3A : f32
    %div3A_222 = arith.constant 0x4B400000 : f32
    %div3A_223 = arith.divf %add3A_221, %div3A_222 : f32
    %swap3A = arith.constant 0 : index
    %swap3A_224 = arith.constant 0 : index
    %swap3A_225 = memref.load %arg2[%swap3A, %swap3A_224] : memref<1x1xf32, #tpu.memory_space<smem>>
    memref.store %div3A_223, %arg2[%swap3A, %swap3A_224] : memref<1x1xf32, #tpu.memory_space<smem>>
    return
  }
}

</mosaic_0001>

<sc_bundles>
// kernel: kernel.4.cloned.1.call-start
scs
__scs_entry_jumppad:
0x0: {  	(pc) =	sbr.rel $0x88, $3  }
0x1: {  	(tag) =	ssettag $0x0;
	lr =	simm.s32 $0x1  }
0x2: {  	[smem:$0x3F9E] =	sst lr;
	_ =	strace $0xD0000000  }
0x3: {  	_ = 	snop  }
0x4: {  	_ = 	snop  }
0x5: {  	_ = 	snop  }
0x6: {  	_ = 	snop  }
0x7: {  	_ = 	snop  }
__scs_overlays_trampoline_lowered:
0x8: {  	[smem:$0x3FAD] =	sst s0  }
0x9: {  	[smem:$0x3FAE] =	sst s1  }
0xa: {  	[smem:$0x3FAF] =	sst s2  }
0xb: {  	[smem:$0x3FB0] =	sst s3  }
0xc: {  	[smem:$0x3FB1] =	sst s4  }
0xd: {  	[smem:$0x3FB2] =	sst s5  }
0xe: {  	[smem:$0x3FB3] =	sst s6  }
0xf: {  	[smem:$0x3FB4] =	sst s7  }
0x10: {  	[smem:$0x3FB5] =	sst s8  }
0x11: {  	[smem:$0x3FB6] =	sst s9;
	s0 =	simm.s32 @!p0 $0x0  }
0x12: {  	s1 =	sld [smem:$0x3F9C];
	s0 =	simm.s32 @p0 $0x1  }
0x13: {  	[smem:$0x3FB7] =	sst s0;
	s0 =	simm.s32 @!p1 $0x0  }
0x14: {  	s2 =	sld [smem:$0x3F9B];
	s0 =	simm.s32 @p1 $0x1  }
0x15: {  	[smem:$0x3FB8] =	sst s0;
	s0 =	simm.s32 @!p2 $0x0  }
0x16: {  	s3 =	sld [smem:$0x3FDB];
	s0 =	simm.s32 @p2 $0x1  }
0x17: {  	s4 =	simm.s32 $0x1BF5;
	[smem:$0x3FBA] =	sst s0  }
0x18: {  	s0 =	sld [smem:$0x3F9D];
	_ =	swait.ge [sflag:s4], $0x0  }
0x19: {  	s7 =	sld [smem:$0x3F9E]  }
0x1a: {  	s8 =	sadd.s32 $0xFFFFE003, lr  }
0x1b: {  	s9 =	sadd.s32 $0xFFFFFEF7, lr;
	s5 =	simm.s32 $0xFFFFFFFF;
	p2 =	slt.u32 s8, $0xFFFFF086  }
0x1c: {  	p1 =	slt.u32 s9, $0xF7A;
	s5 =	simm.s32 @!p2 $0x0  }
0x1d: {  	s5 =	simm.s32 @p1 $0x1;
	p0 =	seq.s32 s7, s2  }
0x1e: {  	s7 =	smul.u32 @!p0 $0xF7A, s2;
	p2 =	seq.s32 @!p0 s5, $0x0  }
0x1f: {  	s9 =	smul.u32 $0xF7A, s1;
	s8 =	simm.s32 @!p0 $0x1BF5;
	p2 =	por !p2, p0  }
0x20: {  	[sflag:s8] =	ssyncset.s32 @!p0 $0xFFFFF086;
	s6 =	sadd.s32 @!p0 s3, s7;
	s7 =	simm.s32 @!p0 $0x108  }
0x21: {  	s3 =	sadd.s32 s3, s9;
	s6 =	sadd.s32 @!p0 $0x88, s6;
	s7 =	simm.s32 @p2 $0x1082  }
0x22: {  	[simem:s7], [sflag:s8] =	dma.local @!p0 [hbm:s6], $0xF7A  }
0x23: {  	s9 =	sor.u32 $0xD0000000, s2;
	s6 =	simm.s32 $0x108;
	_ =	swait.ge @!p0 [sflag:s8], $0x0  }
0x24: {  	s3 =	sadd.s32 $0x88, s3;
	s6 =	simm.s32 @!p1 $0x1082;
	[sflag:s4] =	ssyncset.s32 $0xFFFFF086  }
0x25: {  	[simem:s6], [sflag:s4] =	dma.local [hbm:s3], $0xF7A  }
0x26: {  	[smem:$0x3F9E] =	sst s1;
	(tag) =	ssettag s2;
	_ =	strace s9  }
0x27: {  	s1 =	sld [smem:$0x3FAE]  }
0x28: {  	s2 =	sld [smem:$0x3FAF]  }
0x29: {  	s4 =	sld [smem:$0x3FB1]  }
0x2a: {  	p0 =	seq.s32 s5, $0x0;
	s5 =	sld [smem:$0x3FB2]  }
0x2b: {  	s6 =	sld [smem:$0x3FB3]  }
0x2c: {  	s7 =	sld [smem:$0x3FB4]  }
0x2d: {  	s3 =	simm.s32 $0x108;
	s8 =	sld [smem:$0x3FB5]  }
0x2e: {  	s3 =	simm.s32 @!p0 $0x1082;
	s9 =	sld [smem:$0x3FB6]  }
0x2f: {  	lr =	sadd.s32 s0, s3;
	s0 =	sld [smem:$0x3FAD]  }
0x30: {  	s3 =	sld [smem:$0x3FB0]  }
0x31: {  	[smem:$0x3FB9] =	sst s10  }
0x32: {  	s10 =	sld [smem:$0x3FB7];
	_ =	sdelay $0x3  }
0x33: {  	p0 =	seq.s32 s10, $0x1;
	s10 =	sld [smem:$0x3FB9];
	_ =	sdelay $0x3  }
0x34: {  	[smem:$0x3FB9] =	sst s10  }
0x35: {  	s10 =	sld [smem:$0x3FB8];
	_ =	sdelay $0x3  }
0x36: {  	p1 =	seq.s32 s10, $0x1;
	s10 =	sld [smem:$0x3FB9];
	_ =	sdelay $0x3  }
0x37: {  	[smem:$0x3FB9] =	sst s10  }
0x38: {  	s10 =	sld [smem:$0x3FBA]  }
0x39: {  	_ = 	snop;
	(pc) =	sbr.ind lr, $3  }
0x3a: {  	_ = 	snop  }
0x3b: {  	_ = 	snop  }
0x3c: {  	p2 =	seq.s32 s10, $0x1;
	s10 =	sld [smem:$0x3FB9]  }
0x3d: {  	_ =	shalt  }
0x3e: {  	_ =	shalt  }
0x3f: {  	_ =	shalt  }
0x40: {  	_ =	shalt  }
0x41: {  	_ =	shalt  }
0x42: {  	_ =	shalt  }
0x43: {  	_ =	shalt  }
0x44: {  	_ =	shalt  }
0x45: {  	_ =	shalt  }
0x46: {  	_ =	shalt  }
0x47: {  	_ =	shalt  }
0x48: {  	_ =	shalt  }
0x49: {  	_ =	shalt  }
0x4a: {  	_ =	shalt  }
0x4b: {  	_ =	shalt  }
0x4c: {  	_ =	shalt  }
0x4d: {  	_ =	shalt  }
0x4e: {  	_ =	shalt  }
0x4f: {  	_ =	shalt  }
0x50: {  	_ =	shalt  }
0x51: {  	_ =	shalt  }
0x52: {  	_ =	shalt  }
0x53: {  	_ =	shalt  }
0x54: {  	_ =	shalt  }
0x55: {  	_ =	shalt  }
0x56: {  	_ =	shalt  }
0x57: {  	_ =	shalt  }
0x58: {  	_ =	shalt  }
0x59: {  	_ =	shalt  }
0x5a: {  	_ =	shalt  }
0x5b: {  	_ =	shalt  }
0x5c: {  	_ =	shalt  }
0x5d: {  	_ =	shalt  }
0x5e: {  	_ =	shalt  }
0x5f: {  	_ =	shalt  }
0x60: {  	_ =	shalt  }
0x61: {  	_ =	shalt  }
0x62: {  	_ =	shalt  }
0x63: {  	_ =	shalt  }
0x64: {  	_ =	shalt  }
0x65: {  	_ =	shalt  }
0x66: {  	_ =	shalt  }
0x67: {  	_ =	shalt  }
0x68: {  	_ =	shalt  }
0x69: {  	_ =	shalt  }
0x6a: {  	_ =	shalt  }
0x6b: {  	_ =	shalt  }
0x6c: {  	_ =	shalt  }
0x6d: {  	_ =	shalt  }
0x6e: {  	_ =	shalt  }
0x6f: {  	_ =	shalt  }
0x70: {  	_ =	shalt  }
0x71: {  	_ =	shalt  }
0x72: {  	_ =	shalt  }
0x73: {  	_ =	shalt  }
0x74: {  	_ =	shalt  }
0x75: {  	_ =	shalt  }
0x76: {  	_ =	shalt  }
0x77: {  	_ =	shalt  }
0x78: {  	_ =	shalt  }
0x79: {  	_ =	shalt  }
0x7a: {  	_ =	shalt  }
0x7b: {  	_ =	shalt  }
0x7c: {  	_ =	shalt  }
0x7d: {  	_ =	shalt  }
0x7e: {  	_ =	shalt  }
0x7f: {  	_ =	shalt  }
0x80: {  	_ =	shalt  }
0x81: {  	_ =	shalt  }
0x82: {  	_ =	shalt  }
0x83: {  	_ =	shalt  }
0x84: {  	_ =	shalt  }
0x85: {  	_ =	shalt  }
0x86: {  	_ =	shalt  }
0x87: {  	_ =	shalt  }
.Lfunc_end0:
.L_simem_size_0:
called_computation_lowered:
.L_overlay_start_0:
0x88: {  	s2 =	sld [smem:$0x3FD9]  }
0x89: {  	s3 =	sld [smem:$0x3FFE];
	_ =	sdelay $0x1  }
0x8a: {  	s1 =	srdreg.scid  }
0x8b: {  	s0 =	sand.u32 $0x1, s1  }
0x8c: {  	s17 =	sshll.u32 s0, $0xA;
	s2 =	sadd.s32 s3, s2  }
0x8d: {  	s2 =	sadd.s32 s2, s17  }
0x8e: {  	[smem:$0x3FC5] =	sst s2  }
0x8f: {  	_ = 	snop  }
0x90: {  	s2 =	sld [smem:$0x3FC9]  }
0x91: {  	s18 =	sld [smem:$0x3FC8]  }
0x92: {  	s4 =	sld [smem:$0x3FC7];
	(tm) =	ssettm $0x1  }
0x93: {  	s5 =	sld [smem:$0x3FFB];
	_ =	sdelay $0x3  }
0x94: {  	_ =	strace s5  }
0x95: {  	s5 =	sld [smem:$0x3FFC];
	_ =	sdelay $0x3  }
0x96: {  	_ =	strace s5  }
0x97: {  	s5 =	sld [smem:$0x3FFD];
	_ =	sdelay $0x3  }
0x98: {  	_ =	strace s5  }
0x99: {  	_ =	strace $0x8FFFFFFF  }
0x9a: {  	s19 =	sld [smem:$0x3FDB];
	_ =	sdelay $0x1  }
0x9b: {  	s6 =	simm.s32 $_scs_section_size  }
0x9c: {  	s7 =	simm.s32 $_size__tile_overlayer_lowered;
	s8 =	simm.s32 $_tile_overlayer_lowered  }
0x9d: {  	s22 =	simm.s32 $0x1BFF;
	s21 =	sshll.u32 s8, $0x1;
	s5 =	sadd.s32 s6, s19  }
0x9e: {  	s9 =	simm.s32 $0x0;
	s20 =	sshll.u32 s7, $0x1;
	s7 =	sadd.s32 s21, s5  }
0x9f: {  	[timem:s9], [sflag:s22] =	dma.local [hbm:s7], s20  }
0xa0: {  	_ =	swait.ge [sflag:s22], s20  }
0xa1: {  	s6 =	ssub.s32 $0x0, s20;
	[sflag:s22] =	ssyncset.done $0x0  }
0xa2: {  	[sflag:s22] =	ssyncadd.s32 s6;
	_ =	sdelay $0x1  }
0xa3: {  	s23 =	simm.s32 $0x1B8B  }
0xa4: {  	_ =	swait.ge [sflag:s23], $0x1  }
0xa5: {  	[sflag:s23] =	ssyncset.done $0x0  }
0xa6: {  	s25 =	simm.s32 $0x1B8E;
	s24 =	sld [smem:$0x3FFE];
	[sflag:s23] =	ssyncadd.s32 $0xFFFFFFFF  }
0xa7: {  	s26 =	simm.s32 $execute0_lowered;
	[smem:$0x3FD2] =	sst s25  }
0xa8: {  	s7 =	sshll.u32 s26, $0x1;
	_ =	strace $0x80000046;
	[dreg:$0x1] =	wrdreg $0xFFFFFFFF  }
0xa9: {  	s28 =	simm.s32 $_size_execute0_lowered;
	s5 =	sadd.s32 s5, s7;
	[dreg:$0x0] =	wrdreg $0x0  }
0xaa: {  	s7 =	sshll.u32 s28, $0x1;
	[dreg:$0x2] =	wrdreg s5  }
0xab: {  	[dreg:$0x3] =	wrdreg s7  }
0xac: {  	[dreg:$0x4] =	wrdreg $0xC0  }
0xad: {  	_ =	task [dreg:s9], $0x5FFFF  }
0xae: {  	[dreg:$0x1] =	wrdreg $0xFFFFFFFF  }
0xaf: {  	[dreg:$0x0] =	wrdreg $0x60  }
0xb0: {  	[dreg:$0x2] =	wrdreg s2  }
0xb1: {  	[dreg:$0x3] =	wrdreg s18  }
0xb2: {  	[dreg:$0x4] =	wrdreg s4  }
0xb3: {  	[dreg:$0x5] =	wrdreg s24  }
0xb4: {  	[dreg:$0x6] =	wrdreg $0x9  }
0xb5: {  	_ =	task.clear_ibuf [dreg:s9], $0x7FFFF;
	_ =	strace $0x90000046  }
0xb6: {  	s29 =	simm.s32 $0x9;
	_ =	strace $0x80000048  }
0xb7: {  	_ =	swait.ge [sflag:s29], $0x1  }
0xb8: {  	[sflag:s29] =	ssyncadd.s32 $0xFFFFFFFF  }
0xb9: {  	_ =	strace $0x90000048  }
0xba: {  	_ =	sfence  }
0xbb: {  	s30 =	sld [smem:$0x0];
	_ =	sdelay $0x2  }
0xbc: {  	s31 =	sshll.u32 s1, $0xD;
	s1 =	sshrl.u32 s1, $0x2  }
0xbd: {  	s3 =	sand.u32 $0x4000, s31;
	s1 =	sadd.s32 s1, s30  }
0xbe: {  	s0 =	sor.u32 s3, s0;
	s1 =	sshll.u32 s1, $0x11  }
0xbf: {  	s0 =	sor.u32 s1, s0  }
0xc0: {  	s0 =	sadd.s32 $0x8F2B, s0  }
0xc1: {  	[sflag:s0] =	ssyncadd.remote.s32 $0x1  }
0xc2: {  	_ =	sfence.sel $0xFFFF  }
0xc3: {  	[dreg:$0x0] =	wrdreg $0xFFFFFFFF;
	(pc) =	sbr.abs _section_cstart, $3  }
0xc4: {  	[dreg:$0x1] =	wrdreg $0xFFFFFFFF  }
0xc5: {  	_ =	task.clear_ibuf [dreg:s9], $0x2FFFF;
	_ =	strace $0x9FFFFFFF  }
0xc6: {  	(tm) =	ssettm $0x7FFFFFFF  }
0xc7: {  	_ =	shalt  }
tec
execute0_lowered:
.L_overlay_start_1:
0x0: {  	(tag) =	ssettag $0x1  }
0x1: {  	s1 =	rddreg [dreg:$0x0]  }
0x2: {  	s2 =	rddreg [dreg:$0x1]  }
0x3: {  	s0 =	srdreg.scid;
	s4 =	rddreg [dreg:$0x2]  }
0x4: {  	s9 =	stileid.u32;
	s7 =	rddreg [dreg:$0x3]  }
0x5: {  	s5 =	simm.s32 $0x0;
	s6 =	simm.s32 $0x1;
	s28 =	simm.s32 $0x6000  }
0x6: {  	s29 =	simm.s32 $0x12000;
	s30 =	simm.s32 $0x8000;
	s31 =	simm.s32 $0x14000  }
0x7: {  	s0 =	sand.u32 $0x1, s0;
	s3 =	sshll.u32 s9, $0x1;
	[smem:$0x7FF] =	sst s5  }
0x8: {  	s8 =	sshll.u32 s9, $0x8;
	s3 =	sor.u32 s0, s3;
	p1 =	seq.s32 s0, $0x1  }
0x9: {  	_ =	strace $0x80000047;
	s14 =	ssub.s32 $0x2, s0;
	s10 =	sshll.u32 s0, $0x11  }
0xa: {  	p0 =	seq.s32 s3, $0x0;
	s3 =	sshll.u32 s3, $0x4;
	s15 =	sshrl.u32 s14, $0x1  }
0xb: {  	p0 =	por !p0, !p1;
	s3 =	sor.u32 s8, s3;
	s13 =	ssub.s32 s14, s15  }
0xc: {  	s8 =	sshll.u32 s0, $0x8;
	p0 =	por !p0, !p0;
	s3 =	sand.u32 $0xC70, s3  }
0xd: {  	s26 =	smax.u32 s13, $0x1;
	s6 =	simm.s32 @!p0 $0x0;
	s3 =	sadd.s32 s3, s7  }
0xe: {  	s7 =	simm.s32 $0x1;
	[dreg:$0xe] =	wrdreg s26;
	s9 =	ssub.s32 s9, s6  }
0xf: {  	s26 =	simm.s32 $0x400;
	s24 =	sadd.s32 $0x800, s3;
	s6 =	smul.u32 $0xC0000, s9  }
0x10: {  	s25 =	sadd.s32 $0x1800, s3;
	s3 =	simm.s32 $0xA000;
	[dreg:$0xc] =	wrdreg s24  }
0x11: {  	[dreg:$0xd] =	wrdreg s25;
	s24 =	simm.s32 $0x2;
	s12 =	sor.u32 s10, s6  }
0x12: {  	s25 =	simm.s32 $0x80;
	s11 =	sshrl.u32 s12, $0x3;
	s17 =	sadd.s32 $0x40000, s12  }
0x13: {  	s19 =	sadd.s32 $0x80000, s12;
	s16 =	sadd.s32 s1, s11;
	s11 =	sadd.s32 s2, s11  }
0x14: {  	s0 =	sshrl.u32 s17, $0x3;
	s20 =	sshrl.u32 s19, $0x3;
	[dreg:$0x5] =	wrdreg s16  }
0x15: {  	s17 =	sor.u32 $0x20, s8;
	[dreg:$0x6] =	wrdreg s11;
	s18 =	sadd.s32 s1, s0  }
0x16: {  	s11 =	sshll.u32 s9, $0x12;
	s0 =	sadd.s32 s2, s0;
	[dreg:$0x7] =	wrdreg s18  }
0x17: {  	s22 =	sadd.s32 s1, s20;
	s9 =	simm.s32 $0x3;
	[dreg:$0x8] =	wrdreg s0  }
0x18: {  	s10 =	sor.u32 s10, s11;
	[dreg:$0x9] =	wrdreg s22;
	s0 =	sadd.s32 s2, s20  }
0x19: {  	s22 =	simm.s32 $0x1C000;
	s21 =	sshrl.u32 s10, $0x3;
	[dreg:$0xa] =	wrdreg s0  }
0x1a: {  	s0 =	simm.s32 $0x16000;
	s10 =	simm.s32 $0x0;
	s23 =	sadd.s32 s4, s21  }
0x1b: {  	v0 =	vimm.f32 $0.0e+00;
	v1 =	vlaneseq.u32;
	v2 =	vimm.f32 $1.000000000e+00;
	s21 =	simm.s32 $0x1A000;
	[dreg:$0xb] =	wrdreg s23;
	s23 =	simm.s32 $0x1C400  }
.LBB2_1:
0x1c: {  	[tilespmem:$0x1C000] =	vst v0  }
0x1d: {  	[tilespmem:$0x1C400] =	vst v0  }
0x1e: {  	[tilespmem:$0x1C010] =	vst v0  }
0x1f: {  	[tilespmem:$0x1C410] =	vst v0  }
0x20: {  	[tilespmem:$0x1C020] =	vst v0  }
0x21: {  	[tilespmem:$0x1C420] =	vst v0  }
0x22: {  	[tilespmem:$0x1C030] =	vst v0  }
0x23: {  	[tilespmem:$0x1C430] =	vst v0  }
0x24: {  	[tilespmem:$0x1C040] =	vst v0  }
0x25: {  	[tilespmem:$0x1C440] =	vst v0  }
0x26: {  	[tilespmem:$0x1C050] =	vst v0  }
0x27: {  	[tilespmem:$0x1C450] =	vst v0  }
0x28: {  	[tilespmem:$0x1C060] =	vst v0  }
0x29: {  	[tilespmem:$0x1C460] =	vst v0  }
0x2a: {  	[tilespmem:$0x1C070] =	vst v0  }
0x2b: {  	[tilespmem:$0x1C470] =	vst v0  }
0x2c: {  	[tilespmem:$0x1C080] =	vst v0  }
0x2d: {  	[tilespmem:$0x1C480] =	vst v0  }
0x2e: {  	[tilespmem:$0x1C090] =	vst v0  }
0x2f: {  	[tilespmem:$0x1C490] =	vst v0  }
0x30: {  	[tilespmem:$0x1C0A0] =	vst v0  }
0x31: {  	[tilespmem:$0x1C4A0] =	vst v0  }
0x32: {  	[tilespmem:$0x1C0B0] =	vst v0  }
0x33: {  	[tilespmem:$0x1C4B0] =	vst v0  }
0x34: {  	[tilespmem:$0x1C0C0] =	vst v0  }
0x35: {  	[tilespmem:$0x1C4C0] =	vst v0  }
0x36: {  	[tilespmem:$0x1C0D0] =	vst v0  }
0x37: {  	[tilespmem:$0x1C4D0] =	vst v0  }
0x38: {  	[tilespmem:$0x1C0E0] =	vst v0  }
0x39: {  	[tilespmem:$0x1C4E0] =	vst v0  }
0x3a: {  	[tilespmem:$0x1C0F0] =	vst v0  }
0x3b: {  	[tilespmem:$0x1C4F0] =	vst v0  }
0x3c: {  	[tilespmem:$0x1C100] =	vst v0  }
0x3d: {  	[tilespmem:$0x1C500] =	vst v0  }
0x3e: {  	[tilespmem:$0x1C110] =	vst v0  }
0x3f: {  	[tilespmem:$0x1C510] =	vst v0  }
0x40: {  	[tilespmem:$0x1C120] =	vst v0  }
0x41: {  	[tilespmem:$0x1C520] =	vst v0  }
0x42: {  	[tilespmem:$0x1C130] =	vst v0  }
0x43: {  	[tilespmem:$0x1C530] =	vst v0  }
0x44: {  	[tilespmem:$0x1C140] =	vst v0  }
0x45: {  	[tilespmem:$0x1C540] =	vst v0  }
0x46: {  	[tilespmem:$0x1C150] =	vst v0  }
0x47: {  	[tilespmem:$0x1C550] =	vst v0  }
0x48: {  	[tilespmem:$0x1C160] =	vst v0  }
0x49: {  	[tilespmem:$0x1C560] =	vst v0  }
0x4a: {  	[tilespmem:$0x1C170] =	vst v0  }
0x4b: {  	[tilespmem:$0x1C570] =	vst v0  }
0x4c: {  	[tilespmem:$0x1C180] =	vst v0  }
0x4d: {  	[tilespmem:$0x1C580] =	vst v0  }
0x4e: {  	[tilespmem:$0x1C190] =	vst v0  }
0x4f: {  	[tilespmem:$0x1C590] =	vst v0  }
0x50: {  	[tilespmem:$0x1C1A0] =	vst v0  }
0x51: {  	[tilespmem:$0x1C5A0] =	vst v0  }
0x52: {  	[tilespmem:$0x1C1B0] =	vst v0  }
0x53: {  	[tilespmem:$0x1C5B0] =	vst v0  }
0x54: {  	[tilespmem:$0x1C1C0] =	vst v0  }
0x55: {  	[tilespmem:$0x1C5C0] =	vst v0  }
0x56: {  	[tilespmem:$0x1C1D0] =	vst v0  }
0x57: {  	[tilespmem:$0x1C5D0] =	vst v0  }
0x58: {  	[tilespmem:$0x1C1E0] =	vst v0  }
0x59: {  	[tilespmem:$0x1C5E0] =	vst v0  }
0x5a: {  	[tilespmem:$0x1C1F0] =	vst v0  }
0x5b: {  	[tilespmem:$0x1C5F0] =	vst v0  }
0x5c: {  	[tilespmem:$0x1C200] =	vst v0  }
0x5d: {  	[tilespmem:$0x1C600] =	vst v0  }
0x5e: {  	[tilespmem:$0x1C210] =	vst v0  }
0x5f: {  	[tilespmem:$0x1C610] =	vst v0  }
0x60: {  	[tilespmem:$0x1C220] =	vst v0  }
0x61: {  	[tilespmem:$0x1C620] =	vst v0  }
0x62: {  	[tilespmem:$0x1C230] =	vst v0  }
0x63: {  	[tilespmem:$0x1C630] =	vst v0  }
0x64: {  	[tilespmem:$0x1C240] =	vst v0  }
0x65: {  	[tilespmem:$0x1C640] =	vst v0  }
0x66: {  	[tilespmem:$0x1C250] =	vst v0  }
0x67: {  	[tilespmem:$0x1C650] =	vst v0  }
0x68: {  	[tilespmem:$0x1C260] =	vst v0  }
0x69: {  	[tilespmem:$0x1C660] =	vst v0  }
0x6a: {  	[tilespmem:$0x1C270] =	vst v0  }
0x6b: {  	[tilespmem:$0x1C670] =	vst v0  }
0x6c: {  	[tilespmem:$0x1C280] =	vst v0  }
0x6d: {  	[tilespmem:$0x1C680] =	vst v0  }
0x6e: {  	[tilespmem:$0x1C290] =	vst v0  }
0x6f: {  	[tilespmem:$0x1C690] =	vst v0  }
0x70: {  	[tilespmem:$0x1C2A0] =	vst v0  }
0x71: {  	[tilespmem:$0x1C6A0] =	vst v0  }
0x72: {  	[tilespmem:$0x1C2B0] =	vst v0  }
0x73: {  	[tilespmem:$0x1C6B0] =	vst v0  }
0x74: {  	[tilespmem:$0x1C2C0] =	vst v0  }
0x75: {  	[tilespmem:$0x1C6C0] =	vst v0  }
0x76: {  	[tilespmem:$0x1C2D0] =	vst v0  }
0x77: {  	[tilespmem:$0x1C6D0] =	vst v0  }
0x78: {  	[tilespmem:$0x1C2E0] =	vst v0  }
0x79: {  	[tilespmem:$0x1C6E0] =	vst v0  }
0x7a: {  	[tilespmem:$0x1C2F0] =	vst v0  }
0x7b: {  	[tilespmem:$0x1C6F0] =	vst v0  }
0x7c: {  	[tilespmem:$0x1C300] =	vst v0  }
0x7d: {  	[tilespmem:$0x1C700] =	vst v0  }
0x7e: {  	[tilespmem:$0x1C310] =	vst v0  }
0x7f: {  	[tilespmem:$0x1C710] =	vst v0  }
0x80: {  	[tilespmem:$0x1C320] =	vst v0  }
0x81: {  	[tilespmem:$0x1C720] =	vst v0  }
0x82: {  	[tilespmem:$0x1C330] =	vst v0  }
0x83: {  	[tilespmem:$0x1C730] =	vst v0  }
0x84: {  	[tilespmem:$0x1C340] =	vst v0  }
0x85: {  	[tilespmem:$0x1C740] =	vst v0  }
0x86: {  	[tilespmem:$0x1C350] =	vst v0  }
0x87: {  	[tilespmem:$0x1C750] =	vst v0  }
0x88: {  	[tilespmem:$0x1C360] =	vst v0  }
0x89: {  	[tilespmem:$0x1C760] =	vst v0  }
0x8a: {  	[tilespmem:$0x1C370] =	vst v0  }
0x8b: {  	[tilespmem:$0x1C770] =	vst v0  }
0x8c: {  	[tilespmem:$0x1C380] =	vst v0  }
0x8d: {  	[tilespmem:$0x1C780] =	vst v0  }
0x8e: {  	[tilespmem:$0x1C390] =	vst v0  }
0x8f: {  	[tilespmem:$0x1C790] =	vst v0  }
0x90: {  	[tilespmem:$0x1C3A0] =	vst v0  }
0x91: {  	[tilespmem:$0x1C7A0] =	vst v0  }
0x92: {  	[tilespmem:$0x1C3B0] =	vst v0  }
0x93: {  	[tilespmem:$0x1C7B0] =	vst v0  }
0x94: {  	[tilespmem:$0x1C3C0] =	vst v0  }
0x95: {  	[tilespmem:$0x1C7C0] =	vst v0  }
0x96: {  	[tilespmem:$0x1C3D0] =	vst v0  }
0x97: {  	[tilespmem:$0x1C7D0] =	vst v0  }
0x98: {  	[tilespmem:$0x1C3E0] =	vst v0  }
0x99: {  	[tilespmem:$0x1C7E0] =	vst v0  }
0x9a: {  	[tilespmem:$0x1C3F0] =	vst v0  }
0x9b: {  	[tilespmem:$0x1C7F0] =	vst v0;
	s12 =	rddreg [dreg:$0x5]  }
0x9c: {  	[tilespmem:s5], [sflag:$0x1] =	stream.linear.gather [hbm4b:s12+s5], $0x2000, $0x38;
	[tilespmem:$0x1C800] =	vst v63  }
0x9d: {  	s15 =	rddreg [dreg:$0x6];
	s13 =	simm.s32 $0xC000  }
0x9e: {  	[tilespmem:s13], [sflag:$0x1] =	stream.linear.gather [hbm4b:s15+s5], $0x2000, $0x38;
	[tilespmem:$0x1C800] =	vst v63  }
0x9f: {  	s16 =	rddreg [dreg:$0x7];
	s18 =	simm.s32 $0x2000  }
0xa0: {  	[tilespmem:s18], [sflag:$0x1] =	stream.linear.gather [hbm4b:s16+s5], $0x2000, $0x38;
	[tilespmem:$0x1C800] =	vst v63  }
0xa1: {  	s19 =	rddreg [dreg:$0x8];
	s20 =	simm.s32 $0xE000  }
0xa2: {  	[tilespmem:s20], [sflag:$0x1] =	stream.linear.gather [hbm4b:s19+s5], $0x2000, $0x38;
	[tilespmem:$0x1C800] =	vst v63  }
0xa3: {  	s14 =	rddreg [dreg:$0x9];
	s15 =	simm.s32 $0x4000  }
0xa4: {  	[tilespmem:s15], [sflag:$0x1] =	stream.linear.gather [hbm4b:s14+s5], $0x2000, $0x38;
	[tilespmem:$0x1C800] =	vst v63  }
0xa5: {  	s16 =	rddreg [dreg:$0xa];
	s18 =	simm.s32 $0x10000  }
0xa6: {  	[tilespmem:s18], [sflag:$0x1] =	stream.linear.gather [hbm4b:s16+s5], $0x2000, $0x38;
	[tilespmem:$0x1C800] =	vst v63  }
0xa7: {  	s12 =	simm.s32 $0x0;
	s19 =	rddreg [dreg:$0xb];
	s20 =	simm.s32 $0x18000  }
0xa8: {  	[tilespmem:s20], [sflag:$0x1] =	stream.linear.gather [hbm4b:s19+s5], $0x2000, $0x38;
	[tilespmem:$0x1C800] =	vst v63  }
.LBB2_2:
0xa9: {  	s13 =	sshll.u32 s12, $0x5  }
0xaa: {  	s14 =	sor.u32 s13, s8  }
0xab: {  	s14 =	sshll.u32 s14, $0x9  }
0xac: {  	s15 =	sor.u32 $0x2000, s14  }
0xad: {  	s16 =	sor.u32 s6, s15  }
0xae: {  	s18 =	sshrl.u32 s16, $0x3  }
0xaf: {  	s14 =	simm.s32 $0x0;
	s19 =	sadd.s32 s1, s18  }
0xb0: {  	[tilespmem:s28], [sflag:$0x2] =	stream.linear.gather [hbm4b:s19+s14], $0x2000, $0x38;
	[tilespmem:$0x1C800] =	vst v63  }
0xb1: {  	s18 =	sadd.s32 s2, s18;
	s19 =	sadd.s32 $0x40000, s16  }
0xb2: {  	[tilespmem:s29], [sflag:$0x2] =	stream.linear.gather [hbm4b:s18+s14], $0x2000, $0x38;
	[tilespmem:$0x1C800] =	vst v63  }
0xb3: {  	s18 =	sshrl.u32 s19, $0x3  }
0xb4: {  	s16 =	sadd.s32 $0x80000, s16;
	s20 =	sadd.s32 s1, s18  }
0xb5: {  	[tilespmem:s30], [sflag:$0x2] =	stream.linear.gather [hbm4b:s20+s14], $0x2000, $0x38;
	[tilespmem:$0x1C800] =	vst v63  }
0xb6: {  	s16 =	sshrl.u32 s16, $0x3;
	s18 =	sadd.s32 s2, s18  }
0xb7: {  	[tilespmem:s31], [sflag:$0x2] =	stream.linear.gather [hbm4b:s18+s14], $0x2000, $0x38;
	[tilespmem:$0x1C800] =	vst v63  }
0xb8: {  	s15 =	sor.u32 s11, s15;
	s20 =	sadd.s32 s1, s16  }
0xb9: {  	[tilespmem:s3], [sflag:$0x2] =	stream.linear.gather [hbm4b:s20+s14], $0x2000, $0x38;
	[tilespmem:$0x1C800] =	vst v63  }
0xba: {  	s15 =	sshrl.u32 s15, $0x3;
	s16 =	sadd.s32 s2, s16  }
0xbb: {  	[tilespmem:s0], [sflag:$0x2] =	stream.linear.gather [hbm4b:s16+s14], $0x2000, $0x38;
	[tilespmem:$0x1C800] =	vst v63  }
0xbc: {  	s15 =	sadd.s32 s4, s15  }
0xbd: {  	[tilespmem:s21], [sflag:$0x2] =	stream.linear.gather [hbm4b:s15+s14], $0x2000, $0x38;
	[tilespmem:$0x1C800] =	vst v63  }
0xbe: {  	_ =	swait.ge [sflag:s7], $0x2000  }
0xbf: {  	[sflag:s7] =	ssyncset.done $0x0  }
0xc0: {  	[sflag:s7] =	ssyncadd.s32 $0xFFFFE000  }
0xc1: {  	_ =	swait.ge [sflag:s7], $0x2000  }
0xc2: {  	[sflag:s7] =	ssyncset.done $0x0  }
0xc3: {  	[sflag:s7] =	ssyncadd.s32 $0xFFFFE000  }
0xc4: {  	_ =	swait.ge [sflag:s7], $0x2000  }
0xc5: {  	[sflag:s7] =	ssyncset.done $0x0  }
0xc6: {  	[sflag:s7] =	ssyncadd.s32 $0xFFFFE000  }
0xc7: {  	_ =	swait.ge [sflag:s7], $0x2000  }
0xc8: {  	[sflag:s7] =	ssyncset.done $0x0  }
0xc9: {  	[sflag:s7] =	ssyncadd.s32 $0xFFFFE000  }
0xca: {  	_ =	swait.ge [sflag:s7], $0x2000  }
0xcb: {  	[sflag:s7] =	ssyncset.done $0x0  }
0xcc: {  	[sflag:s7] =	ssyncadd.s32 $0xFFFFE000  }
0xcd: {  	_ =	swait.ge [sflag:s7], $0x2000  }
0xce: {  	[sflag:s7] =	ssyncset.done $0x0  }
0xcf: {  	[sflag:s7] =	ssyncadd.s32 $0xFFFFE000  }
0xd0: {  	s19 =	sand.u32 $0xC00, s14;
	s18 =	sand.u32 $0x1000, s14;
	_ =	swait.ge [sflag:s7], $0x2000  }
0xd1: {  	s20 =	sand.u32 $0x380, s14;
	s15 =	sor.u32 s19, s18;
	[sflag:s7] =	ssyncset.done $0x0  }
0xd2: {  	s15 =	sor.u32 s20, s15;
	[sflag:s7] =	ssyncadd.s32 $0xFFFFE000  }
0xd3: {  	v3 =	vld [tilespmem:s15+$0x4070]  }
0xd4: {  	v4 =	vld [tilespmem:s15+$0x10070]  }
0xd5: {  	v5 =	vld [tilespmem:s15+$0x70]  }
0xd6: {  	v6 =	vld [tilespmem:s15+$0xC070]  }
0xd7: {  	v7 =	vld [tilespmem:s15+$0x2070]  }
0xd8: {  	v8 =	vld [tilespmem:s15+$0xE070]  }
0xd9: {  	v9 =	vld [tilespmem:s15+$0x18070]  }
0xda: {  	v10 =	vld [tilespmem:s15+$0x0]  }
0xdb: {  	v11 =	vld [tilespmem:s15+$0xC000]  }
0xdc: {  	v12 =	vld [tilespmem:s15+$0x2000]  }
0xdd: {  	v13 =	vld [tilespmem:s15+$0xE000]  }
0xde: {  	v14 =	vld [tilespmem:s15+$0x20]  }
0xdf: {  	v15 =	vld [tilespmem:s15+$0xE020]  }
0xe0: {  	v16 =	vld [tilespmem:s15+$0x30]  }
0xe1: {  	v17 =	vld [tilespmem:s15+$0xC030]  }
0xe2: {  	v18 =	vld [tilespmem:s15+$0x2030]  }
0xe3: {  	v19 =	vld [tilespmem:s15+$0xE030]  }
0xe4: {  	v20 =	vld [tilespmem:s15+$0x40]  }
0xe5: {  	v22 =	vld [tilespmem:s15+$0x2040]  }
0xe6: {  	v23 =	vld [tilespmem:s15+$0xE040]  }
0xe7: {  	v24 =	vld [tilespmem:s15+$0x50]  }
0xe8: {  	v25 =	vld [tilespmem:s15+$0xC050]  }
0xe9: {  	v26 =	vld [tilespmem:s15+$0x2050]  }
0xea: {  	v27 =	vld [tilespmem:s15+$0xE050]  }
0xeb: {  	v28 =	vld [tilespmem:s15+$0x60]  }
0xec: {  	v29 =	vld [tilespmem:s15+$0xC060]  }
0xed: {  	v30 =	vld [tilespmem:s15+$0x2060]  }
0xee: {  	v31 =	vld [tilespmem:s15+$0xE060]  }
0xef: {  	v32 =	vld [tilespmem:s15+$0x4000]  }
0xf0: {  	v33 =	vld [tilespmem:s15+$0x10000]  }
0xf1: {  	v34 =	vld [tilespmem:s15+$0x4010]  }
0xf2: {  	v39 =	vld [tilespmem:s15+$0x10010]  }
0xf3: {  	v41 =	vld [tilespmem:s15+$0x18000]  }
0xf4: {  	v43 =	vld [tilespmem:s15+$0x4040]  }
0xf5: {  	v44 =	vld [tilespmem:s15+$0x10040]  }
0xf6: {  	v52 =	vld [tilespmem:s15+$0x4060];
	v5 =	vsub.f32 v5, v6;
	v6 =	vsub.f32 v7, v8  }
0xf7: {  	v56 =	vld [tilespmem:s15+$0x10060];
	v3 =	vsub.f32 v3, v4;
	v4 =	vshll.u32 v9, $0x4  }
0xf8: {  	v7 =	vld [tilespmem:s15+$0x10];
	v4 =	vor.u32 v1, v4;
	v5 =	vand.u32 $0x7FFFFFFF, v5;
	v6 =	vand.u32 $0x7FFFFFFF, v6  }
0xf9: {  	v8 =	vld [tilespmem:s15+$0xC010];
	v5 =	vadd.f32 v6, v5  }
0xfa: {  	v9 =	vld [tilespmem:s15+$0x2010];
	v10 =	vsub.f32 v10, v11;
	v11 =	vsub.f32 v12, v13;
	v3 =	vand.u32 $0x7FFFFFFF, v3  }
0xfb: {  	v42 =	vsub.f32 v18, v19;
	v6 =	vld [tilespmem:s15+$0xE010];
	v3 =	vadd.f32 v3, v5  }
0xfc: {  	v45 =	vsub.f32 v22, v23;
	v47 =	vsub.f32 v24, v25;
	v5 =	vld [tilespmem:s15+$0xC020]  }
0xfd: {  	v49 =	vsub.f32 v26, v27;
	v51 =	vsub.f32 v32, v33;
	[tilespmem:v4+s22+$0x0] =	vst.idx.add.f32.msk $0xffff, v3  }
0xfe: {  	v53 =	vsub.f32 v28, v29;
	v55 =	vsub.f32 v30, v31;
	v3 =	vld [tilespmem:s15+$0x2020]  }
0xff: {  	v21 =	vld [tilespmem:s15+$0xC040];
	v12 =	vsub.f32 v34, v39;
	v58 =	vsub.f32 v43, v44  }
0x100: {  	v40 =	vld [tilespmem:s15+$0x10030];
	v61 =	vsub.f32 v52, v56;
	v10 =	vand.u32 $0x7FFFFFFF, v10;
	v7 =	vsub.f32 v7, v8  }
0x101: {  	v46 =	vld [tilespmem:s15+$0x4050];
	v11 =	vand.u32 $0x7FFFFFFF, v11;
	v18 =	vand.u32 $0x7FFFFFFF, v45;
	v6 =	vsub.f32 v9, v6  }
0x102: {  	v48 =	vld [tilespmem:s15+$0x10050];
	v10 =	vadd.f32 v11, v10;
	v7 =	vand.u32 $0x7FFFFFFF, v7;
	v5 =	vsub.f32 v14, v5  }
0x103: {  	v50 =	vld [tilespmem:s15+$0x18010];
	v6 =	vand.u32 $0x7FFFFFFF, v6;
	v14 =	vshll.u32 v41, $0x4;
	v3 =	vsub.f32 v3, v15  }
0x104: {  	v54 =	vld [tilespmem:s15+$0x18020];
	v6 =	vadd.f32 v6, v7;
	v7 =	vsub.f32 v16, v17;
	v14 =	vor.u32 v1, v14  }
0x105: {  	v11 =	vld [tilespmem:s15+$0x4030];
	v5 =	vand.u32 $0x7FFFFFFF, v5;
	v15 =	vand.u32 $0x7FFFFFFF, v42;
	v3 =	vand.u32 $0x7FFFFFFF, v3  }
0x106: {  	v8 =	vld [tilespmem:s15+$0x4020];
	v7 =	vand.u32 $0x7FFFFFFF, v7;
	v3 =	vadd.f32 v3, v5;
	v5 =	vsub.f32 v20, v21  }
0x107: {  	v9 =	vld [tilespmem:s15+$0x10020];
	v7 =	vadd.f32 v15, v7;
	v15 =	vand.u32 $0x7FFFFFFF, v47;
	v21 =	vand.u32 $0x7FFFFFFF, v49  }
0x108: {  	[tilespmem:v4+s23+$0x0] =	vst.idx.add.f32.msk $0xffff, v2;
	v4 =	vand.u32 $0x7FFFFFFF, v53;
	v15 =	vadd.f32 v21, v15;
	v5 =	vand.u32 $0x7FFFFFFF, v5  }
0x109: {  	v57 =	vld [tilespmem:s15+$0x18030];
	v21 =	vand.u32 $0x7FFFFFFF, v55;
	v5 =	vadd.f32 v18, v5;
	v18 =	vand.u32 $0x7FFFFFFF, v51  }
0x10a: {  	v21 =	vadd.f32 v21, v4;
	v4 =	vand.u32 $0x7FFFFFFF, v12;
	v10 =	vadd.f32 v18, v10  }
0x10b: {  	v22 =	vshll.u32 v50, $0x4;
	v11 =	vsub.f32 v11, v40;
	v4 =	vadd.f32 v4, v6;
	v6 =	vld [tilespmem:s15+$0x18040]  }
0x10c: {  	v8 =	vsub.f32 v8, v9;
	v9 =	vshll.u32 v54, $0x4;
	[tilespmem:v14+s22+$0x0] =	vst.idx.add.f32.msk $0xffff, v10;
	v10 =	vor.u32 v1, v22  }
0x10d: {  	v59 =	vld [tilespmem:s15+$0x18050];
	v11 =	vand.u32 $0x7FFFFFFF, v11;
	v60 =	vor.u32 v1, v9;
	v9 =	vsub.f32 v46, v48  }
0x10e: {  	v62 =	vld [tilespmem:s15+$0x18060];
	v63 =	vand.u32 $0x7FFFFFFF, v8;
	v11 =	vadd.f32 v11, v7;
	v18 =	vshll.u32 v57, $0x4  }
0x10f: {  	v8 =	vor.u32 v1, v18;
	[tilespmem:v14+s23+$0x0] =	vst.idx.add.f32.msk $0xffff, v2;
	v14 =	vadd.f32 v63, v3;
	v3 =	vand.u32 $0x7FFFFFFF, v58  }
0x110: {  	v7 =	vadd.f32 v3, v5;
	v3 =	vand.u32 $0x7FFFFFFF, v9;
	v5 =	vand.u32 $0x7FFFFFFF, v61  }
0x111: {  	[tilespmem:v10+s22+$0x0] =	vst.idx.add.f32.msk $0xffff, v4;
	v4 =	vadd.f32 v3, v15;
	v3 =	vadd.f32 v5, v21;
	v5 =	vshll.u32 v6, $0x4  }
0x112: {  	[tilespmem:v60+s22+$0x0] =	vst.idx.add.f32.msk $0xffff, v14;
	v9 =	vor.u32 v1, v5  }
0x113: {  	[tilespmem:v60+s23+$0x0] =	vst.idx.add.f32.msk $0xffff, v2  }
0x114: {  	[tilespmem:v10+s23+$0x0] =	vst.idx.add.f32.msk $0xffff, v2;
	v5 =	vshll.u32 v59, $0x4;
	v10 =	vshll.u32 v62, $0x4  }
0x115: {  	s16 =	simm.s32 $0x400;
	s18 =	simm.s32 $0x80;
	s15 =	simm.s32 $0x0;
	[tilespmem:v8+s22+$0x0] =	vst.idx.add.f32.msk $0xffff, v11;
	v6 =	vor.u32 v1, v5;
	v5 =	vor.u32 v1, v10  }
.LBB2_3:
0x116: {  	s19 =	sand.u32 $0x1000, s18;
	s20 =	sand.u32 $0xC00, s16;
	[tilespmem:v8+s23+$0x0] =	vst.idx.add.f32.msk $0xffff, v2;
	s14 =	sadd.s32 $0x20, s14  }
0x117: {  	s19 =	sor.u32 s20, s19;
	s20 =	sand.u32 $0x380, s14;
	[tilespmem:v9+s22+$0x0] =	vst.idx.add.f32.msk $0xffff, v7  }
0x118: {  	s19 =	sor.u32 s20, s19;
	[tilespmem:v9+s23+$0x0] =	vst.idx.add.f32.msk $0xffff, v2  }
0x119: {  	v7 =	vld [tilespmem:s19+$0x4070]  }
0x11a: {  	v8 =	vld [tilespmem:s19+$0x10070]  }
0x11b: {  	v9 =	vld [tilespmem:s19+$0x70]  }
0x11c: {  	s15 =	sadd.s32 $0x8, s15;
	v10 =	vld [tilespmem:s19+$0xC070]  }
0x11d: {  	p0 =	slt.u32 s15, $0x1F8;
	v11 =	vld [tilespmem:s19+$0x2070]  }
0x11e: {  	v12 =	vld [tilespmem:s19+$0xE070]  }
0x11f: {  	v13 =	vld [tilespmem:s19+$0x18070]  }
0x120: {  	v14 =	vld [tilespmem:s19+$0x0]  }
0x121: {  	v15 =	vld [tilespmem:s19+$0xC000]  }
0x122: {  	v16 =	vld [tilespmem:s19+$0x2000]  }
0x123: {  	v9 =	vsub.f32 v9, v10;
	v17 =	vld [tilespmem:s19+$0xE000];
	v10 =	vsub.f32 v11, v12  }
0x124: {  	v7 =	vsub.f32 v7, v8;
	v11 =	vld [tilespmem:s19+$0x10];
	v8 =	vshll.u32 v13, $0x4  }
0x125: {  	v9 =	vand.u32 $0x7FFFFFFF, v9;
	v12 =	vld [tilespmem:s19+$0xC010];
	v10 =	vand.u32 $0x7FFFFFFF, v10;
	v8 =	vor.u32 v1, v8  }
0x126: {  	v13 =	vsub.f32 v14, v15;
	v14 =	vld [tilespmem:s19+$0x2010];
	v9 =	vadd.f32 v10, v9  }
0x127: {  	v7 =	vand.u32 $0x7FFFFFFF, v7;
	v10 =	vld [tilespmem:s19+$0xE010]  }
0x128: {  	v13 =	vand.u32 $0x7FFFFFFF, v13;
	v15 =	vsub.f32 v16, v17;
	v16 =	vld [tilespmem:s19+$0x20];
	v7 =	vadd.f32 v7, v9  }
0x129: {  	v9 =	vld [tilespmem:s19+$0xC020]  }
0x12a: {  	v15 =	vand.u32 $0x7FFFFFFF, v15;
	v11 =	vsub.f32 v11, v12;
	[tilespmem:v8+s22+$0x0] =	vst.idx.add.f32.msk $0xffff, v7  }
0x12b: {  	v7 =	vadd.f32 v15, v13;
	[tilespmem:v8+s23+$0x0] =	vst.idx.add.f32.msk $0xffff, v2  }
0x12c: {  	v8 =	vand.u32 $0x7FFFFFFF, v11;
	v10 =	vsub.f32 v14, v10;
	v11 =	vld [tilespmem:s19+$0x2020]  }
0x12d: {  	v12 =	vld [tilespmem:s19+$0xE020]  }
0x12e: {  	v10 =	vand.u32 $0x7FFFFFFF, v10;
	v9 =	vsub.f32 v16, v9;
	v13 =	vld [tilespmem:s19+$0x30]  }
0x12f: {  	v8 =	vadd.f32 v10, v8;
	v10 =	vld [tilespmem:s19+$0xC030]  }
0x130: {  	v9 =	vand.u32 $0x7FFFFFFF, v9;
	v14 =	vld [tilespmem:s19+$0x2030]  }
0x131: {  	v15 =	vld [tilespmem:s19+$0xE030]  }
0x132: {  	v11 =	vsub.f32 v11, v12;
	v12 =	vld [tilespmem:s19+$0x40]  }
0x133: {  	v16 =	vld [tilespmem:s19+$0xC040]  }
0x134: {  	v11 =	vand.u32 $0x7FFFFFFF, v11;
	v10 =	vsub.f32 v13, v10;
	v13 =	vld [tilespmem:s19+$0x2040]  }
0x135: {  	v9 =	vadd.f32 v11, v9;
	v11 =	vld [tilespmem:s19+$0xE040]  }
0x136: {  	v10 =	vand.u32 $0x7FFFFFFF, v10;
	v14 =	vsub.f32 v14, v15;
	v15 =	vld [tilespmem:s19+$0x50]  }
0x137: {  	v17 =	vld [tilespmem:s19+$0xC050]  }
0x138: {  	v14 =	vand.u32 $0x7FFFFFFF, v14;
	v12 =	vsub.f32 v12, v16;
	v16 =	vld [tilespmem:s19+$0x2050]  }
0x139: {  	v10 =	vadd.f32 v14, v10;
	v14 =	vld [tilespmem:s19+$0xE050]  }
0x13a: {  	v12 =	vand.u32 $0x7FFFFFFF, v12;
	v11 =	vsub.f32 v13, v11;
	v13 =	vld [tilespmem:s19+$0x60]  }
0x13b: {  	v18 =	vld [tilespmem:s19+$0xC060]  }
0x13c: {  	v11 =	vand.u32 $0x7FFFFFFF, v11;
	v15 =	vsub.f32 v15, v17;
	v17 =	vld [tilespmem:s19+$0x2060]  }
0x13d: {  	v11 =	vadd.f32 v11, v12;
	v12 =	vld [tilespmem:s19+$0xE060]  }
0x13e: {  	v19 =	vld [tilespmem:s19+$0x4000];
	v15 =	vand.u32 $0x7FFFFFFF, v15;
	v14 =	vsub.f32 v16, v14  }
0x13f: {  	v16 =	vld [tilespmem:s19+$0x10000]  }
0x140: {  	v20 =	vld [tilespmem:s19+$0x4010];
	v14 =	vand.u32 $0x7FFFFFFF, v14;
	v13 =	vsub.f32 v13, v18  }
0x141: {  	v18 =	vld [tilespmem:s19+$0x10010];
	v14 =	vadd.f32 v14, v15  }
0x142: {  	v15 =	vld [tilespmem:s19+$0x4020];
	v13 =	vand.u32 $0x7FFFFFFF, v13;
	v12 =	vsub.f32 v17, v12  }
0x143: {  	v17 =	vld [tilespmem:s19+$0x10020]  }
0x144: {  	v16 =	vsub.f32 v19, v16;
	v19 =	vld [tilespmem:s19+$0x4030];
	v12 =	vand.u32 $0x7FFFFFFF, v12  }
0x145: {  	v21 =	vld [tilespmem:s19+$0x10030];
	v12 =	vadd.f32 v12, v13  }
0x146: {  	v13 =	vand.u32 $0x7FFFFFFF, v16;
	v16 =	vsub.f32 v20, v18;
	v18 =	vld [tilespmem:s19+$0x4040]  }
0x147: {  	v13 =	vadd.f32 v13, v7;
	v7 =	vld [tilespmem:s19+$0x10040]  }
0x148: {  	v16 =	vand.u32 $0x7FFFFFFF, v16;
	v15 =	vsub.f32 v15, v17;
	v17 =	vld [tilespmem:s19+$0x4050]  }
0x149: {  	v16 =	vadd.f32 v16, v8;
	v8 =	vld [tilespmem:s19+$0x10050]  }
0x14a: {  	v15 =	vand.u32 $0x7FFFFFFF, v15;
	v19 =	vsub.f32 v19, v21;
	v20 =	vld [tilespmem:s19+$0x4060]  }
0x14b: {  	v15 =	vadd.f32 v15, v9;
	v9 =	vld [tilespmem:s19+$0x10060]  }
0x14c: {  	v21 =	vld [tilespmem:s19+$0x18000];
	v19 =	vand.u32 $0x7FFFFFFF, v19;
	v7 =	vsub.f32 v18, v7  }
0x14d: {  	v18 =	vld [tilespmem:s19+$0x18010];
	v10 =	vadd.f32 v19, v10  }
0x14e: {  	v19 =	vld [tilespmem:s19+$0x18020];
	v7 =	vand.u32 $0x7FFFFFFF, v7;
	v8 =	vsub.f32 v17, v8  }
0x14f: {  	v17 =	vld [tilespmem:s19+$0x18030];
	v7 =	vadd.f32 v7, v11  }
0x150: {  	v11 =	vld [tilespmem:s19+$0x18040];
	v8 =	vand.u32 $0x7FFFFFFF, v8;
	v9 =	vsub.f32 v20, v9  }
0x151: {  	v20 =	vshll.u32 v21, $0x4;
	v21 =	vld [tilespmem:s19+$0x18050];
	v8 =	vadd.f32 v8, v14  }
0x152: {  	v14 =	vor.u32 v1, v20;
	v18 =	vshll.u32 v18, $0x4;
	v20 =	vld [tilespmem:s19+$0x18060];
	v9 =	vand.u32 $0x7FFFFFFF, v9  }
0x153: {  	v18 =	vor.u32 v1, v18;
	v19 =	vshll.u32 v19, $0x4;
	v9 =	vadd.f32 v9, v12;
	[tilespmem:v6+s22+$0x0] =	vst.idx.add.f32.msk $0xffff, v4  }
0x154: {  	v4 =	vmov v8;
	v12 =	vor.u32 v1, v19;
	v17 =	vshll.u32 v17, $0x4;
	[tilespmem:v6+s23+$0x0] =	vst.idx.add.f32.msk $0xffff, v2  }
0x155: {  	v8 =	vor.u32 v1, v17;
	v6 =	vshll.u32 v11, $0x4;
	[tilespmem:v5+s22+$0x0] =	vst.idx.add.f32.msk $0xffff, v3;
	v3 =	vmov v9  }
0x156: {  	v9 =	vor.u32 v1, v6;
	v6 =	vshll.u32 v21, $0x4;
	[tilespmem:v5+s23+$0x0] =	vst.idx.add.f32.msk $0xffff, v2  }
0x157: {  	[tilespmem:v14+s22+$0x0] =	vst.idx.add.f32.msk $0xffff, v13;
	v6 =	vor.u32 v1, v6;
	v5 =	vshll.u32 v20, $0x4  }
0x158: {  	[tilespmem:v14+s23+$0x0] =	vst.idx.add.f32.msk $0xffff, v2;
	v5 =	vor.u32 v1, v5  }
.Ltmp0:
0x159: {  	[tilespmem:v18+s22+$0x0] =	vst.idx.add.f32.msk $0xffff, v16;
	(pc) =	sbr.rel @p0 .LBB2_3-.Ltmp0, $4  }
0x15a: {  	[tilespmem:v18+s23+$0x0] =	vst.idx.add.f32.msk $0xffff, v2  }
0x15b: {  	[tilespmem:v12+s22+$0x0] =	vst.idx.add.f32.msk $0xffff, v15  }
0x15c: {  	[tilespmem:v12+s23+$0x0] =	vst.idx.add.f32.msk $0xffff, v2  }
0x15d: {  	s16 =	sadd.s32 $0x400, s16;
	s18 =	sadd.s32 $0x80, s18;
	[tilespmem:v8+s22+$0x0] =	vst.idx.add.f32.msk $0xffff, v10  }
0x15e: {  	_ =	sdelay $0x3  }
0x15f: {  	[tilespmem:v8+s23+$0x0] =	vst.idx.add.f32.msk $0xffff, v2  }
0x160: {  	[tilespmem:v9+s22+$0x0] =	vst.idx.add.f32.msk $0xffff, v7;
	p0 =	seq.s32 s12, $0x7  }
0x161: {  	[tilespmem:v6+s22+$0x0] =	vst.idx.add.f32.msk $0xffff, v4;
	s13 =	sadd.s32 @!p0 s13, s17  }
0x162: {  	[tilespmem:v5+s22+$0x0] =	vst.idx.add.f32.msk $0xffff, v3;
	s13 =	sshll.u32 @!p0 s13, $0x9  }
0x163: {  	[tilespmem:v9+s23+$0x0] =	vst.idx.add.f32.msk $0xffff, v2;
	s14 =	sadd.s32 @!p0 s6, s13  }
0x164: {  	[tilespmem:v6+s23+$0x0] =	vst.idx.add.f32.msk $0xffff, v2;
	s15 =	sshrl.u32 @!p0 s14, $0x3  }
0x165: {  	[tilespmem:v5+s23+$0x0] =	vst.idx.add.f32.msk $0xffff, v2;
	s18 =	simm.s32 @!p0 $0x0;
	s16 =	sadd.s32 @!p0 s1, s15  }
0x166: {  	[tilespmem:s18], [sflag:$0x1] =	stream.linear.gather @!p0 [hbm4b:s16+s18], $0x2000, $0x38;
	[tilespmem:$0x1C800] =	vst v63  }
0x167: {  	s15 =	sadd.s32 @!p0 s2, s15;
	s16 =	simm.s32 @!p0 $0xC000  }
0x168: {  	[tilespmem:s16], [sflag:$0x1] =	stream.linear.gather @!p0 [hbm4b:s15+s18], $0x2000, $0x38;
	[tilespmem:$0x1C800] =	vst v63  }
0x169: {  	s15 =	sadd.s32 @!p0 $0x40000, s14  }
0x16a: {  	s15 =	sshrl.u32 @!p0 s15, $0x3  }
0x16b: {  	s19 =	simm.s32 @!p0 $0x2000;
	s14 =	sadd.s32 @!p0 $0x80000, s14;
	s16 =	sadd.s32 @!p0 s1, s15  }
0x16c: {  	[tilespmem:s19], [sflag:$0x1] =	stream.linear.gather @!p0 [hbm4b:s16+s18], $0x2000, $0x38;
	[tilespmem:$0x1C800] =	vst v63  }
0x16d: {  	s14 =	sshrl.u32 @!p0 s14, $0x3;
	s15 =	sadd.s32 @!p0 s2, s15;
	s16 =	simm.s32 @!p0 $0xE000  }
0x16e: {  	[tilespmem:s16], [sflag:$0x1] =	stream.linear.gather @!p0 [hbm4b:s15+s18], $0x2000, $0x38;
	[tilespmem:$0x1C800] =	vst v63  }
0x16f: {  	s13 =	sadd.s32 @!p0 s11, s13;
	s15 =	sadd.s32 @!p0 s1, s14;
	s16 =	simm.s32 @!p0 $0x4000  }
0x170: {  	[tilespmem:s16], [sflag:$0x1] =	stream.linear.gather @!p0 [hbm4b:s15+s18], $0x2000, $0x38;
	[tilespmem:$0x1C800] =	vst v63  }
0x171: {  	s13 =	sshrl.u32 @!p0 s13, $0x3;
	s14 =	sadd.s32 @!p0 s2, s14;
	s15 =	simm.s32 @!p0 $0x10000  }
0x172: {  	[tilespmem:s15], [sflag:$0x1] =	stream.linear.gather @!p0 [hbm4b:s14+s18], $0x2000, $0x38;
	[tilespmem:$0x1C800] =	vst v63  }
0x173: {  	s13 =	sadd.s32 @!p0 s4, s13;
	s14 =	simm.s32 @!p0 $0x18000  }
0x174: {  	[tilespmem:s14], [sflag:$0x1] =	stream.linear.gather @!p0 [hbm4b:s13+s18], $0x2000, $0x38;
	[tilespmem:$0x1C800] =	vst v63  }
0x175: {  	_ =	swait.ge [sflag:s24], $0x2000  }
0x176: {  	[sflag:s24] =	ssyncset.done $0x0  }
0x177: {  	[sflag:s24] =	ssyncadd.s32 $0xFFFFE000  }
0x178: {  	_ =	swait.ge [sflag:s24], $0x2000  }
0x179: {  	[sflag:s24] =	ssyncset.done $0x0  }
0x17a: {  	[sflag:s24] =	ssyncadd.s32 $0xFFFFE000  }
0x17b: {  	_ =	swait.ge [sflag:s24], $0x2000  }
0x17c: {  	[sflag:s24] =	ssyncset.done $0x0  }
0x17d: {  	[sflag:s24] =	ssyncadd.s32 $0xFFFFE000  }
0x17e: {  	_ =	swait.ge [sflag:s24], $0x2000  }
0x17f: {  	[sflag:s24] =	ssyncset.done $0x0  }
0x180: {  	[sflag:s24] =	ssyncadd.s32 $0xFFFFE000  }
0x181: {  	_ =	swait.ge [sflag:s24], $0x2000  }
0x182: {  	[sflag:s24] =	ssyncset.done $0x0  }
0x183: {  	[sflag:s24] =	ssyncadd.s32 $0xFFFFE000  }
0x184: {  	_ =	swait.ge [sflag:s24], $0x2000  }
0x185: {  	[sflag:s24] =	ssyncset.done $0x0  }
0x186: {  	s13 =	simm.s32 $0x0;
	[sflag:s24] =	ssyncadd.s32 $0xFFFFE000  }
0x187: {  	s18 =	sand.u32 $0x1000, s13;
	s19 =	sand.u32 $0xC00, s13;
	_ =	swait.ge [sflag:s24], $0x2000  }
0x188: {  	s20 =	sand.u32 $0x380, s13;
	s14 =	sor.u32 s19, s18;
	[sflag:s24] =	ssyncset.done $0x0  }
0x189: {  	s14 =	sor.u32 s20, s14;
	[sflag:s24] =	ssyncadd.s32 $0xFFFFE000  }
0x18a: {  	v3 =	vld [tilespmem:s14+$0xA070]  }
0x18b: {  	v4 =	vld [tilespmem:s14+$0x16070]  }
0x18c: {  	v5 =	vld [tilespmem:s14+$0x6070]  }
0x18d: {  	v6 =	vld [tilespmem:s14+$0x12070]  }
0x18e: {  	v7 =	vld [tilespmem:s14+$0x8070]  }
0x18f: {  	v8 =	vld [tilespmem:s14+$0x14070]  }
0x190: {  	v9 =	vld [tilespmem:s14+$0x1A070]  }
0x191: {  	v10 =	vld [tilespmem:s14+$0x6000]  }
0x192: {  	v11 =	vld [tilespmem:s14+$0x12000]  }
0x193: {  	v12 =	vld [tilespmem:s14+$0x8000]  }
0x194: {  	v13 =	vld [tilespmem:s14+$0x14000]  }
0x195: {  	v14 =	vld [tilespmem:s14+$0x6020]  }
0x196: {  	v15 =	vld [tilespmem:s14+$0x14020]  }
0x197: {  	v16 =	vld [tilespmem:s14+$0x6030]  }
0x198: {  	v17 =	vld [tilespmem:s14+$0x12030]  }
0x199: {  	v18 =	vld [tilespmem:s14+$0x8030]  }
0x19a: {  	v19 =	vld [tilespmem:s14+$0x14030]  }
0x19b: {  	v20 =	vld [tilespmem:s14+$0x6040]  }
0x19c: {  	v22 =	vld [tilespmem:s14+$0x8040]  }
0x19d: {  	v23 =	vld [tilespmem:s14+$0x14040]  }
0x19e: {  	v24 =	vld [tilespmem:s14+$0x6050]  }
0x19f: {  	v25 =	vld [tilespmem:s14+$0x12050]  }
0x1a0: {  	v26 =	vld [tilespmem:s14+$0x8050]  }
0x1a1: {  	v27 =	vld [tilespmem:s14+$0x14050]  }
0x1a2: {  	v28 =	vld [tilespmem:s14+$0x6060]  }
0x1a3: {  	v29 =	vld [tilespmem:s14+$0x12060]  }
0x1a4: {  	v30 =	vld [tilespmem:s14+$0x8060]  }
0x1a5: {  	v31 =	vld [tilespmem:s14+$0x14060]  }
0x1a6: {  	v32 =	vld [tilespmem:s14+$0xA000]  }
0x1a7: {  	v33 =	vld [tilespmem:s14+$0x16000]  }
0x1a8: {  	v34 =	vld [tilespmem:s14+$0xA010]  }
0x1a9: {  	v39 =	vld [tilespmem:s14+$0x16010]  }
0x1aa: {  	v41 =	vld [tilespmem:s14+$0x1A000]  }
0x1ab: {  	v43 =	vld [tilespmem:s14+$0xA040]  }
0x1ac: {  	v44 =	vld [tilespmem:s14+$0x16040]  }
0x1ad: {  	v52 =	vld [tilespmem:s14+$0xA060];
	v5 =	vsub.f32 v5, v6;
	v6 =	vsub.f32 v7, v8  }
0x1ae: {  	v56 =	vld [tilespmem:s14+$0x16060];
	v3 =	vsub.f32 v3, v4;
	v4 =	vshll.u32 v9, $0x4  }
0x1af: {  	v7 =	vld [tilespmem:s14+$0x6010];
	v4 =	vor.u32 v1, v4;
	v5 =	vand.u32 $0x7FFFFFFF, v5;
	v6 =	vand.u32 $0x7FFFFFFF, v6  }
0x1b0: {  	v8 =	vld [tilespmem:s14+$0x12010];
	v5 =	vadd.f32 v6, v5  }
0x1b1: {  	v9 =	vld [tilespmem:s14+$0x8010];
	v10 =	vsub.f32 v10, v11;
	v11 =	vsub.f32 v12, v13;
	v3 =	vand.u32 $0x7FFFFFFF, v3  }
0x1b2: {  	v42 =	vsub.f32 v18, v19;
	v6 =	vld [tilespmem:s14+$0x14010];
	v3 =	vadd.f32 v3, v5  }
0x1b3: {  	v45 =	vsub.f32 v22, v23;
	v47 =	vsub.f32 v24, v25;
	v5 =	vld [tilespmem:s14+$0x12020]  }
0x1b4: {  	v49 =	vsub.f32 v26, v27;
	v51 =	vsub.f32 v32, v33;
	[tilespmem:v4+s22+$0x0] =	vst.idx.add.f32.msk $0xffff, v3  }
0x1b5: {  	v53 =	vsub.f32 v28, v29;
	v55 =	vsub.f32 v30, v31;
	v3 =	vld [tilespmem:s14+$0x8020]  }
0x1b6: {  	v21 =	vld [tilespmem:s14+$0x12040];
	v12 =	vsub.f32 v34, v39;
	v58 =	vsub.f32 v43, v44  }
0x1b7: {  	v40 =	vld [tilespmem:s14+$0x16030];
	v61 =	vsub.f32 v52, v56;
	v10 =	vand.u32 $0x7FFFFFFF, v10;
	v7 =	vsub.f32 v7, v8  }
0x1b8: {  	v46 =	vld [tilespmem:s14+$0xA050];
	v11 =	vand.u32 $0x7FFFFFFF, v11;
	v18 =	vand.u32 $0x7FFFFFFF, v45;
	v6 =	vsub.f32 v9, v6  }
0x1b9: {  	v48 =	vld [tilespmem:s14+$0x16050];
	v10 =	vadd.f32 v11, v10;
	v7 =	vand.u32 $0x7FFFFFFF, v7;
	v5 =	vsub.f32 v14, v5  }
0x1ba: {  	v50 =	vld [tilespmem:s14+$0x1A010];
	v6 =	vand.u32 $0x7FFFFFFF, v6;
	v14 =	vshll.u32 v41, $0x4;
	v3 =	vsub.f32 v3, v15  }
0x1bb: {  	v54 =	vld [tilespmem:s14+$0x1A020];
	v6 =	vadd.f32 v6, v7;
	v7 =	vsub.f32 v16, v17;
	v14 =	vor.u32 v1, v14  }
0x1bc: {  	v11 =	vld [tilespmem:s14+$0xA030];
	v5 =	vand.u32 $0x7FFFFFFF, v5;
	v15 =	vand.u32 $0x7FFFFFFF, v42;
	v3 =	vand.u32 $0x7FFFFFFF, v3  }
0x1bd: {  	v8 =	vld [tilespmem:s14+$0xA020];
	v7 =	vand.u32 $0x7FFFFFFF, v7;
	v3 =	vadd.f32 v3, v5;
	v5 =	vsub.f32 v20, v21  }
0x1be: {  	v9 =	vld [tilespmem:s14+$0x16020];
	v7 =	vadd.f32 v15, v7;
	v15 =	vand.u32 $0x7FFFFFFF, v47;
	v21 =	vand.u32 $0x7FFFFFFF, v49  }
0x1bf: {  	[tilespmem:v4+s23+$0x0] =	vst.idx.add.f32.msk $0xffff, v2;
	v4 =	vand.u32 $0x7FFFFFFF, v53;
	v15 =	vadd.f32 v21, v15;
	v5 =	vand.u32 $0x7FFFFFFF, v5  }
0x1c0: {  	v57 =	vld [tilespmem:s14+$0x1A030];
	v21 =	vand.u32 $0x7FFFFFFF, v55;
	v5 =	vadd.f32 v18, v5;
	v18 =	vand.u32 $0x7FFFFFFF, v51  }
0x1c1: {  	v21 =	vadd.f32 v21, v4;
	v4 =	vand.u32 $0x7FFFFFFF, v12;
	v10 =	vadd.f32 v18, v10  }
0x1c2: {  	v22 =	vshll.u32 v50, $0x4;
	v11 =	vsub.f32 v11, v40;
	v4 =	vadd.f32 v4, v6;
	v6 =	vld [tilespmem:s14+$0x1A040]  }
0x1c3: {  	v8 =	vsub.f32 v8, v9;
	v9 =	vshll.u32 v54, $0x4;
	[tilespmem:v14+s22+$0x0] =	vst.idx.add.f32.msk $0xffff, v10;
	v10 =	vor.u32 v1, v22  }
0x1c4: {  	v59 =	vld [tilespmem:s14+$0x1A050];
	v11 =	vand.u32 $0x7FFFFFFF, v11;
	v60 =	vor.u32 v1, v9;
	v9 =	vsub.f32 v46, v48  }
0x1c5: {  	v62 =	vld [tilespmem:s14+$0x1A060];
	v63 =	vand.u32 $0x7FFFFFFF, v8;
	v11 =	vadd.f32 v11, v7;
	v18 =	vshll.u32 v57, $0x4  }
0x1c6: {  	v8 =	vor.u32 v1, v18;
	[tilespmem:v14+s23+$0x0] =	vst.idx.add.f32.msk $0xffff, v2;
	v14 =	vadd.f32 v63, v3;
	v3 =	vand.u32 $0x7FFFFFFF, v58  }
0x1c7: {  	v7 =	vadd.f32 v3, v5;
	v3 =	vand.u32 $0x7FFFFFFF, v9;
	v5 =	vand.u32 $0x7FFFFFFF, v61  }
0x1c8: {  	[tilespmem:v10+s22+$0x0] =	vst.idx.add.f32.msk $0xffff, v4;
	v4 =	vadd.f32 v3, v15;
	v3 =	vadd.f32 v5, v21;
	v5 =	vshll.u32 v6, $0x4  }
0x1c9: {  	[tilespmem:v60+s22+$0x0] =	vst.idx.add.f32.msk $0xffff, v14;
	v9 =	vor.u32 v1, v5  }
0x1ca: {  	[tilespmem:v60+s23+$0x0] =	vst.idx.add.f32.msk $0xffff, v2  }
0x1cb: {  	[tilespmem:v10+s23+$0x0] =	vst.idx.add.f32.msk $0xffff, v2;
	v5 =	vshll.u32 v59, $0x4;
	v10 =	vshll.u32 v62, $0x4  }
0x1cc: {  	s16 =	simm.s32 $0x80;
	s15 =	simm.s32 $0x400;
	s14 =	simm.s32 $0x0;
	[tilespmem:v8+s22+$0x0] =	vst.idx.add.f32.msk $0xffff, v11;
	v6 =	vor.u32 v1, v5;
	v5 =	vor.u32 v1, v10  }
.LBB2_5:
0x1cd: {  	s18 =	sand.u32 $0x1000, s16;
	s19 =	sand.u32 $0xC00, s15;
	[tilespmem:v8+s23+$0x0] =	vst.idx.add.f32.msk $0xffff, v2;
	s13 =	sadd.s32 $0x20, s13  }
0x1ce: {  	s20 =	sand.u32 $0x380, s13;
	s18 =	sor.u32 s19, s18;
	[tilespmem:v9+s22+$0x0] =	vst.idx.add.f32.msk $0xffff, v7  }
0x1cf: {  	s18 =	sor.u32 s20, s18;
	[tilespmem:v9+s23+$0x0] =	vst.idx.add.f32.msk $0xffff, v2  }
0x1d0: {  	v7 =	vld [tilespmem:s18+$0xA070]  }
0x1d1: {  	v8 =	vld [tilespmem:s18+$0x16070]  }
0x1d2: {  	v9 =	vld [tilespmem:s18+$0x6070]  }
0x1d3: {  	s14 =	sadd.s32 $0x8, s14;
	v10 =	vld [tilespmem:s18+$0x12070]  }
0x1d4: {  	p0 =	slt.u32 s14, $0x1F8;
	v11 =	vld [tilespmem:s18+$0x8070]  }
0x1d5: {  	v12 =	vld [tilespmem:s18+$0x14070]  }
0x1d6: {  	v13 =	vld [tilespmem:s18+$0x1A070]  }
0x1d7: {  	v14 =	vld [tilespmem:s18+$0x6000]  }
0x1d8: {  	v15 =	vld [tilespmem:s18+$0x12000]  }
0x1d9: {  	v16 =	vld [tilespmem:s18+$0x8000]  }
0x1da: {  	v9 =	vsub.f32 v9, v10;
	v17 =	vld [tilespmem:s18+$0x14000];
	v10 =	vsub.f32 v11, v12  }
0x1db: {  	v7 =	vsub.f32 v7, v8;
	v11 =	vld [tilespmem:s18+$0x6010];
	v8 =	vshll.u32 v13, $0x4  }
0x1dc: {  	v9 =	vand.u32 $0x7FFFFFFF, v9;
	v12 =	vld [tilespmem:s18+$0x12010];
	v10 =	vand.u32 $0x7FFFFFFF, v10;
	v8 =	vor.u32 v1, v8  }
0x1dd: {  	v13 =	vsub.f32 v14, v15;
	v14 =	vld [tilespmem:s18+$0x8010];
	v9 =	vadd.f32 v10, v9  }
0x1de: {  	v7 =	vand.u32 $0x7FFFFFFF, v7;
	v10 =	vld [tilespmem:s18+$0x14010]  }
0x1df: {  	v13 =	vand.u32 $0x7FFFFFFF, v13;
	v15 =	vsub.f32 v16, v17;
	v16 =	vld [tilespmem:s18+$0x6020];
	v7 =	vadd.f32 v7, v9  }
0x1e0: {  	v9 =	vld [tilespmem:s18+$0x12020]  }
0x1e1: {  	v15 =	vand.u32 $0x7FFFFFFF, v15;
	v11 =	vsub.f32 v11, v12;
	[tilespmem:v8+s22+$0x0] =	vst.idx.add.f32.msk $0xffff, v7  }
0x1e2: {  	v7 =	vadd.f32 v15, v13;
	[tilespmem:v8+s23+$0x0] =	vst.idx.add.f32.msk $0xffff, v2  }
0x1e3: {  	v8 =	vand.u32 $0x7FFFFFFF, v11;
	v10 =	vsub.f32 v14, v10;
	v11 =	vld [tilespmem:s18+$0x8020]  }
0x1e4: {  	v12 =	vld [tilespmem:s18+$0x14020]  }
0x1e5: {  	v10 =	vand.u32 $0x7FFFFFFF, v10;
	v9 =	vsub.f32 v16, v9;
	v13 =	vld [tilespmem:s18+$0x6030]  }
0x1e6: {  	v8 =	vadd.f32 v10, v8;
	v10 =	vld [tilespmem:s18+$0x12030]  }
0x1e7: {  	v9 =	vand.u32 $0x7FFFFFFF, v9;
	v14 =	vld [tilespmem:s18+$0x8030]  }
0x1e8: {  	v15 =	vld [tilespmem:s18+$0x14030]  }
0x1e9: {  	v11 =	vsub.f32 v11, v12;
	v12 =	vld [tilespmem:s18+$0x6040]  }
0x1ea: {  	v16 =	vld [tilespmem:s18+$0x12040]  }
0x1eb: {  	v11 =	vand.u32 $0x7FFFFFFF, v11;
	v10 =	vsub.f32 v13, v10;
	v13 =	vld [tilespmem:s18+$0x8040]  }
0x1ec: {  	v9 =	vadd.f32 v11, v9;
	v11 =	vld [tilespmem:s18+$0x14040]  }
0x1ed: {  	v10 =	vand.u32 $0x7FFFFFFF, v10;
	v14 =	vsub.f32 v14, v15;
	v15 =	vld [tilespmem:s18+$0x6050]  }
0x1ee: {  	v17 =	vld [tilespmem:s18+$0x12050]  }
0x1ef: {  	v14 =	vand.u32 $0x7FFFFFFF, v14;
	v12 =	vsub.f32 v12, v16;
	v16 =	vld [tilespmem:s18+$0x8050]  }
0x1f0: {  	v10 =	vadd.f32 v14, v10;
	v14 =	vld [tilespmem:s18+$0x14050]  }
0x1f1: {  	v12 =	vand.u32 $0x7FFFFFFF, v12;
	v11 =	vsub.f32 v13, v11;
	v13 =	vld [tilespmem:s18+$0x6060]  }
0x1f2: {  	v18 =	vld [tilespmem:s18+$0x12060]  }
0x1f3: {  	v11 =	vand.u32 $0x7FFFFFFF, v11;
	v15 =	vsub.f32 v15, v17;
	v17 =	vld [tilespmem:s18+$0x8060]  }
0x1f4: {  	v11 =	vadd.f32 v11, v12;
	v12 =	vld [tilespmem:s18+$0x14060]  }
0x1f5: {  	v19 =	vld [tilespmem:s18+$0xA000];
	v15 =	vand.u32 $0x7FFFFFFF, v15;
	v14 =	vsub.f32 v16, v14  }
0x1f6: {  	v16 =	vld [tilespmem:s18+$0x16000]  }
0x1f7: {  	v20 =	vld [tilespmem:s18+$0xA010];
	v14 =	vand.u32 $0x7FFFFFFF, v14;
	v13 =	vsub.f32 v13, v18  }
0x1f8: {  	v18 =	vld [tilespmem:s18+$0x16010];
	v14 =	vadd.f32 v14, v15  }
0x1f9: {  	v15 =	vld [tilespmem:s18+$0xA020];
	v13 =	vand.u32 $0x7FFFFFFF, v13;
	v12 =	vsub.f32 v17, v12  }
0x1fa: {  	v17 =	vld [tilespmem:s18+$0x16020]  }
0x1fb: {  	v16 =	vsub.f32 v19, v16;
	v19 =	vld [tilespmem:s18+$0xA030];
	v12 =	vand.u32 $0x7FFFFFFF, v12  }
0x1fc: {  	v21 =	vld [tilespmem:s18+$0x16030];
	v12 =	vadd.f32 v12, v13  }
0x1fd: {  	v13 =	vand.u32 $0x7FFFFFFF, v16;
	v16 =	vsub.f32 v20, v18;
	v18 =	vld [tilespmem:s18+$0xA040]  }
0x1fe: {  	v13 =	vadd.f32 v13, v7;
	v7 =	vld [tilespmem:s18+$0x16040]  }
0x1ff: {  	v16 =	vand.u32 $0x7FFFFFFF, v16;
	v15 =	vsub.f32 v15, v17;
	v17 =	vld [tilespmem:s18+$0xA050]  }
0x200: {  	v16 =	vadd.f32 v16, v8;
	v8 =	vld [tilespmem:s18+$0x16050]  }
0x201: {  	v15 =	vand.u32 $0x7FFFFFFF, v15;
	v19 =	vsub.f32 v19, v21;
	v20 =	vld [tilespmem:s18+$0xA060]  }
0x202: {  	v15 =	vadd.f32 v15, v9;
	v9 =	vld [tilespmem:s18+$0x16060]  }
0x203: {  	v21 =	vld [tilespmem:s18+$0x1A000];
	v19 =	vand.u32 $0x7FFFFFFF, v19;
	v7 =	vsub.f32 v18, v7  }
0x204: {  	v18 =	vld [tilespmem:s18+$0x1A010];
	v10 =	vadd.f32 v19, v10  }
0x205: {  	v19 =	vld [tilespmem:s18+$0x1A020];
	v7 =	vand.u32 $0x7FFFFFFF, v7;
	v8 =	vsub.f32 v17, v8  }
0x206: {  	v17 =	vld [tilespmem:s18+$0x1A030];
	v7 =	vadd.f32 v7, v11  }
0x207: {  	v11 =	vld [tilespmem:s18+$0x1A040];
	v8 =	vand.u32 $0x7FFFFFFF, v8;
	v9 =	vsub.f32 v20, v9  }
0x208: {  	v20 =	vshll.u32 v21, $0x4;
	v21 =	vld [tilespmem:s18+$0x1A050];
	v8 =	vadd.f32 v8, v14  }
0x209: {  	v14 =	vor.u32 v1, v20;
	v18 =	vshll.u32 v18, $0x4;
	v20 =	vld [tilespmem:s18+$0x1A060];
	v9 =	vand.u32 $0x7FFFFFFF, v9  }
0x20a: {  	v18 =	vor.u32 v1, v18;
	v19 =	vshll.u32 v19, $0x4;
	v9 =	vadd.f32 v9, v12;
	[tilespmem:v6+s22+$0x0] =	vst.idx.add.f32.msk $0xffff, v4  }
0x20b: {  	v4 =	vmov v8;
	v12 =	vor.u32 v1, v19;
	v17 =	vshll.u32 v17, $0x4;
	[tilespmem:v6+s23+$0x0] =	vst.idx.add.f32.msk $0xffff, v2  }
0x20c: {  	v8 =	vor.u32 v1, v17;
	v6 =	vshll.u32 v11, $0x4;
	[tilespmem:v5+s22+$0x0] =	vst.idx.add.f32.msk $0xffff, v3;
	v3 =	vmov v9  }
0x20d: {  	v9 =	vor.u32 v1, v6;
	v6 =	vshll.u32 v21, $0x4;
	[tilespmem:v5+s23+$0x0] =	vst.idx.add.f32.msk $0xffff, v2  }
0x20e: {  	[tilespmem:v14+s22+$0x0] =	vst.idx.add.f32.msk $0xffff, v13;
	v6 =	vor.u32 v1, v6;
	v5 =	vshll.u32 v20, $0x4  }
0x20f: {  	[tilespmem:v14+s23+$0x0] =	vst.idx.add.f32.msk $0xffff, v2;
	v5 =	vor.u32 v1, v5  }
.Ltmp1:
0x210: {  	[tilespmem:v18+s22+$0x0] =	vst.idx.add.f32.msk $0xffff, v16;
	(pc) =	sbr.rel @p0 .LBB2_5-.Ltmp1, $4  }
0x211: {  	[tilespmem:v18+s23+$0x0] =	vst.idx.add.f32.msk $0xffff, v2  }
0x212: {  	[tilespmem:v12+s22+$0x0] =	vst.idx.add.f32.msk $0xffff, v15  }
0x213: {  	[tilespmem:v12+s23+$0x0] =	vst.idx.add.f32.msk $0xffff, v2  }
0x214: {  	s15 =	sadd.s32 $0x400, s15;
	s16 =	sadd.s32 $0x80, s16;
	[tilespmem:v8+s22+$0x0] =	vst.idx.add.f32.msk $0xffff, v10  }
0x215: {  	_ =	sdelay $0x3  }
0x216: {  	[tilespmem:v8+s23+$0x0] =	vst.idx.add.f32.msk $0xffff, v2;
	s12 =	sadd.s32 $0x1, s12  }
0x217: {  	[tilespmem:v9+s22+$0x0] =	vst.idx.add.f32.msk $0xffff, v7;
	p0 =	sne.s32 s12, $0x8  }
.Ltmp2:
0x218: {  	[tilespmem:v6+s22+$0x0] =	vst.idx.add.f32.msk $0xffff, v4;
	(pc) =	sbr.rel @p0 .LBB2_2-.Ltmp2, $4  }
0x219: {  	[tilespmem:v5+s22+$0x0] =	vst.idx.add.f32.msk $0xffff, v3  }
0x21a: {  	[tilespmem:v9+s23+$0x0] =	vst.idx.add.f32.msk $0xffff, v2  }
0x21b: {  	[tilespmem:v6+s23+$0x0] =	vst.idx.add.f32.msk $0xffff, v2  }
0x21c: {  	[tilespmem:v5+s23+$0x0] =	vst.idx.add.f32.msk $0xffff, v2  }
0x21d: {  	s12 =	rddreg [dreg:$0xc]  }
0x21e: {  	[hbm4b:s12+s25] =	stream.strided.scatter [tilespmem:s22], [sflag:$0x3], $0x400, s26, s25, $0x38;
	[tilespmem:$0x1C800] =	vst v63  }
0x21f: {  	_ =	swait.ge [sflag:s9], $0x400  }
0x220: {  	[sflag:s9] =	ssyncset.done $0x0  }
0x221: {  	s19 =	rddreg [dreg:$0xd];
	[sflag:s9] =	ssyncadd.s32 $0xFFFFFC00  }
0x222: {  	[hbm4b:s19+s25] =	stream.strided.scatter [tilespmem:s23], [sflag:$0x3], $0x400, s26, s25, $0x38;
	[tilespmem:$0x1C800] =	vst v63  }
0x223: {  	_ =	swait.ge [sflag:s9], $0x400  }
0x224: {  	s10 =	sadd.s32 $0x1, s10;
	s20 =	rddreg [dreg:$0xe]  }
0x225: {  	p0 =	sne.s32 s10, s20  }
.Ltmp3:
0x226: {  	_ = 	snop;
	(pc) =	sbr.rel @p0 .LBB2_1-.Ltmp3, $3  }
0x227: {  	_ =	sdelay $0x1  }
0x228: {  	[sflag:s9] =	ssyncset.done $0x0  }
0x229: {  	[sflag:s9] =	ssyncadd.s32 $0xFFFFFC00  }
0x22a: {  	_ =	sfence.sel $0x180000  }
0x22b: {  	[bflag:$0x0] =	sbarrier.arrive $0xFFFF  }
0x22c: {  	_ =	strace $0x90000047  }
0x22d: {  	s0 =	stileid.u32;
	[bflag:$0x2] =	sbarrier.arrive $0xFFFF  }
0x22e: {  	p0 =	sne.s32 s0, $0x0;
	s0 =	rddreg [dreg:$0x4]  }
0x22f: {  	s0 =	sadd.s32 @!p0 $0x100000, s0  }
0x230: {  	[sflag:s0] =	ssyncadd.tile.s32 @!p0 $0x1;
	_ =	shalt  }
.Lfunc_end2:
_tile_overlayer_lowered:
.L_overlay_start_2:
0x231: {  	(tag) =	ssettag $0x2  }
0x232: {  	s0 =	rddreg [dreg:$0x0];
	s2 =	stileid.u32  }
0x233: {  	s1 =	rddreg [dreg:$0x1];
	p0 =	sne.s32 s2, $0x0  }
0x234: {  	s3 =	rddreg [dreg:$0x2];
	[bflag:$0x3] =	sbarrier.arrive $0xFFFF;
	s2 =	simm.s32 @!p0 $0x1C03  }
0x235: {  	[timem:s3], [sflag:s2] =	dma.local @!p0 [hbm:s0], s1  }
0x236: {  	s0 =	simm.s32 @!p0 $0x3  }
0x237: {  	_ =	swait.ge @!p0 [sflag:s0], s1  }
0x238: {  	s1 =	ssub.s32 @!p0 $0x0, s1;
	[sflag:s0] =	ssyncset.done @!p0 $0x0  }
0x239: {  	[sflag:s0] =	ssyncadd.s32 @!p0 s1  }
0x23a: {  	[bflag:$0x3] =	sbarrier.arrive $0xFFFF  }
0x23b: {  	_ =	shalt  }

</sc_bundles>
